<compile_context>
chip_gen: v7x
topology: tpu7x:2x2x1
jax: 0.10.2.dev20260603
libtpu: 0.0.44.dev20260713+nightly
codegen_flags: <defaults>
</compile_context>

<pallas_src>
import dataclasses
import functools

import jax
import jax.numpy as jnp
from jax import lax
from jax.experimental import pallas as pl
from jax.experimental.pallas import tpu as pltpu
from jax.experimental.pallas import tpu_sc as plsc

N = 10000
E = 320000
H = 128

NC = 2
NS = 16
NW = NC * NS
EPT = E // NW
C = 80
NCH = EPT // C
RPT = 624
TAIL = N - NS * RPT

C2 = 128
NCH2 = 79
EPT2 = NCH2 * C2
EPAD = NW * EPT2
NP = N + 8

_MESH = plsc.VectorSubcoreMesh(
    core_axis_name="c", subcore_axis_name="s", num_cores=NC, num_subcores=NS
)

_SC_PARAMS = pltpu.CompilerParams()
if "needs_layout_passes" in pltpu.CompilerParams.__dataclass_fields__:
    _SC_PARAMS = dataclasses.replace(_SC_PARAMS, needs_layout_passes=False)



@functools.partial(
    pl.kernel,
    out_type=jax.ShapeDtypeStruct((NW, 2, N), jnp.float32),
    mesh=_MESH,
    scratch_types=[
        pltpu.VMEM((N,), jnp.float32),
        pltpu.VMEM((N,), jnp.float32),
        pltpu.VMEM((NCH, C), jnp.int32),
        pltpu.VMEM((NCH, C), jnp.int32),
    ],
    compiler_params=_SC_PARAMS,
)
def _deg_kernel(ei_hbm, out_hbm, dout_v, din_v, si_v, di_v):
    wid = lax.axis_index("s") * NC + lax.axis_index("c")

    pltpu.sync_copy(ei_hbm.at[0, wid], si_v)
    pltpu.sync_copy(ei_hbm.at[1, wid], di_v)

    @pl.loop(0, N, step=16)
    def _(i):
        z = jnp.zeros((16,), jnp.float32)
        dout_v[pl.ds(i, 16)] = z
        din_v[pl.ds(i, 16)] = z

    @pl.loop(0, NCH)
    def _(k):
        @pl.loop(0, C, step=16)
        def _(j):
            ones = jnp.ones((16,), jnp.float32)
            plsc.addupdate_scatter(dout_v, [si_v[k, pl.ds(j, 16)]], ones)
            plsc.addupdate_scatter(din_v, [di_v[k, pl.ds(j, 16)]], ones)

    pltpu.sync_copy(dout_v, out_hbm.at[wid, 0])
    pltpu.sync_copy(din_v, out_hbm.at[wid, 1])


@functools.partial(
    pl.kernel,
    out_type=jax.ShapeDtypeStruct((NW, N), jnp.float32),
    mesh=_MESH,
    scratch_types=[
        pltpu.VMEM((N,), jnp.float32),
        pltpu.VMEM((N,), jnp.float32),
        pltpu.VMEM((NCH, C), jnp.int32),
        pltpu.VMEM((NCH, C), jnp.int32),
    ],
    compiler_params=_SC_PARAMS,
)
def _cvec_kernel(ei_hbm, norms_hbm, out_hbm, nin_v, c_v, si_v, di_v):
    wid = lax.axis_index("s") * NC + lax.axis_index("c")
    pltpu.sync_copy(norms_hbm.at[1], nin_v)
    pltpu.sync_copy(ei_hbm.at[0, wid], si_v)
    pltpu.sync_copy(ei_hbm.at[1, wid], di_v)

    @pl.loop(0, N, step=16)
    def _(i):
        c_v[pl.ds(i, 16)] = jnp.zeros((16,), jnp.float32)

    @pl.loop(0, NCH)
    def _(k):
        @pl.loop(0, C, step=16)
        def _(j):
            vals = plsc.load_gather(nin_v, [di_v[k, pl.ds(j, 16)]])
            plsc.addupdate_scatter(c_v, [si_v[k, pl.ds(j, 16)]], vals)

    pltpu.sync_copy(c_v, out_hbm.at[wid])


@functools.partial(
    pl.kernel,
    out_type=jax.ShapeDtypeStruct((NC, N, H), jnp.float32),
    mesh=_MESH,
    scratch_types=[
        pltpu.VMEM_SHARED((N, H), jnp.float32),
        pltpu.VMEM((EPT2,), jnp.int32),
        pltpu.VMEM((1, C2), jnp.int32),
        pltpu.VMEM((1, C2), jnp.int32),
        pltpu.VMEM((C2, H), jnp.float32),
        pltpu.VMEM((C2, H), jnp.float32),
        pltpu.SemaphoreType.DMA,
        pltpu.SemaphoreType.DMA,
        pltpu.SemaphoreType.DMA,
        pltpu.SemaphoreType.DMA,
    ],
)
def _agg_kernel(h_hbm, eis_hbm, eid_hbm, out_hbm, acc_s, si_v, di_a, di_b,
                rows_a, rows_b, sem_ga, sem_gb, sem_ia, sem_ib):
    cid = lax.axis_index("c")
    sid = lax.axis_index("s")
    wid = sid * NC + cid

    pltpu.async_copy(eis_hbm.at[wid], si_v, sem_ga)

    @pl.loop(0, C2)
    def _(r):
        @pl.loop(0, H, step=16)
        def _(h):
            rows_b[r, pl.ds(h, 16)] = jnp.zeros((16,), jnp.float32)

    @pl.loop(0, 4 * C2, step=C2)
    def _(z):
        pltpu.sync_copy(rows_b, acc_s.at[pl.ds(sid * RPT + z, C2)])

    pltpu.sync_copy(
        rows_b.at[pl.ds(0, RPT - 4 * C2)],
        acc_s.at[pl.ds(sid * RPT + 4 * C2, RPT - 4 * C2)],
    )

    @pl.when(sid == NS - 1)
    def _():
        pltpu.sync_copy(rows_b.at[pl.ds(0, TAIL)], acc_s.at[pl.ds(NS * RPT, TAIL)])

    pltpu.make_async_copy(eis_hbm.at[wid], si_v, sem_ga).wait()
    pltpu.async_copy(h_hbm.at[si_v.at[pl.ds(0, C2)]], rows_a, sem_ga)
    pltpu.async_copy(eid_hbm.at[wid, 0], di_a, sem_ia)

    plsc.subcore_barrier()

    @pl.loop(0, NCH2 - 1, step=2)
    def _(k):
        pltpu.async_copy(h_hbm.at[si_v.at[pl.ds((k + 1) * C2, C2)]], rows_b, sem_gb)
        pltpu.async_copy(eid_hbm.at[wid, k + 1], di_b, sem_ib)
        pltpu.make_async_copy(h_hbm.at[si_v.at[pl.ds(k * C2, C2)]], rows_a, sem_ga).wait()
        pltpu.make_async_copy(eid_hbm.at[wid, k], di_a, sem_ia).wait()
        pltpu.sync_copy(rows_a, acc_s.at[di_a.at[0]], add=True)
        pltpu.async_copy(h_hbm.at[si_v.at[pl.ds((k + 2) * C2, C2)]], rows_a, sem_ga)
        pltpu.async_copy(eid_hbm.at[wid, k + 2], di_a, sem_ia)
        pltpu.make_async_copy(h_hbm.at[si_v.at[pl.ds((k + 1) * C2, C2)]], rows_b, sem_gb).wait()
        pltpu.make_async_copy(eid_hbm.at[wid, k + 1], di_b, sem_ib).wait()
        pltpu.sync_copy(rows_b, acc_s.at[di_b.at[0]], add=True)

    pltpu.make_async_copy(h_hbm.at[si_v.at[pl.ds((NCH2 - 1) * C2, C2)]], rows_a, sem_ga).wait()
    pltpu.make_async_copy(eid_hbm.at[wid, NCH2 - 1], di_a, sem_ia).wait()
    pltpu.sync_copy(rows_a, acc_s.at[di_a.at[0]], add=True)

    plsc.subcore_barrier()
    pltpu.sync_copy(
        acc_s.at[pl.ds(sid * RPT, RPT)], out_hbm.at[cid, pl.ds(sid * RPT, RPT)]
    )

    @pl.when(sid == NS - 1)
    def _():
        pltpu.sync_copy(
            acc_s.at[pl.ds(NS * RPT, TAIL)], out_hbm.at[cid, pl.ds(NS * RPT, TAIL)]
        )



def _prep_body(deg_ref, x_ref, w1_ref, norms_ref, h1_ref):
    deg = jnp.sum(deg_ref[...], axis=0)
    norms = jnp.where(deg > 0, lax.rsqrt(jnp.maximum(deg, 1.0)), 0.0)
    norms_ref[...] = norms
    h = x_ref[...] * norms[0][:, None]
    h1_ref[:N] = jnp.dot(h, w1_ref[...], preferred_element_type=jnp.float32)
    h1_ref[N:] = jnp.zeros((NP - N, H), jnp.float32)


def _epi_body(agg_ref, norms_ref, b_ref, w_ref, h_ref):
    ni = norms_ref[1][:, None]
    x = jnp.maximum(
        (agg_ref[0] + agg_ref[1]) * ni + b_ref[...][None, :], 0.0
    )
    h_ref[:N] = jnp.dot(
        x * norms_ref[0][:, None], w_ref[...], preferred_element_type=jnp.float32
    )
    h_ref[N:] = jnp.zeros((NP - N, H), jnp.float32)


def _fin_body(agg_ref, norms_ref, b2_ref, cp_ref, w3_ref, b3_ref, out_ref):
    ni = norms_ref[1][:, None]
    x3 = jnp.maximum(
        (agg_ref[0] + agg_ref[1]) * ni + b2_ref[...][None, :], 0.0
    )
    c = jnp.sum(cp_ref[...], axis=0)
    cn = (c * norms_ref[0])[None, :]
    t = jnp.dot(cn, x3, preferred_element_type=jnp.float32)
    out_ref[...] = (
        jnp.dot(t, w3_ref[...], preferred_element_type=jnp.float32) / N
        + b3_ref[...][None, :]
    )


def kernel(features, edge_index, W1, b1, W2, b2, W3, b3):
    ei = edge_index.reshape(2, NW, NCH, C)
    padt = EPT2 - EPT
    pad_s = N + jnp.arange(NW * padt, dtype=jnp.int32) % (NP - N)
    pad_d = jnp.arange(NW * padt, dtype=jnp.int32)
    eis = jnp.concatenate(
        [edge_index[0].reshape(NW, EPT), pad_s.reshape(NW, padt)], axis=1
    ).reshape(NW, EPT2)
    eid = jnp.concatenate(
        [edge_index[1].reshape(NW, EPT), pad_d.reshape(NW, padt)], axis=1
    ).reshape(NW, NCH2, 1, C2)

    degp = _deg_kernel(ei)

    norms, h1 = pl.pallas_call(
        _prep_body,
        out_shape=[
            jax.ShapeDtypeStruct((2, N), jnp.float32),
            jax.ShapeDtypeStruct((NP, H), jnp.float32),
        ],
    )(degp, features, W1)

    cpart = _cvec_kernel(ei, norms)

    agg1 = _agg_kernel(h1, eis, eid)

    h2 = pl.pallas_call(
        _epi_body,
        out_shape=jax.ShapeDtypeStruct((NP, H), jnp.float32),
    )(agg1, norms, b1, W2)

    agg2 = _agg_kernel(h2, eis, eid)

    pooled = pl.pallas_call(
        _fin_body,
        out_shape=jax.ShapeDtypeStruct((1, 1), jnp.float32),
    )(agg2, norms, b2, cpart, W3, b3)

    return pooled

# --- scband reference (transcript-rebuilt; emitter-appended) ---
"""Pipeline reference for scband-gcn-37847251812697 (READ-ONLY COPY).

The authoritative reference and input builder live on the scoring server;
editing this copy changes nothing except your own understanding.
"""

import jax, jax.numpy as jnp
import numpy as np

N = 10000
E = 320000
D = 128
H = 128
O = 1


def setup_inputs(seed: int = 0) -> dict:
    key = jax.random.key(seed)
    k1, k2, k3, k4, k5 = jax.random.split(key, 5)
    features = jax.random.normal(k1, (N, D), dtype=jnp.float32)
    edge_index = jax.random.randint(k2, (2, E), 0, N, dtype=jnp.int32)
    W1 = jax.random.normal(k3, (D, H), dtype=jnp.float32) * (1.0 / np.sqrt(D))
    b1 = jnp.zeros((H,), dtype=jnp.float32)
    W2 = jax.random.normal(k4, (H, H), dtype=jnp.float32) * (1.0 / np.sqrt(H))
    b2 = jnp.zeros((H,), dtype=jnp.float32)
    W3 = jax.random.normal(k5, (H, O), dtype=jnp.float32) * (1.0 / np.sqrt(H))
    b3 = jnp.zeros((O,), dtype=jnp.float32)
    return {"features": features, "edge_index": edge_index,
            "W1": W1, "b1": b1, "W2": W2, "b2": b2, "W3": W3, "b3": b3}


def _graph_conv(x, W, b, src, dst):
    # DGL GraphConv with norm='both':
    # h = D_in^{-1/2} * A^T * (D_out^{-1/2} * x) * W + b
    ones = jnp.ones((E,), dtype=jnp.float32)
    deg_out = jax.ops.segment_sum(ones, src, num_segments=N)
    deg_in = jax.ops.segment_sum(ones, dst, num_segments=N)
    norm_out = jnp.where(deg_out > 0, jax.lax.rsqrt(jnp.maximum(deg_out, 1.0)), 0.0)
    norm_in = jnp.where(deg_in > 0, jax.lax.rsqrt(jnp.maximum(deg_in, 1.0)), 0.0)
    h = x * norm_out[:, None]
    # apply weight first when in_feats >= out_feats (DGL optimization; same math)
    h = h @ W
    msg = h[src]
    agg = jax.ops.segment_sum(msg, dst, num_segments=N)
    agg = agg * norm_in[:, None]
    return agg + b


def reference(features, edge_index, W1, b1, W2, b2, W3, b3):
    src = edge_index[0]
    dst = edge_index[1]
    x = features
    x = jax.nn.relu(_graph_conv(x, W1, b1, src, dst))
    x = jax.nn.relu(_graph_conv(x, W2, b2, src, dst))
    x = _graph_conv(x, W3, b3, src, dst)
    # dgl.mean_nodes over a single graph -> [1, out_feats]
    pooled = jnp.mean(x, axis=0, keepdims=True)
    return pooled

if __name__ == "__main__":
    import jax
    _d = setup_inputs()
    print(jax.jit(kernel)(*tuple(_d.values())))

</pallas_src>

<mosaic_0001>
#map = affine_map<(d0, d1) -> (0, 0)>
#map1 = affine_map<(d0, d1) -> (0, 0, 0, 0)>
#map2 = affine_map<(d0, d1) -> (0, 0, 0)>
module attributes {stable_mosaic.version = 14 : i64} {
  func.func @_agg_kernel(%arg0: i32, %arg1: i32, %arg2: memref<10008x128xf32, #tpu.memory_space<hbm>>, %arg3: memref<32x10112xi32, #tpu.memory_space<hbm>>, %arg4: memref<32x79x1x128xi32, #tpu.memory_space<hbm>>, %arg5: memref<2x10000x128xf32, #tpu.memory_space<hbm>>, %arg6: memref<10000x128xf32, #tpu.memory_space<vmem_shared>>, %arg7: memref<10112xi32, #tpu.memory_space<vmem>>, %arg8: memref<1x128xi32, #tpu.memory_space<vmem>>, %arg9: memref<1x128xi32, #tpu.memory_space<vmem>>, %arg10: memref<128x128xf32, #tpu.memory_space<vmem>>, %arg11: memref<128x128xf32, #tpu.memory_space<vmem>>, %arg12: memref<!tpu.dma_semaphore, #tpu.memory_space<semaphore_mem>>, %arg13: memref<!tpu.dma_semaphore, #tpu.memory_space<semaphore_mem>>, %arg14: memref<!tpu.dma_semaphore, #tpu.memory_space<semaphore_mem>>, %arg15: memref<!tpu.dma_semaphore, #tpu.memory_space<semaphore_mem>>) attributes {dimension_semantics = [#tpu.dimension_semantics<core_parallel>, #tpu.dimension_semantics<subcore_parallel>], iteration_bounds = array<i64: 2, 16>, scalar_prefetch = 0 : i64, scratch_operands = 10 : i64, tpu.core_type = #tpu.core_type<sc_vector_subcore>, window_params = [{transform_indices = #map}, {transform_indices = #map}, {transform_indices = #map1}, {transform_indices = #map2}]} {
    %mul3A = arith.constant 2 : i32
    %mul3A_0 = arith.muli %arg1, %mul3A : i32
    %add3A = arith.addi %mul3A_0, %arg0 : i32
    %dma_start3A = arith.constant 0 : i32
    %dma_start3A_1 = tpu.memref_slice %arg3[%add3A, %dma_start3A] : memref<32x10112xi32, #tpu.memory_space<hbm>> -> memref<1x10112xi32, #tpu.memory_space<hbm>>
    %dma_start3A_2 = tpu.memref_squeeze %dma_start3A_1 : memref<1x10112xi32, #tpu.memory_space<hbm>> -> memref<10112xi32, #tpu.memory_space<hbm>>
    %dma_start3A_3 = arith.constant 0 : i32
    %dma_start3A_4 = tpu.memref_slice %arg3[%add3A, %dma_start3A_3] : memref<32x10112xi32, #tpu.memory_space<hbm>> -> memref<1x10112xi32, #tpu.memory_space<hbm>>
    %dma_start3A_5 = tpu.memref_squeeze %dma_start3A_4 : memref<1x10112xi32, #tpu.memory_space<hbm>> -> memref<10112xi32, #tpu.memory_space<hbm>>
    tpu.enqueue_dma source(%dma_start3A_5 : memref<10112xi32, #tpu.memory_space<hbm>>) target(%arg7 : memref<10112xi32, #tpu.memory_space<vmem>>) target_semaphore(%arg12 : memref<!tpu.dma_semaphore, #tpu.memory_space<semaphore_mem>>)
    %scan3A = arith.constant 0 : i32
    %scan3A_6 = arith.constant 128 : i32
    %scan3A_7 = arith.addi %scan3A, %scan3A_6 : i32
    %scan3A_8 = arith.constant 1 : i32
    scf.for %scan3A_69 = %scan3A to %scan3A_7 step %scan3A_8  : i32 {
      %mul3A_70 = arith.constant 1 : i32
      %mul3A_71 = arith.muli %scan3A_69, %mul3A_70 : i32
      %add3A_72 = arith.constant 0 : i32
      %add3A_73 = arith.addi %add3A_72, %mul3A_71 : i32
      %scan3A_74 = arith.constant 0 : i32
      %scan3A_75 = arith.constant 8 : i32
      %scan3A_76 = arith.addi %scan3A_74, %scan3A_75 : i32
      %scan3A_77 = arith.constant 1 : i32
      scf.for %scan3A_79 = %scan3A_74 to %scan3A_76 step %scan3A_77  : i32 {
        %mul3A_80 = arith.constant 16 : i32
        %mul3A_81 = arith.muli %scan3A_79, %mul3A_80 : i32
        %add3A_82 = arith.constant 0 : i32
        %add3A_83 = arith.addi %add3A_82, %mul3A_81 : i32
        %broadcast_in_dim3A = arith.constant 0.000000e+00 : f32
        %broadcast_in_dim3A_84 = vector.broadcast %broadcast_in_dim3A : f32 to vector<16xf32>
        %swap3A = arith.index_cast %add3A_73 : i32 to index
        %swap3A_85 = arith.index_cast %add3A_83 : i32 to index
        %swap3A_86 = tpu.vector_load %arg11[%swap3A, %swap3A_85] {strides = array<i32>} : memref<128x128xf32, #tpu.memory_space<vmem>>, vector<1x16xf32>,
        %swap3A_87 = vector.shape_cast %swap3A_86 : vector<1x16xf32> to vector<16xf32>
        %swap3A_88 = vector.shape_cast %broadcast_in_dim3A_84 : vector<16xf32> to vector<1x16xf32>
        tpu.vector_store %arg11[%swap3A, %swap3A_85], %swap3A_88 {strides = array<i32>} : memref<128x128xf32, #tpu.memory_space<vmem>>, vector<1x16xf32>,
      }
      %scan3A_78 = arith.constant 8 : i32
    }
    %scan3A_9 = arith.constant 128 : i32
    %scan3A_10 = arith.constant 0 : i32
    %scan3A_11 = arith.constant 4 : i32
    %scan3A_12 = arith.addi %scan3A_10, %scan3A_11 : i32
    %scan3A_13 = arith.constant 1 : i32
    scf.for %scan3A_69 = %scan3A_10 to %scan3A_12 step %scan3A_13  : i32 {
      %mul3A_70 = arith.constant 128 : i32
      %mul3A_71 = arith.muli %scan3A_69, %mul3A_70 : i32
      %add3A_72 = arith.constant 0 : i32
      %add3A_73 = arith.addi %add3A_72, %mul3A_71 : i32
      %mul3A_74 = arith.constant 624 : i32
      %mul3A_75 = arith.muli %arg1, %mul3A_74 : i32
      %add3A_76 = arith.addi %mul3A_75, %add3A_73 : i32
      "tpu.region"() ({
        %run_scoped3A_77 = tpu.sem_alloc : memref<!tpu.dma_semaphore, #tpu.memory_space<semaphore_mem>>
        %dma_start3A_78 = arith.constant 0 : i32
        %dma_start3A_79 = tpu.memref_slice %arg6[%add3A_76, %dma_start3A_78] : memref<10000x128xf32, #tpu.memory_space<vmem_shared>> -> memref<128x128xf32, #tpu.memory_space<vmem_shared>>
        %dma_start3A_80 = arith.constant 0 : i32
        %dma_start3A_81 = tpu.memref_slice %arg6[%add3A_76, %dma_start3A_80] : memref<10000x128xf32, #tpu.memory_space<vmem_shared>> -> memref<128x128xf32, #tpu.memory_space<vmem_shared>>
        tpu.enqueue_dma source(%arg11 : memref<128x128xf32, #tpu.memory_space<vmem>>) target(%dma_start3A_81 : memref<128x128xf32, #tpu.memory_space<vmem_shared>>) target_semaphore(%run_scoped3A_77 : memref<!tpu.dma_semaphore, #tpu.memory_space<semaphore_mem>>)
        %dma_wait3A_82 = arith.constant 0 : i32
        %dma_wait3A_83 = tpu.memref_slice %arg6[%add3A_76, %dma_wait3A_82] : memref<10000x128xf32, #tpu.memory_space<vmem_shared>> -> memref<128x128xf32, #tpu.memory_space<vmem_shared>>
        %dma_wait3A_84 = arith.constant 0 : i32
        %dma_wait3A_85 = tpu.memref_slice %arg6[%add3A_76, %dma_wait3A_84] : memref<10000x128xf32, #tpu.memory_space<vmem_shared>> -> memref<128x128xf32, #tpu.memory_space<vmem_shared>>
        tpu.wait_dma2 semaphore(%run_scoped3A_77 : memref<!tpu.dma_semaphore, #tpu.memory_space<semaphore_mem>>) src(%arg11 : memref<128x128xf32, #tpu.memory_space<vmem>>) dst(%dma_wait3A_85 : memref<128x128xf32, #tpu.memory_space<vmem_shared>>)
        tpu.yield
      }) : () -> ()
    }
    %scan3A_14 = arith.constant 4 : i32
    %mul3A_15 = arith.constant 624 : i32
    %mul3A_16 = arith.muli %arg1, %mul3A_15 : i32
    %add3A_17 = arith.constant 512 : i32
    %add3A_18 = arith.addi %mul3A_16, %add3A_17 : i32
    "tpu.region"() ({
      %run_scoped3A_69 = tpu.sem_alloc : memref<!tpu.dma_semaphore, #tpu.memory_space<semaphore_mem>>
      %dma_start3A_70 = arith.constant 0 : i32
      %dma_start3A_71 = arith.constant 0 : i32
      %dma_start3A_72 = tpu.memref_slice %arg11[%dma_start3A_70, %dma_start3A_71] : memref<128x128xf32, #tpu.memory_space<vmem>> -> memref<112x128xf32, #tpu.memory_space<vmem>>
      %dma_start3A_73 = arith.constant 0 : i32
      %dma_start3A_74 = tpu.memref_slice %arg6[%add3A_18, %dma_start3A_73] : memref<10000x128xf32, #tpu.memory_space<vmem_shared>> -> memref<112x128xf32, #tpu.memory_space<vmem_shared>>
      %dma_start3A_75 = arith.constant 0 : i32
      %dma_start3A_76 = tpu.memref_slice %arg6[%add3A_18, %dma_start3A_75] : memref<10000x128xf32, #tpu.memory_space<vmem_shared>> -> memref<112x128xf32, #tpu.memory_space<vmem_shared>>
      %dma_start3A_77 = arith.constant 0 : i32
      %dma_start3A_78 = arith.constant 0 : i32
      %dma_start3A_79 = tpu.memref_slice %arg11[%dma_start3A_77, %dma_start3A_78] : memref<128x128xf32, #tpu.memory_space<vmem>> -> memref<112x128xf32, #tpu.memory_space<vmem>>
      tpu.enqueue_dma source(%dma_start3A_79 : memref<112x128xf32, #tpu.memory_space<vmem>>) target(%dma_start3A_76 : memref<112x128xf32, #tpu.memory_space<vmem_shared>>) target_semaphore(%run_scoped3A_69 : memref<!tpu.dma_semaphore, #tpu.memory_space<semaphore_mem>>)
      %dma_wait3A_80 = arith.constant 0 : i32
      %dma_wait3A_81 = arith.constant 0 : i32
      %dma_wait3A_82 = tpu.memref_slice %arg11[%dma_wait3A_80, %dma_wait3A_81] : memref<128x128xf32, #tpu.memory_space<vmem>> -> memref<112x128xf32, #tpu.memory_space<vmem>>
      %dma_wait3A_83 = arith.constant 0 : i32
      %dma_wait3A_84 = tpu.memref_slice %arg6[%add3A_18, %dma_wait3A_83] : memref<10000x128xf32, #tpu.memory_space<vmem_shared>> -> memref<112x128xf32, #tpu.memory_space<vmem_shared>>
      %dma_wait3A_85 = arith.constant 0 : i32
      %dma_wait3A_86 = tpu.memref_slice %arg6[%add3A_18, %dma_wait3A_85] : memref<10000x128xf32, #tpu.memory_space<vmem_shared>> -> memref<112x128xf32, #tpu.memory_space<vmem_shared>>
      %dma_wait3A_87 = arith.constant 0 : i32
      %dma_wait3A_88 = arith.constant 0 : i32
      %dma_wait3A_89 = tpu.memref_slice %arg11[%dma_wait3A_87, %dma_wait3A_88] : memref<128x128xf32, #tpu.memory_space<vmem>> -> memref<112x128xf32, #tpu.memory_space<vmem>>
      tpu.wait_dma2 semaphore(%run_scoped3A_69 : memref<!tpu.dma_semaphore, #tpu.memory_space<semaphore_mem>>) src(%dma_wait3A_89 : memref<112x128xf32, #tpu.memory_space<vmem>>) dst(%dma_wait3A_86 : memref<112x128xf32, #tpu.memory_space<vmem_shared>>)
      tpu.yield
    }) : () -> ()
    %eq3A = arith.constant 15 : i32
    %eq3A_19 = arith.cmpi eq, %arg1, %eq3A : i32
    %convert_element_type3A = arith.extui %eq3A_19 : i1 to i32
    %cond3A = arith.constant 0 : i32
    %cond3A_20 = arith.cmpi ne, %convert_element_type3A, %cond3A : i32
    scf.if %cond3A_20 {
      "tpu.region"() ({
        %run_scoped3A_69 = tpu.sem_alloc : memref<!tpu.dma_semaphore, #tpu.memory_space<semaphore_mem>>
        %dma_start3A_70 = arith.constant 0 : i32
        %dma_start3A_71 = arith.constant 0 : i32
        %dma_start3A_72 = tpu.memref_slice %arg11[%dma_start3A_70, %dma_start3A_71] : memref<128x128xf32, #tpu.memory_space<vmem>> -> memref<16x128xf32, #tpu.memory_space<vmem>>
        %dma_start3A_73 = arith.constant 9984 : i32
        %dma_start3A_74 = arith.constant 0 : i32
        %dma_start3A_75 = tpu.memref_slice %arg6[%dma_start3A_73, %dma_start3A_74] : memref<10000x128xf32, #tpu.memory_space<vmem_shared>> -> memref<16x128xf32, #tpu.memory_space<vmem_shared>>
        %dma_start3A_76 = arith.constant 9984 : i32
        %dma_start3A_77 = arith.constant 0 : i32
        %dma_start3A_78 = tpu.memref_slice %arg6[%dma_start3A_76, %dma_start3A_77] : memref<10000x128xf32, #tpu.memory_space<vmem_shared>> -> memref<16x128xf32, #tpu.memory_space<vmem_shared>>
        %dma_start3A_79 = arith.constant 0 : i32
        %dma_start3A_80 = arith.constant 0 : i32
        %dma_start3A_81 = tpu.memref_slice %arg11[%dma_start3A_79, %dma_start3A_80] : memref<128x128xf32, #tpu.memory_space<vmem>> -> memref<16x128xf32, #tpu.memory_space<vmem>>
        tpu.enqueue_dma source(%dma_start3A_81 : memref<16x128xf32, #tpu.memory_space<vmem>>) target(%dma_start3A_78 : memref<16x128xf32, #tpu.memory_space<vmem_shared>>) target_semaphore(%run_scoped3A_69 : memref<!tpu.dma_semaphore, #tpu.memory_space<semaphore_mem>>)
        %dma_wait3A_82 = arith.constant 0 : i32
        %dma_wait3A_83 = arith.constant 0 : i32
        %dma_wait3A_84 = tpu.memref_slice %arg11[%dma_wait3A_82, %dma_wait3A_83] : memref<128x128xf32, #tpu.memory_space<vmem>> -> memref<16x128xf32, #tpu.memory_space<vmem>>
        %dma_wait3A_85 = arith.constant 9984 : i32
        %dma_wait3A_86 = arith.constant 0 : i32
        %dma_wait3A_87 = tpu.memref_slice %arg6[%dma_wait3A_85, %dma_wait3A_86] : memref<10000x128xf32, #tpu.memory_space<vmem_shared>> -> memref<16x128xf32, #tpu.memory_space<vmem_shared>>
        %dma_wait3A_88 = arith.constant 9984 : i32
        %dma_wait3A_89 = arith.constant 0 : i32
        %dma_wait3A_90 = tpu.memref_slice %arg6[%dma_wait3A_88, %dma_wait3A_89] : memref<10000x128xf32, #tpu.memory_space<vmem_shared>> -> memref<16x128xf32, #tpu.memory_space<vmem_shared>>
        %dma_wait3A_91 = arith.constant 0 : i32
        %dma_wait3A_92 = arith.constant 0 : i32
        %dma_wait3A_93 = tpu.memref_slice %arg11[%dma_wait3A_91, %dma_wait3A_92] : memref<128x128xf32, #tpu.memory_space<vmem>> -> memref<16x128xf32, #tpu.memory_space<vmem>>
        tpu.wait_dma2 semaphore(%run_scoped3A_69 : memref<!tpu.dma_semaphore, #tpu.memory_space<semaphore_mem>>) src(%dma_wait3A_93 : memref<16x128xf32, #tpu.memory_space<vmem>>) dst(%dma_wait3A_90 : memref<16x128xf32, #tpu.memory_space<vmem_shared>>)
        tpu.yield
      }) : () -> ()
    } else {
    }
    %dma_wait3A = arith.constant 0 : i32
    %dma_wait3A_21 = tpu.memref_slice %arg3[%add3A, %dma_wait3A] : memref<32x10112xi32, #tpu.memory_space<hbm>> -> memref<1x10112xi32, #tpu.memory_space<hbm>>
    %dma_wait3A_22 = tpu.memref_squeeze %dma_wait3A_21 : memref<1x10112xi32, #tpu.memory_space<hbm>> -> memref<10112xi32, #tpu.memory_space<hbm>>
    %dma_wait3A_23 = arith.constant 0 : i32
    %dma_wait3A_24 = tpu.memref_slice %arg3[%add3A, %dma_wait3A_23] : memref<32x10112xi32, #tpu.memory_space<hbm>> -> memref<1x10112xi32, #tpu.memory_space<hbm>>
    %dma_wait3A_25 = tpu.memref_squeeze %dma_wait3A_24 : memref<1x10112xi32, #tpu.memory_space<hbm>> -> memref<10112xi32, #tpu.memory_space<hbm>>
    tpu.wait_dma2 semaphore(%arg12 : memref<!tpu.dma_semaphore, #tpu.memory_space<semaphore_mem>>) src(%dma_wait3A_25 : memref<10112xi32, #tpu.memory_space<hbm>>) dst(%arg7 : memref<10112xi32, #tpu.memory_space<vmem>>)
    %dma_start3A_26 = arith.constant 0 : i32
    %dma_start3A_27 = tpu.memref_slice %arg7[%dma_start3A_26] : memref<10112xi32, #tpu.memory_space<vmem>> -> memref<128xi32, #tpu.memory_space<vmem>>
    %dma_start3A_28 = arith.constant 0 : i32
    %dma_start3A_29 = arith.constant 0 : i32
    %dma_start3A_30 = tpu.memref_slice %arg2[%dma_start3A_28, %dma_start3A_29] : memref<10008x128xf32, #tpu.memory_space<hbm>> -> memref<10008x128xf32, #tpu.memory_space<hbm>>
    tpu.enqueue_indirect_dma source(%dma_start3A_30 : memref<10008x128xf32, #tpu.memory_space<hbm>>) target(%arg10 : memref<128x128xf32, #tpu.memory_space<vmem>>) offsets(%dma_start3A_27 : memref<128xi32, #tpu.memory_space<vmem>>) semaphore(%arg12 : memref<!tpu.dma_semaphore, #tpu.memory_space<semaphore_mem>>)
    %dma_start3A_31 = arith.constant 0 : i32
    %dma_start3A_32 = arith.constant 0 : i32
    %dma_start3A_33 = arith.constant 0 : i32
    %dma_start3A_34 = tpu.memref_slice %arg4[%add3A, %dma_start3A_31, %dma_start3A_32, %dma_start3A_33] : memref<32x79x1x128xi32, #tpu.memory_space<hbm>> -> memref<1x1x1x128xi32, #tpu.memory_space<hbm>>
    %dma_start3A_35 = tpu.memref_squeeze %dma_start3A_34 : memref<1x1x1x128xi32, #tpu.memory_space<hbm>> -> memref<1x128xi32, #tpu.memory_space<hbm>>
    %dma_start3A_36 = arith.constant 0 : i32
    %dma_start3A_37 = arith.constant 0 : i32
    %dma_start3A_38 = tpu.memref_slice %arg4[%add3A, %dma_start3A_31, %dma_start3A_36, %dma_start3A_37] : memref<32x79x1x128xi32, #tpu.memory_space<hbm>> -> memref<1x1x1x128xi32, #tpu.memory_space<hbm>>
    %dma_start3A_39 = tpu.memref_squeeze %dma_start3A_38 : memref<1x1x1x128xi32, #tpu.memory_space<hbm>> -> memref<1x128xi32, #tpu.memory_space<hbm>>
    tpu.enqueue_dma source(%dma_start3A_39 : memref<1x128xi32, #tpu.memory_space<hbm>>) target(%arg8 : memref<1x128xi32, #tpu.memory_space<vmem>>) target_semaphore(%arg14 : memref<!tpu.dma_semaphore, #tpu.memory_space<semaphore_mem>>)
    %barrier3A = arith.constant 0 : index
    tpu.barrier barrier_id(%barrier3A)
    %scan3A_40 = arith.constant 0 : i32
    %scan3A_41 = arith.constant 39 : i32
    %scan3A_42 = arith.addi %scan3A_40, %scan3A_41 : i32
    %scan3A_43 = arith.constant 1 : i32
    scf.for %scan3A_69 = %scan3A_40 to %scan3A_42 step %scan3A_43  : i32 {
      %mul3A_70 = arith.constant 2 : i32
      %mul3A_71 = arith.muli %scan3A_69, %mul3A_70 : i32
      %add3A_72 = arith.constant 0 : i32
      %add3A_73 = arith.addi %add3A_72, %mul3A_71 : i32
      %add3A_74 = arith.constant 1 : i32
      %add3A_75 = arith.addi %add3A_73, %add3A_74 : i32
      %mul3A_76 = arith.constant 128 : i32
      %mul3A_77 = arith.muli %add3A_75, %mul3A_76 : i32
      %dma_start3A_78 = tpu.memref_slice %arg7[%mul3A_77] : memref<10112xi32, #tpu.memory_space<vmem>> -> memref<128xi32, #tpu.memory_space<vmem>>
      %dma_start3A_79 = arith.constant 0 : i32
      %dma_start3A_80 = arith.constant 0 : i32
      %dma_start3A_81 = tpu.memref_slice %arg2[%dma_start3A_79, %dma_start3A_80] : memref<10008x128xf32, #tpu.memory_space<hbm>> -> memref<10008x128xf32, #tpu.memory_space<hbm>>
      tpu.enqueue_indirect_dma source(%dma_start3A_81 : memref<10008x128xf32, #tpu.memory_space<hbm>>) target(%arg11 : memref<128x128xf32, #tpu.memory_space<vmem>>) offsets(%dma_start3A_78 : memref<128xi32, #tpu.memory_space<vmem>>) semaphore(%arg13 : memref<!tpu.dma_semaphore, #tpu.memory_space<semaphore_mem>>)
      %add3A_82 = arith.constant 1 : i32
      %add3A_83 = arith.addi %add3A_73, %add3A_82 : i32
      %dma_start3A_84 = arith.constant 0 : i32
      %dma_start3A_85 = arith.constant 0 : i32
      %dma_start3A_86 = tpu.memref_slice %arg4[%add3A, %add3A_83, %dma_start3A_84, %dma_start3A_85] : memref<32x79x1x128xi32, #tpu.memory_space<hbm>> -> memref<1x1x1x128xi32, #tpu.memory_space<hbm>>
      %dma_start3A_87 = tpu.memref_squeeze %dma_start3A_86 : memref<1x1x1x128xi32, #tpu.memory_space<hbm>> -> memref<1x128xi32, #tpu.memory_space<hbm>>
      %dma_start3A_88 = arith.constant 0 : i32
      %dma_start3A_89 = arith.constant 0 : i32
      %dma_start3A_90 = tpu.memref_slice %arg4[%add3A, %add3A_83, %dma_start3A_88, %dma_start3A_89] : memref<32x79x1x128xi32, #tpu.memory_space<hbm>> -> memref<1x1x1x128xi32, #tpu.memory_space<hbm>>
      %dma_start3A_91 = tpu.memref_squeeze %dma_start3A_90 : memref<1x1x1x128xi32, #tpu.memory_space<hbm>> -> memref<1x128xi32, #tpu.memory_space<hbm>>
      tpu.enqueue_dma source(%dma_start3A_91 : memref<1x128xi32, #tpu.memory_space<hbm>>) target(%arg9 : memref<1x128xi32, #tpu.memory_space<vmem>>) target_semaphore(%arg15 : memref<!tpu.dma_semaphore, #tpu.memory_space<semaphore_mem>>)
      %mul3A_92 = arith.constant 128 : i32
      %mul3A_93 = arith.muli %add3A_73, %mul3A_92 : i32
      %dma_wait3A_94 = tpu.memref_slice %arg7[%mul3A_93] : memref<10112xi32, #tpu.memory_space<vmem>> -> memref<128xi32, #tpu.memory_space<vmem>>
      %dma_wait3A_95 = arith.constant 0 : i32
      %dma_wait3A_96 = arith.constant 0 : i32
      %dma_wait3A_97 = tpu.memref_slice %arg2[%dma_wait3A_95, %dma_wait3A_96] : memref<10008x128xf32, #tpu.memory_space<hbm>> -> memref<10008x128xf32, #tpu.memory_space<hbm>>
      tpu.wait_indirect_dma semaphore(%arg12 : memref<!tpu.dma_semaphore, #tpu.memory_space<semaphore_mem>>) src(%dma_wait3A_97 : memref<10008x128xf32, #tpu.memory_space<hbm>>) dst(%arg10 : memref<128x128xf32, #tpu.memory_space<vmem>>)
      %dma_wait3A_98 = arith.constant 0 : i32
      %dma_wait3A_99 = arith.constant 0 : i32
      %dma_wait3A_100 = tpu.memref_slice %arg4[%add3A, %add3A_73, %dma_wait3A_98, %dma_wait3A_99] : memref<32x79x1x128xi32, #tpu.memory_space<hbm>> -> memref<1x1x1x128xi32, #tpu.memory_space<hbm>>
      %dma_wait3A_101 = tpu.memref_squeeze %dma_wait3A_100 : memref<1x1x1x128xi32, #tpu.memory_space<hbm>> -> memref<1x128xi32, #tpu.memory_space<hbm>>
      %dma_wait3A_102 = arith.constant 0 : i32
      %dma_wait3A_103 = arith.constant 0 : i32
      %dma_wait3A_104 = tpu.memref_slice %arg4[%add3A, %add3A_73, %dma_wait3A_102, %dma_wait3A_103] : memref<32x79x1x128xi32, #tpu.memory_space<hbm>> -> memref<1x1x1x128xi32, #tpu.memory_space<hbm>>
      %dma_wait3A_105 = tpu.memref_squeeze %dma_wait3A_104 : memref<1x1x1x128xi32, #tpu.memory_space<hbm>> -> memref<1x128xi32, #tpu.memory_space<hbm>>
      tpu.wait_dma2 semaphore(%arg14 : memref<!tpu.dma_semaphore, #tpu.memory_space<semaphore_mem>>) src(%dma_wait3A_105 : memref<1x128xi32, #tpu.memory_space<hbm>>) dst(%arg8 : memref<1x128xi32, #tpu.memory_space<vmem>>)
      %run_scoped3A_106 = arith.constant 0 : i32
      "tpu.region"() ({
        %run_scoped3A_144 = tpu.sem_alloc : memref<!tpu.dma_semaphore, #tpu.memory_space<semaphore_mem>>
        %dma_start3A_145 = arith.constant 0 : i32
        %dma_start3A_146 = tpu.memref_slice %arg8[%run_scoped3A_106, %dma_start3A_145] : memref<1x128xi32, #tpu.memory_space<vmem>> -> memref<1x128xi32, #tpu.memory_space<vmem>>
        %dma_start3A_147 = tpu.memref_squeeze %dma_start3A_146 : memref<1x128xi32, #tpu.memory_space<vmem>> -> memref<128xi32, #tpu.memory_space<vmem>>
        %dma_start3A_148 = arith.constant 0 : i32
        %dma_start3A_149 = arith.constant 0 : i32
        %dma_start3A_150 = tpu.memref_slice %arg6[%dma_start3A_148, %dma_start3A_149] : memref<10000x128xf32, #tpu.memory_space<vmem_shared>> -> memref<10000x128xf32, #tpu.memory_space<vmem_shared>>
        tpu.enqueue_indirect_dma source(%arg10 : memref<128x128xf32, #tpu.memory_space<vmem>>) target(%dma_start3A_150 : memref<10000x128xf32, #tpu.memory_space<vmem_shared>>) offsets(%dma_start3A_147 : memref<128xi32, #tpu.memory_space<vmem>>) semaphore(%run_scoped3A_144 : memref<!tpu.dma_semaphore, #tpu.memory_space<semaphore_mem>>) {add = true}
        %dma_wait3A_151 = arith.constant 0 : i32
        %dma_wait3A_152 = tpu.memref_slice %arg8[%run_scoped3A_106, %dma_wait3A_151] : memref<1x128xi32, #tpu.memory_space<vmem>> -> memref<1x128xi32, #tpu.memory_space<vmem>>
        %dma_wait3A_153 = tpu.memref_squeeze %dma_wait3A_152 : memref<1x128xi32, #tpu.memory_space<vmem>> -> memref<128xi32, #tpu.memory_space<vmem>>
        %dma_wait3A_154 = arith.constant 0 : i32
        %dma_wait3A_155 = arith.constant 0 : i32
        %dma_wait3A_156 = tpu.memref_slice %arg6[%dma_wait3A_154, %dma_wait3A_155] : memref<10000x128xf32, #tpu.memory_space<vmem_shared>> -> memref<10000x128xf32, #tpu.memory_space<vmem_shared>>
        tpu.wait_indirect_dma semaphore(%run_scoped3A_144 : memref<!tpu.dma_semaphore, #tpu.memory_space<semaphore_mem>>) src(%arg10 : memref<128x128xf32, #tpu.memory_space<vmem>>) dst(%dma_wait3A_156 : memref<10000x128xf32, #tpu.memory_space<vmem_shared>>)
        tpu.yield
      }) : () -> ()
      %add3A_107 = arith.constant 2 : i32
      %add3A_108 = arith.addi %add3A_73, %add3A_107 : i32
      %mul3A_109 = arith.constant 128 : i32
      %mul3A_110 = arith.muli %add3A_108, %mul3A_109 : i32
      %dma_start3A_111 = tpu.memref_slice %arg7[%mul3A_110] : memref<10112xi32, #tpu.memory_space<vmem>> -> memref<128xi32, #tpu.memory_space<vmem>>
      %dma_start3A_112 = arith.constant 0 : i32
      %dma_start3A_113 = arith.constant 0 : i32
      %dma_start3A_114 = tpu.memref_slice %arg2[%dma_start3A_112, %dma_start3A_113] : memref<10008x128xf32, #tpu.memory_space<hbm>> -> memref<10008x128xf32, #tpu.memory_space<hbm>>
      tpu.enqueue_indirect_dma source(%dma_start3A_114 : memref<10008x128xf32, #tpu.memory_space<hbm>>) target(%arg10 : memref<128x128xf32, #tpu.memory_space<vmem>>) offsets(%dma_start3A_111 : memref<128xi32, #tpu.memory_space<vmem>>) semaphore(%arg12 : memref<!tpu.dma_semaphore, #tpu.memory_space<semaphore_mem>>)
      %add3A_115 = arith.constant 2 : i32
      %add3A_116 = arith.addi %add3A_73, %add3A_115 : i32
      %dma_start3A_117 = arith.constant 0 : i32
      %dma_start3A_118 = arith.constant 0 : i32
      %dma_start3A_119 = tpu.memref_slice %arg4[%add3A, %add3A_116, %dma_start3A_117, %dma_start3A_118] : memref<32x79x1x128xi32, #tpu.memory_space<hbm>> -> memref<1x1x1x128xi32, #tpu.memory_space<hbm>>
      %dma_start3A_120 = tpu.memref_squeeze %dma_start3A_119 : memref<1x1x1x128xi32, #tpu.memory_space<hbm>> -> memref<1x128xi32, #tpu.memory_space<hbm>>
      %dma_start3A_121 = arith.constant 0 : i32
      %dma_start3A_122 = arith.constant 0 : i32
      %dma_start3A_123 = tpu.memref_slice %arg4[%add3A, %add3A_116, %dma_start3A_121, %dma_start3A_122] : memref<32x79x1x128xi32, #tpu.memory_space<hbm>> -> memref<1x1x1x128xi32, #tpu.memory_space<hbm>>
      %dma_start3A_124 = tpu.memref_squeeze %dma_start3A_123 : memref<1x1x1x128xi32, #tpu.memory_space<hbm>> -> memref<1x128xi32, #tpu.memory_space<hbm>>
      tpu.enqueue_dma source(%dma_start3A_124 : memref<1x128xi32, #tpu.memory_space<hbm>>) target(%arg8 : memref<1x128xi32, #tpu.memory_space<vmem>>) target_semaphore(%arg14 : memref<!tpu.dma_semaphore, #tpu.memory_space<semaphore_mem>>)
      %add3A_125 = arith.constant 1 : i32
      %add3A_126 = arith.addi %add3A_73, %add3A_125 : i32
      %mul3A_127 = arith.constant 128 : i32
      %mul3A_128 = arith.muli %add3A_126, %mul3A_127 : i32
      %dma_wait3A_129 = tpu.memref_slice %arg7[%mul3A_128] : memref<10112xi32, #tpu.memory_space<vmem>> -> memref<128xi32, #tpu.memory_space<vmem>>
      %dma_wait3A_130 = arith.constant 0 : i32
      %dma_wait3A_131 = arith.constant 0 : i32
      %dma_wait3A_132 = tpu.memref_slice %arg2[%dma_wait3A_130, %dma_wait3A_131] : memref<10008x128xf32, #tpu.memory_space<hbm>> -> memref<10008x128xf32, #tpu.memory_space<hbm>>
      tpu.wait_indirect_dma semaphore(%arg13 : memref<!tpu.dma_semaphore, #tpu.memory_space<semaphore_mem>>) src(%dma_wait3A_132 : memref<10008x128xf32, #tpu.memory_space<hbm>>) dst(%arg11 : memref<128x128xf32, #tpu.memory_space<vmem>>)
      %add3A_133 = arith.constant 1 : i32
      %add3A_134 = arith.addi %add3A_73, %add3A_133 : i32
      %dma_wait3A_135 = arith.constant 0 : i32
      %dma_wait3A_136 = arith.constant 0 : i32
      %dma_wait3A_137 = tpu.memref_slice %arg4[%add3A, %add3A_134, %dma_wait3A_135, %dma_wait3A_136] : memref<32x79x1x128xi32, #tpu.memory_space<hbm>> -> memref<1x1x1x128xi32, #tpu.memory_space<hbm>>
      %dma_wait3A_138 = tpu.memref_squeeze %dma_wait3A_137 : memref<1x1x1x128xi32, #tpu.memory_space<hbm>> -> memref<1x128xi32, #tpu.memory_space<hbm>>
      %dma_wait3A_139 = arith.constant 0 : i32
      %dma_wait3A_140 = arith.constant 0 : i32
      %dma_wait3A_141 = tpu.memref_slice %arg4[%add3A, %add3A_134, %dma_wait3A_139, %dma_wait3A_140] : memref<32x79x1x128xi32, #tpu.memory_space<hbm>> -> memref<1x1x1x128xi32, #tpu.memory_space<hbm>>
      %dma_wait3A_142 = tpu.memref_squeeze %dma_wait3A_141 : memref<1x1x1x128xi32, #tpu.memory_space<hbm>> -> memref<1x128xi32, #tpu.memory_space<hbm>>
      tpu.wait_dma2 semaphore(%arg15 : memref<!tpu.dma_semaphore, #tpu.memory_space<semaphore_mem>>) src(%dma_wait3A_142 : memref<1x128xi32, #tpu.memory_space<hbm>>) dst(%arg9 : memref<1x128xi32, #tpu.memory_space<vmem>>)
      %run_scoped3A_143 = arith.constant 0 : i32
      "tpu.region"() ({
        %run_scoped3A_144 = tpu.sem_alloc : memref<!tpu.dma_semaphore, #tpu.memory_space<semaphore_mem>>
        %dma_start3A_145 = arith.constant 0 : i32
        %dma_start3A_146 = tpu.memref_slice %arg9[%run_scoped3A_143, %dma_start3A_145] : memref<1x128xi32, #tpu.memory_space<vmem>> -> memref<1x128xi32, #tpu.memory_space<vmem>>
        %dma_start3A_147 = tpu.memref_squeeze %dma_start3A_146 : memref<1x128xi32, #tpu.memory_space<vmem>> -> memref<128xi32, #tpu.memory_space<vmem>>
        %dma_start3A_148 = arith.constant 0 : i32
        %dma_start3A_149 = arith.constant 0 : i32
        %dma_start3A_150 = tpu.memref_slice %arg6[%dma_start3A_148, %dma_start3A_149] : memref<10000x128xf32, #tpu.memory_space<vmem_shared>> -> memref<10000x128xf32, #tpu.memory_space<vmem_shared>>
        tpu.enqueue_indirect_dma source(%arg11 : memref<128x128xf32, #tpu.memory_space<vmem>>) target(%dma_start3A_150 : memref<10000x128xf32, #tpu.memory_space<vmem_shared>>) offsets(%dma_start3A_147 : memref<128xi32, #tpu.memory_space<vmem>>) semaphore(%run_scoped3A_144 : memref<!tpu.dma_semaphore, #tpu.memory_space<semaphore_mem>>) {add = true}
        %dma_wait3A_151 = arith.constant 0 : i32
        %dma_wait3A_152 = tpu.memref_slice %arg9[%run_scoped3A_143, %dma_wait3A_151] : memref<1x128xi32, #tpu.memory_space<vmem>> -> memref<1x128xi32, #tpu.memory_space<vmem>>
        %dma_wait3A_153 = tpu.memref_squeeze %dma_wait3A_152 : memref<1x128xi32, #tpu.memory_space<vmem>> -> memref<128xi32, #tpu.memory_space<vmem>>
        %dma_wait3A_154 = arith.constant 0 : i32
        %dma_wait3A_155 = arith.constant 0 : i32
        %dma_wait3A_156 = tpu.memref_slice %arg6[%dma_wait3A_154, %dma_wait3A_155] : memref<10000x128xf32, #tpu.memory_space<vmem_shared>> -> memref<10000x128xf32, #tpu.memory_space<vmem_shared>>
        tpu.wait_indirect_dma semaphore(%run_scoped3A_144 : memref<!tpu.dma_semaphore, #tpu.memory_space<semaphore_mem>>) src(%arg11 : memref<128x128xf32, #tpu.memory_space<vmem>>) dst(%dma_wait3A_156 : memref<10000x128xf32, #tpu.memory_space<vmem_shared>>)
        tpu.yield
      }) : () -> ()
    }
    %scan3A_44 = arith.constant 39 : i32
    %dma_wait3A_45 = arith.constant 9984 : i32
    %dma_wait3A_46 = tpu.memref_slice %arg7[%dma_wait3A_45] : memref<10112xi32, #tpu.memory_space<vmem>> -> memref<128xi32, #tpu.memory_space<vmem>>
    %dma_wait3A_47 = arith.constant 0 : i32
    %dma_wait3A_48 = arith.constant 0 : i32
    %dma_wait3A_49 = tpu.memref_slice %arg2[%dma_wait3A_47, %dma_wait3A_48] : memref<10008x128xf32, #tpu.memory_space<hbm>> -> memref<10008x128xf32, #tpu.memory_space<hbm>>
    tpu.wait_indirect_dma semaphore(%arg12 : memref<!tpu.dma_semaphore, #tpu.memory_space<semaphore_mem>>) src(%dma_wait3A_49 : memref<10008x128xf32, #tpu.memory_space<hbm>>) dst(%arg10 : memref<128x128xf32, #tpu.memory_space<vmem>>)
    %dma_wait3A_50 = arith.constant 78 : i32
    %dma_wait3A_51 = arith.constant 0 : i32
    %dma_wait3A_52 = arith.constant 0 : i32
    %dma_wait3A_53 = tpu.memref_slice %arg4[%add3A, %dma_wait3A_50, %dma_wait3A_51, %dma_wait3A_52] : memref<32x79x1x128xi32, #tpu.memory_space<hbm>> -> memref<1x1x1x128xi32, #tpu.memory_space<hbm>>
    %dma_wait3A_54 = tpu.memref_squeeze %dma_wait3A_53 : memref<1x1x1x128xi32, #tpu.memory_space<hbm>> -> memref<1x128xi32, #tpu.memory_space<hbm>>
    %dma_wait3A_55 = arith.constant 0 : i32
    %dma_wait3A_56 = arith.constant 0 : i32
    %dma_wait3A_57 = tpu.memref_slice %arg4[%add3A, %dma_wait3A_50, %dma_wait3A_55, %dma_wait3A_56] : memref<32x79x1x128xi32, #tpu.memory_space<hbm>> -> memref<1x1x1x128xi32, #tpu.memory_space<hbm>>
    %dma_wait3A_58 = tpu.memref_squeeze %dma_wait3A_57 : memref<1x1x1x128xi32, #tpu.memory_space<hbm>> -> memref<1x128xi32, #tpu.memory_space<hbm>>
    tpu.wait_dma2 semaphore(%arg14 : memref<!tpu.dma_semaphore, #tpu.memory_space<semaphore_mem>>) src(%dma_wait3A_58 : memref<1x128xi32, #tpu.memory_space<hbm>>) dst(%arg8 : memref<1x128xi32, #tpu.memory_space<vmem>>)
    %run_scoped3A = arith.constant 0 : i32
    "tpu.region"() ({
      %run_scoped3A_69 = tpu.sem_alloc : memref<!tpu.dma_semaphore, #tpu.memory_space<semaphore_mem>>
      %dma_start3A_70 = arith.constant 0 : i32
      %dma_start3A_71 = tpu.memref_slice %arg8[%run_scoped3A, %dma_start3A_70] : memref<1x128xi32, #tpu.memory_space<vmem>> -> memref<1x128xi32, #tpu.memory_space<vmem>>
      %dma_start3A_72 = tpu.memref_squeeze %dma_start3A_71 : memref<1x128xi32, #tpu.memory_space<vmem>> -> memref<128xi32, #tpu.memory_space<vmem>>
      %dma_start3A_73 = arith.constant 0 : i32
      %dma_start3A_74 = arith.constant 0 : i32
      %dma_start3A_75 = tpu.memref_slice %arg6[%dma_start3A_73, %dma_start3A_74] : memref<10000x128xf32, #tpu.memory_space<vmem_shared>> -> memref<10000x128xf32, #tpu.memory_space<vmem_shared>>
      tpu.enqueue_indirect_dma source(%arg10 : memref<128x128xf32, #tpu.memory_space<vmem>>) target(%dma_start3A_75 : memref<10000x128xf32, #tpu.memory_space<vmem_shared>>) offsets(%dma_start3A_72 : memref<128xi32, #tpu.memory_space<vmem>>) semaphore(%run_scoped3A_69 : memref<!tpu.dma_semaphore, #tpu.memory_space<semaphore_mem>>) {add = true}
      %dma_wait3A_76 = arith.constant 0 : i32
      %dma_wait3A_77 = tpu.memref_slice %arg8[%run_scoped3A, %dma_wait3A_76] : memref<1x128xi32, #tpu.memory_space<vmem>> -> memref<1x128xi32, #tpu.memory_space<vmem>>
      %dma_wait3A_78 = tpu.memref_squeeze %dma_wait3A_77 : memref<1x128xi32, #tpu.memory_space<vmem>> -> memref<128xi32, #tpu.memory_space<vmem>>
      %dma_wait3A_79 = arith.constant 0 : i32
      %dma_wait3A_80 = arith.constant 0 : i32
      %dma_wait3A_81 = tpu.memref_slice %arg6[%dma_wait3A_79, %dma_wait3A_80] : memref<10000x128xf32, #tpu.memory_space<vmem_shared>> -> memref<10000x128xf32, #tpu.memory_space<vmem_shared>>
      tpu.wait_indirect_dma semaphore(%run_scoped3A_69 : memref<!tpu.dma_semaphore, #tpu.memory_space<semaphore_mem>>) src(%arg10 : memref<128x128xf32, #tpu.memory_space<vmem>>) dst(%dma_wait3A_81 : memref<10000x128xf32, #tpu.memory_space<vmem_shared>>)
      tpu.yield
    }) : () -> ()
    %barrier3A_59 = arith.constant 0 : index
    tpu.barrier barrier_id(%barrier3A_59)
    %mul3A_60 = arith.constant 624 : i32
    %mul3A_61 = arith.muli %arg1, %mul3A_60 : i32
    %mul3A_62 = arith.constant 624 : i32
    %mul3A_63 = arith.muli %arg1, %mul3A_62 : i32
    "tpu.region"() ({
      %run_scoped3A_69 = tpu.sem_alloc : memref<!tpu.dma_semaphore, #tpu.memory_space<semaphore_mem>>
      %dma_start3A_70 = arith.constant 0 : i32
      %dma_start3A_71 = tpu.memref_slice %arg5[%arg0, %mul3A_63, %dma_start3A_70] : memref<2x10000x128xf32, #tpu.memory_space<hbm>> -> memref<1x624x128xf32, #tpu.memory_space<hbm>>
      %dma_start3A_72 = tpu.memref_squeeze %dma_start3A_71 : memref<1x624x128xf32, #tpu.memory_space<hbm>> -> memref<624x128xf32, #tpu.memory_space<hbm>>
      %dma_start3A_73 = arith.constant 0 : i32
      %dma_start3A_74 = tpu.memref_slice %arg6[%mul3A_61, %dma_start3A_73] : memref<10000x128xf32, #tpu.memory_space<vmem_shared>> -> memref<624x128xf32, #tpu.memory_space<vmem_shared>>
      tpu.enqueue_dma source(%dma_start3A_74 : memref<624x128xf32, #tpu.memory_space<vmem_shared>>) target(%dma_start3A_72 : memref<624x128xf32, #tpu.memory_space<hbm>>) target_semaphore(%run_scoped3A_69 : memref<!tpu.dma_semaphore, #tpu.memory_space<semaphore_mem>>)
      %dma_wait3A_75 = arith.constant 0 : i32
      %dma_wait3A_76 = tpu.memref_slice %arg5[%arg0, %mul3A_63, %dma_wait3A_75] : memref<2x10000x128xf32, #tpu.memory_space<hbm>> -> memref<1x624x128xf32, #tpu.memory_space<hbm>>
      %dma_wait3A_77 = tpu.memref_squeeze %dma_wait3A_76 : memref<1x624x128xf32, #tpu.memory_space<hbm>> -> memref<624x128xf32, #tpu.memory_space<hbm>>
      %dma_wait3A_78 = arith.constant 0 : i32
      %dma_wait3A_79 = tpu.memref_slice %arg6[%mul3A_61, %dma_wait3A_78] : memref<10000x128xf32, #tpu.memory_space<vmem_shared>> -> memref<624x128xf32, #tpu.memory_space<vmem_shared>>
      tpu.wait_dma2 semaphore(%run_scoped3A_69 : memref<!tpu.dma_semaphore, #tpu.memory_space<semaphore_mem>>) src(%dma_wait3A_79 : memref<624x128xf32, #tpu.memory_space<vmem_shared>>) dst(%dma_wait3A_77 : memref<624x128xf32, #tpu.memory_space<hbm>>)
      tpu.yield
    }) : () -> ()
    %eq3A_64 = arith.constant 15 : i32
    %eq3A_65 = arith.cmpi eq, %arg1, %eq3A_64 : i32
    %convert_element_type3A_66 = arith.extui %eq3A_65 : i1 to i32
    %cond3A_67 = arith.constant 0 : i32
    %cond3A_68 = arith.cmpi ne, %convert_element_type3A_66, %cond3A_67 : i32
    scf.if %cond3A_68 {
      "tpu.region"() ({
        %run_scoped3A_69 = tpu.sem_alloc : memref<!tpu.dma_semaphore, #tpu.memory_space<semaphore_mem>>
        %dma_start3A_70 = arith.constant 9984 : i32
        %dma_start3A_71 = arith.constant 0 : i32
        %dma_start3A_72 = tpu.memref_slice %arg5[%arg0, %dma_start3A_70, %dma_start3A_71] : memref<2x10000x128xf32, #tpu.memory_space<hbm>> -> memref<1x16x128xf32, #tpu.memory_space<hbm>>
        %dma_start3A_73 = tpu.memref_squeeze %dma_start3A_72 : memref<1x16x128xf32, #tpu.memory_space<hbm>> -> memref<16x128xf32, #tpu.memory_space<hbm>>
        %dma_start3A_74 = arith.constant 9984 : i32
        %dma_start3A_75 = arith.constant 0 : i32
        %dma_start3A_76 = tpu.memref_slice %arg6[%dma_start3A_74, %dma_start3A_75] : memref<10000x128xf32, #tpu.memory_space<vmem_shared>> -> memref<16x128xf32, #tpu.memory_space<vmem_shared>>
        tpu.enqueue_dma source(%dma_start3A_76 : memref<16x128xf32, #tpu.memory_space<vmem_shared>>) target(%dma_start3A_73 : memref<16x128xf32, #tpu.memory_space<hbm>>) target_semaphore(%run_scoped3A_69 : memref<!tpu.dma_semaphore, #tpu.memory_space<semaphore_mem>>)
        %dma_wait3A_77 = arith.constant 9984 : i32
        %dma_wait3A_78 = arith.constant 0 : i32
        %dma_wait3A_79 = tpu.memref_slice %arg5[%arg0, %dma_wait3A_77, %dma_wait3A_78] : memref<2x10000x128xf32, #tpu.memory_space<hbm>> -> memref<1x16x128xf32, #tpu.memory_space<hbm>>
        %dma_wait3A_80 = tpu.memref_squeeze %dma_wait3A_79 : memref<1x16x128xf32, #tpu.memory_space<hbm>> -> memref<16x128xf32, #tpu.memory_space<hbm>>
        %dma_wait3A_81 = arith.constant 9984 : i32
        %dma_wait3A_82 = arith.constant 0 : i32
        %dma_wait3A_83 = tpu.memref_slice %arg6[%dma_wait3A_81, %dma_wait3A_82] : memref<10000x128xf32, #tpu.memory_space<vmem_shared>> -> memref<16x128xf32, #tpu.memory_space<vmem_shared>>
        tpu.wait_dma2 semaphore(%run_scoped3A_69 : memref<!tpu.dma_semaphore, #tpu.memory_space<semaphore_mem>>) src(%dma_wait3A_83 : memref<16x128xf32, #tpu.memory_space<vmem_shared>>) dst(%dma_wait3A_80 : memref<16x128xf32, #tpu.memory_space<hbm>>)
        tpu.yield
      }) : () -> ()
    } else {
    }
    return
  }
}

#map = affine_map<(d0, d1) -> (0, 0)>
#map1 = affine_map<(d0, d1) -> (0, 0, 0, 0)>
#map2 = affine_map<(d0, d1) -> (0, 0, 0)>
module attributes {stable_mosaic.version = 14 : i64} {
  func.func @_agg_kernel(%arg0: i32, %arg1: i32, %arg2: memref<10008x128xf32, #tpu.memory_space<hbm>>, %arg3: memref<32x10112xi32, #tpu.memory_space<hbm>>, %arg4: memref<32x79x1x128xi32, #tpu.memory_space<hbm>>, %arg5: memref<2x10000x128xf32, #tpu.memory_space<hbm>>, %arg6: memref<10000x128xf32, #tpu.memory_space<vmem_shared>>, %arg7: memref<10112xi32, #tpu.memory_space<vmem>>, %arg8: memref<1x128xi32, #tpu.memory_space<vmem>>, %arg9: memref<1x128xi32, #tpu.memory_space<vmem>>, %arg10: memref<128x128xf32, #tpu.memory_space<vmem>>, %arg11: memref<128x128xf32, #tpu.memory_space<vmem>>, %arg12: memref<!tpu.dma_semaphore, #tpu.memory_space<semaphore_mem>>, %arg13: memref<!tpu.dma_semaphore, #tpu.memory_space<semaphore_mem>>, %arg14: memref<!tpu.dma_semaphore, #tpu.memory_space<semaphore_mem>>, %arg15: memref<!tpu.dma_semaphore, #tpu.memory_space<semaphore_mem>>) attributes {dimension_semantics = [#tpu.dimension_semantics<core_parallel>, #tpu.dimension_semantics<subcore_parallel>], iteration_bounds = array<i64: 2, 16>, scalar_prefetch = 0 : i64, scratch_operands = 10 : i64, tpu.core_type = #tpu.core_type<sc_vector_subcore>, window_params = [{transform_indices = #map}, {transform_indices = #map}, {transform_indices = #map1}, {transform_indices = #map2}]} {
    %mul3A = arith.constant 2 : i32
    %mul3A_0 = arith.muli %arg1, %mul3A : i32
    %add3A = arith.addi %mul3A_0, %arg0 : i32
    %dma_start3A = arith.constant 0 : i32
    %dma_start3A_1 = tpu.memref_slice %arg3[%add3A, %dma_start3A] : memref<32x10112xi32, #tpu.memory_space<hbm>> -> memref<1x10112xi32, #tpu.memory_space<hbm>>
    %dma_start3A_2 = tpu.memref_squeeze %dma_start3A_1 : memref<1x10112xi32, #tpu.memory_space<hbm>> -> memref<10112xi32, #tpu.memory_space<hbm>>
    %dma_start3A_3 = arith.constant 0 : i32
    %dma_start3A_4 = tpu.memref_slice %arg3[%add3A, %dma_start3A_3] : memref<32x10112xi32, #tpu.memory_space<hbm>> -> memref<1x10112xi32, #tpu.memory_space<hbm>>
    %dma_start3A_5 = tpu.memref_squeeze %dma_start3A_4 : memref<1x10112xi32, #tpu.memory_space<hbm>> -> memref<10112xi32, #tpu.memory_space<hbm>>
    tpu.enqueue_dma source(%dma_start3A_5 : memref<10112xi32, #tpu.memory_space<hbm>>) target(%arg7 : memref<10112xi32, #tpu.memory_space<vmem>>) target_semaphore(%arg12 : memref<!tpu.dma_semaphore, #tpu.memory_space<semaphore_mem>>)
    %scan3A = arith.constant 0 : i32
    %scan3A_6 = arith.constant 128 : i32
    %scan3A_7 = arith.addi %scan3A, %scan3A_6 : i32
    %scan3A_8 = arith.constant 1 : i32
    scf.for %scan3A_69 = %scan3A to %scan3A_7 step %scan3A_8  : i32 {
      %mul3A_70 = arith.constant 1 : i32
      %mul3A_71 = arith.muli %scan3A_69, %mul3A_70 : i32
      %add3A_72 = arith.constant 0 : i32
      %add3A_73 = arith.addi %add3A_72, %mul3A_71 : i32
      %scan3A_74 = arith.constant 0 : i32
      %scan3A_75 = arith.constant 8 : i32
      %scan3A_76 = arith.addi %scan3A_74, %scan3A_75 : i32
      %scan3A_77 = arith.constant 1 : i32
      scf.for %scan3A_79 = %scan3A_74 to %scan3A_76 step %scan3A_77  : i32 {
        %mul3A_80 = arith.constant 16 : i32
        %mul3A_81 = arith.muli %scan3A_79, %mul3A_80 : i32
        %add3A_82 = arith.constant 0 : i32
        %add3A_83 = arith.addi %add3A_82, %mul3A_81 : i32
        %broadcast_in_dim3A = arith.constant 0.000000e+00 : f32
        %broadcast_in_dim3A_84 = vector.broadcast %broadcast_in_dim3A : f32 to vector<16xf32>
        %swap3A = arith.index_cast %add3A_73 : i32 to index
        %swap3A_85 = arith.index_cast %add3A_83 : i32 to index
        %swap3A_86 = tpu.vector_load %arg11[%swap3A, %swap3A_85] {strides = array<i32>} : memref<128x128xf32, #tpu.memory_space<vmem>>, vector<1x16xf32>,
        %swap3A_87 = vector.shape_cast %swap3A_86 : vector<1x16xf32> to vector<16xf32>
        %swap3A_88 = vector.shape_cast %broadcast_in_dim3A_84 : vector<16xf32> to vector<1x16xf32>
        tpu.vector_store %arg11[%swap3A, %swap3A_85], %swap3A_88 {strides = array<i32>} : memref<128x128xf32, #tpu.memory_space<vmem>>, vector<1x16xf32>,
      }
      %scan3A_78 = arith.constant 8 : i32
    }
    %scan3A_9 = arith.constant 128 : i32
    %scan3A_10 = arith.constant 0 : i32
    %scan3A_11 = arith.constant 4 : i32
    %scan3A_12 = arith.addi %scan3A_10, %scan3A_11 : i32
    %scan3A_13 = arith.constant 1 : i32
    scf.for %scan3A_69 = %scan3A_10 to %scan3A_12 step %scan3A_13  : i32 {
      %mul3A_70 = arith.constant 128 : i32
      %mul3A_71 = arith.muli %scan3A_69, %mul3A_70 : i32
      %add3A_72 = arith.constant 0 : i32
      %add3A_73 = arith.addi %add3A_72, %mul3A_71 : i32
      %mul3A_74 = arith.constant 624 : i32
      %mul3A_75 = arith.muli %arg1, %mul3A_74 : i32
      %add3A_76 = arith.addi %mul3A_75, %add3A_73 : i32
      "tpu.region"() ({
        %run_scoped3A_77 = tpu.sem_alloc : memref<!tpu.dma_semaphore, #tpu.memory_space<semaphore_mem>>
        %dma_start3A_78 = arith.constant 0 : i32
        %dma_start3A_79 = tpu.memref_slice %arg6[%add3A_76, %dma_start3A_78] : memref<10000x128xf32, #tpu.memory_space<vmem_shared>> -> memref<128x128xf32, #tpu.memory_space<vmem_shared>>
        %dma_start3A_80 = arith.constant 0 : i32
        %dma_start3A_81 = tpu.memref_slice %arg6[%add3A_76, %dma_start3A_80] : memref<10000x128xf32, #tpu.memory_space<vmem_shared>> -> memref<128x128xf32, #tpu.memory_space<vmem_shared>>
        tpu.enqueue_dma source(%arg11 : memref<128x128xf32, #tpu.memory_space<vmem>>) target(%dma_start3A_81 : memref<128x128xf32, #tpu.memory_space<vmem_shared>>) target_semaphore(%run_scoped3A_77 : memref<!tpu.dma_semaphore, #tpu.memory_space<semaphore_mem>>)
        %dma_wait3A_82 = arith.constant 0 : i32
        %dma_wait3A_83 = tpu.memref_slice %arg6[%add3A_76, %dma_wait3A_82] : memref<10000x128xf32, #tpu.memory_space<vmem_shared>> -> memref<128x128xf32, #tpu.memory_space<vmem_shared>>
        %dma_wait3A_84 = arith.constant 0 : i32
        %dma_wait3A_85 = tpu.memref_slice %arg6[%add3A_76, %dma_wait3A_84] : memref<10000x128xf32, #tpu.memory_space<vmem_shared>> -> memref<128x128xf32, #tpu.memory_space<vmem_shared>>
        tpu.wait_dma2 semaphore(%run_scoped3A_77 : memref<!tpu.dma_semaphore, #tpu.memory_space<semaphore_mem>>) src(%arg11 : memref<128x128xf32, #tpu.memory_space<vmem>>) dst(%dma_wait3A_85 : memref<128x128xf32, #tpu.memory_space<vmem_shared>>)
        tpu.yield
      }) : () -> ()
    }
    %scan3A_14 = arith.constant 4 : i32
    %mul3A_15 = arith.constant 624 : i32
    %mul3A_16 = arith.muli %arg1, %mul3A_15 : i32
    %add3A_17 = arith.constant 512 : i32
    %add3A_18 = arith.addi %mul3A_16, %add3A_17 : i32
    "tpu.region"() ({
      %run_scoped3A_69 = tpu.sem_alloc : memref<!tpu.dma_semaphore, #tpu.memory_space<semaphore_mem>>
      %dma_start3A_70 = arith.constant 0 : i32
      %dma_start3A_71 = arith.constant 0 : i32
      %dma_start3A_72 = tpu.memref_slice %arg11[%dma_start3A_70, %dma_start3A_71] : memref<128x128xf32, #tpu.memory_space<vmem>> -> memref<112x128xf32, #tpu.memory_space<vmem>>
      %dma_start3A_73 = arith.constant 0 : i32
      %dma_start3A_74 = tpu.memref_slice %arg6[%add3A_18, %dma_start3A_73] : memref<10000x128xf32, #tpu.memory_space<vmem_shared>> -> memref<112x128xf32, #tpu.memory_space<vmem_shared>>
      %dma_start3A_75 = arith.constant 0 : i32
      %dma_start3A_76 = tpu.memref_slice %arg6[%add3A_18, %dma_start3A_75] : memref<10000x128xf32, #tpu.memory_space<vmem_shared>> -> memref<112x128xf32, #tpu.memory_space<vmem_shared>>
      %dma_start3A_77 = arith.constant 0 : i32
      %dma_start3A_78 = arith.constant 0 : i32
      %dma_start3A_79 = tpu.memref_slice %arg11[%dma_start3A_77, %dma_start3A_78] : memref<128x128xf32, #tpu.memory_space<vmem>> -> memref<112x128xf32, #tpu.memory_space<vmem>>
      tpu.enqueue_dma source(%dma_start3A_79 : memref<112x128xf32, #tpu.memory_space<vmem>>) target(%dma_start3A_76 : memref<112x128xf32, #tpu.memory_space<vmem_shared>>) target_semaphore(%run_scoped3A_69 : memref<!tpu.dma_semaphore, #tpu.memory_space<semaphore_mem>>)
      %dma_wait3A_80 = arith.constant 0 : i32
      %dma_wait3A_81 = arith.constant 0 : i32
      %dma_wait3A_82 = tpu.memref_slice %arg11[%dma_wait3A_80, %dma_wait3A_81] : memref<128x128xf32, #tpu.memory_space<vmem>> -> memref<112x128xf32, #tpu.memory_space<vmem>>
      %dma_wait3A_83 = arith.constant 0 : i32
      %dma_wait3A_84 = tpu.memref_slice %arg6[%add3A_18, %dma_wait3A_83] : memref<10000x128xf32, #tpu.memory_space<vmem_shared>> -> memref<112x128xf32, #tpu.memory_space<vmem_shared>>
      %dma_wait3A_85 = arith.constant 0 : i32
      %dma_wait3A_86 = tpu.memref_slice %arg6[%add3A_18, %dma_wait3A_85] : memref<10000x128xf32, #tpu.memory_space<vmem_shared>> -> memref<112x128xf32, #tpu.memory_space<vmem_shared>>
      %dma_wait3A_87 = arith.constant 0 : i32
      %dma_wait3A_88 = arith.constant 0 : i32
      %dma_wait3A_89 = tpu.memref_slice %arg11[%dma_wait3A_87, %dma_wait3A_88] : memref<128x128xf32, #tpu.memory_space<vmem>> -> memref<112x128xf32, #tpu.memory_space<vmem>>
      tpu.wait_dma2 semaphore(%run_scoped3A_69 : memref<!tpu.dma_semaphore, #tpu.memory_space<semaphore_mem>>) src(%dma_wait3A_89 : memref<112x128xf32, #tpu.memory_space<vmem>>) dst(%dma_wait3A_86 : memref<112x128xf32, #tpu.memory_space<vmem_shared>>)
      tpu.yield
    }) : () -> ()
    %eq3A = arith.constant 15 : i32
    %eq3A_19 = arith.cmpi eq, %arg1, %eq3A : i32
    %convert_element_type3A = arith.extui %eq3A_19 : i1 to i32
    %cond3A = arith.constant 0 : i32
    %cond3A_20 = arith.cmpi ne, %convert_element_type3A, %cond3A : i32
    scf.if %cond3A_20 {
      "tpu.region"() ({
        %run_scoped3A_69 = tpu.sem_alloc : memref<!tpu.dma_semaphore, #tpu.memory_space<semaphore_mem>>
        %dma_start3A_70 = arith.constant 0 : i32
        %dma_start3A_71 = arith.constant 0 : i32
        %dma_start3A_72 = tpu.memref_slice %arg11[%dma_start3A_70, %dma_start3A_71] : memref<128x128xf32, #tpu.memory_space<vmem>> -> memref<16x128xf32, #tpu.memory_space<vmem>>
        %dma_start3A_73 = arith.constant 9984 : i32
        %dma_start3A_74 = arith.constant 0 : i32
        %dma_start3A_75 = tpu.memref_slice %arg6[%dma_start3A_73, %dma_start3A_74] : memref<10000x128xf32, #tpu.memory_space<vmem_shared>> -> memref<16x128xf32, #tpu.memory_space<vmem_shared>>
        %dma_start3A_76 = arith.constant 9984 : i32
        %dma_start3A_77 = arith.constant 0 : i32
        %dma_start3A_78 = tpu.memref_slice %arg6[%dma_start3A_76, %dma_start3A_77] : memref<10000x128xf32, #tpu.memory_space<vmem_shared>> -> memref<16x128xf32, #tpu.memory_space<vmem_shared>>
        %dma_start3A_79 = arith.constant 0 : i32
        %dma_start3A_80 = arith.constant 0 : i32
        %dma_start3A_81 = tpu.memref_slice %arg11[%dma_start3A_79, %dma_start3A_80] : memref<128x128xf32, #tpu.memory_space<vmem>> -> memref<16x128xf32, #tpu.memory_space<vmem>>
        tpu.enqueue_dma source(%dma_start3A_81 : memref<16x128xf32, #tpu.memory_space<vmem>>) target(%dma_start3A_78 : memref<16x128xf32, #tpu.memory_space<vmem_shared>>) target_semaphore(%run_scoped3A_69 : memref<!tpu.dma_semaphore, #tpu.memory_space<semaphore_mem>>)
        %dma_wait3A_82 = arith.constant 0 : i32
        %dma_wait3A_83 = arith.constant 0 : i32
        %dma_wait3A_84 = tpu.memref_slice %arg11[%dma_wait3A_82, %dma_wait3A_83] : memref<128x128xf32, #tpu.memory_space<vmem>> -> memref<16x128xf32, #tpu.memory_space<vmem>>
        %dma_wait3A_85 = arith.constant 9984 : i32
        %dma_wait3A_86 = arith.constant 0 : i32
        %dma_wait3A_87 = tpu.memref_slice %arg6[%dma_wait3A_85, %dma_wait3A_86] : memref<10000x128xf32, #tpu.memory_space<vmem_shared>> -> memref<16x128xf32, #tpu.memory_space<vmem_shared>>
        %dma_wait3A_88 = arith.constant 9984 : i32
        %dma_wait3A_89 = arith.constant 0 : i32
        %dma_wait3A_90 = tpu.memref_slice %arg6[%dma_wait3A_88, %dma_wait3A_89] : memref<10000x128xf32, #tpu.memory_space<vmem_shared>> -> memref<16x128xf32, #tpu.memory_space<vmem_shared>>
        %dma_wait3A_91 = arith.constant 0 : i32
        %dma_wait3A_92 = arith.constant 0 : i32
        %dma_wait3A_93 = tpu.memref_slice %arg11[%dma_wait3A_91, %dma_wait3A_92] : memref<128x128xf32, #tpu.memory_space<vmem>> -> memref<16x128xf32, #tpu.memory_space<vmem>>
        tpu.wait_dma2 semaphore(%run_scoped3A_69 : memref<!tpu.dma_semaphore, #tpu.memory_space<semaphore_mem>>) src(%dma_wait3A_93 : memref<16x128xf32, #tpu.memory_space<vmem>>) dst(%dma_wait3A_90 : memref<16x128xf32, #tpu.memory_space<vmem_shared>>)
        tpu.yield
      }) : () -> ()
    } else {
    }
    %dma_wait3A = arith.constant 0 : i32
    %dma_wait3A_21 = tpu.memref_slice %arg3[%add3A, %dma_wait3A] : memref<32x10112xi32, #tpu.memory_space<hbm>> -> memref<1x10112xi32, #tpu.memory_space<hbm>>
    %dma_wait3A_22 = tpu.memref_squeeze %dma_wait3A_21 : memref<1x10112xi32, #tpu.memory_space<hbm>> -> memref<10112xi32, #tpu.memory_space<hbm>>
    %dma_wait3A_23 = arith.constant 0 : i32
    %dma_wait3A_24 = tpu.memref_slice %arg3[%add3A, %dma_wait3A_23] : memref<32x10112xi32, #tpu.memory_space<hbm>> -> memref<1x10112xi32, #tpu.memory_space<hbm>>
    %dma_wait3A_25 = tpu.memref_squeeze %dma_wait3A_24 : memref<1x10112xi32, #tpu.memory_space<hbm>> -> memref<10112xi32, #tpu.memory_space<hbm>>
    tpu.wait_dma2 semaphore(%arg12 : memref<!tpu.dma_semaphore, #tpu.memory_space<semaphore_mem>>) src(%dma_wait3A_25 : memref<10112xi32, #tpu.memory_space<hbm>>) dst(%arg7 : memref<10112xi32, #tpu.memory_space<vmem>>)
    %dma_start3A_26 = arith.constant 0 : i32
    %dma_start3A_27 = tpu.memref_slice %arg7[%dma_start3A_26] : memref<10112xi32, #tpu.memory_space<vmem>> -> memref<128xi32, #tpu.memory_space<vmem>>
    %dma_start3A_28 = arith.constant 0 : i32
    %dma_start3A_29 = arith.constant 0 : i32
    %dma_start3A_30 = tpu.memref_slice %arg2[%dma_start3A_28, %dma_start3A_29] : memref<10008x128xf32, #tpu.memory_space<hbm>> -> memref<10008x128xf32, #tpu.memory_space<hbm>>
    tpu.enqueue_indirect_dma source(%dma_start3A_30 : memref<10008x128xf32, #tpu.memory_space<hbm>>) target(%arg10 : memref<128x128xf32, #tpu.memory_space<vmem>>) offsets(%dma_start3A_27 : memref<128xi32, #tpu.memory_space<vmem>>) semaphore(%arg12 : memref<!tpu.dma_semaphore, #tpu.memory_space<semaphore_mem>>)
    %dma_start3A_31 = arith.constant 0 : i32
    %dma_start3A_32 = arith.constant 0 : i32
    %dma_start3A_33 = arith.constant 0 : i32
    %dma_start3A_34 = tpu.memref_slice %arg4[%add3A, %dma_start3A_31, %dma_start3A_32, %dma_start3A_33] : memref<32x79x1x128xi32, #tpu.memory_space<hbm>> -> memref<1x1x1x128xi32, #tpu.memory_space<hbm>>
    %dma_start3A_35 = tpu.memref_squeeze %dma_start3A_34 : memref<1x1x1x128xi32, #tpu.memory_space<hbm>> -> memref<1x128xi32, #tpu.memory_space<hbm>>
    %dma_start3A_36 = arith.constant 0 : i32
    %dma_start3A_37 = arith.constant 0 : i32
    %dma_start3A_38 = tpu.memref_slice %arg4[%add3A, %dma_start3A_31, %dma_start3A_36, %dma_start3A_37] : memref<32x79x1x128xi32, #tpu.memory_space<hbm>> -> memref<1x1x1x128xi32, #tpu.memory_space<hbm>>
    %dma_start3A_39 = tpu.memref_squeeze %dma_start3A_38 : memref<1x1x1x128xi32, #tpu.memory_space<hbm>> -> memref<1x128xi32, #tpu.memory_space<hbm>>
    tpu.enqueue_dma source(%dma_start3A_39 : memref<1x128xi32, #tpu.memory_space<hbm>>) target(%arg8 : memref<1x128xi32, #tpu.memory_space<vmem>>) target_semaphore(%arg14 : memref<!tpu.dma_semaphore, #tpu.memory_space<semaphore_mem>>)
    %barrier3A = arith.constant 0 : index
    tpu.barrier barrier_id(%barrier3A)
    %scan3A_40 = arith.constant 0 : i32
    %scan3A_41 = arith.constant 39 : i32
    %scan3A_42 = arith.addi %scan3A_40, %scan3A_41 : i32
    %scan3A_43 = arith.constant 1 : i32
    scf.for %scan3A_69 = %scan3A_40 to %scan3A_42 step %scan3A_43  : i32 {
      %mul3A_70 = arith.constant 2 : i32
      %mul3A_71 = arith.muli %scan3A_69, %mul3A_70 : i32
      %add3A_72 = arith.constant 0 : i32
      %add3A_73 = arith.addi %add3A_72, %mul3A_71 : i32
      %add3A_74 = arith.constant 1 : i32
      %add3A_75 = arith.addi %add3A_73, %add3A_74 : i32
      %mul3A_76 = arith.constant 128 : i32
      %mul3A_77 = arith.muli %add3A_75, %mul3A_76 : i32
      %dma_start3A_78 = tpu.memref_slice %arg7[%mul3A_77] : memref<10112xi32, #tpu.memory_space<vmem>> -> memref<128xi32, #tpu.memory_space<vmem>>
      %dma_start3A_79 = arith.constant 0 : i32
      %dma_start3A_80 = arith.constant 0 : i32
      %dma_start3A_81 = tpu.memref_slice %arg2[%dma_start3A_79, %dma_start3A_80] : memref<10008x128xf32, #tpu.memory_space<hbm>> -> memref<10008x128xf32, #tpu.memory_space<hbm>>
      tpu.enqueue_indirect_dma source(%dma_start3A_81 : memref<10008x128xf32, #tpu.memory_space<hbm>>) target(%arg11 : memref<128x128xf32, #tpu.memory_space<vmem>>) offsets(%dma_start3A_78 : memref<128xi32, #tpu.memory_space<vmem>>) semaphore(%arg13 : memref<!tpu.dma_semaphore, #tpu.memory_space<semaphore_mem>>)
      %add3A_82 = arith.constant 1 : i32
      %add3A_83 = arith.addi %add3A_73, %add3A_82 : i32
      %dma_start3A_84 = arith.constant 0 : i32
      %dma_start3A_85 = arith.constant 0 : i32
      %dma_start3A_86 = tpu.memref_slice %arg4[%add3A, %add3A_83, %dma_start3A_84, %dma_start3A_85] : memref<32x79x1x128xi32, #tpu.memory_space<hbm>> -> memref<1x1x1x128xi32, #tpu.memory_space<hbm>>
      %dma_start3A_87 = tpu.memref_squeeze %dma_start3A_86 : memref<1x1x1x128xi32, #tpu.memory_space<hbm>> -> memref<1x128xi32, #tpu.memory_space<hbm>>
      %dma_start3A_88 = arith.constant 0 : i32
      %dma_start3A_89 = arith.constant 0 : i32
      %dma_start3A_90 = tpu.memref_slice %arg4[%add3A, %add3A_83, %dma_start3A_88, %dma_start3A_89] : memref<32x79x1x128xi32, #tpu.memory_space<hbm>> -> memref<1x1x1x128xi32, #tpu.memory_space<hbm>>
      %dma_start3A_91 = tpu.memref_squeeze %dma_start3A_90 : memref<1x1x1x128xi32, #tpu.memory_space<hbm>> -> memref<1x128xi32, #tpu.memory_space<hbm>>
      tpu.enqueue_dma source(%dma_start3A_91 : memref<1x128xi32, #tpu.memory_space<hbm>>) target(%arg9 : memref<1x128xi32, #tpu.memory_space<vmem>>) target_semaphore(%arg15 : memref<!tpu.dma_semaphore, #tpu.memory_space<semaphore_mem>>)
      %mul3A_92 = arith.constant 128 : i32
      %mul3A_93 = arith.muli %add3A_73, %mul3A_92 : i32
      %dma_wait3A_94 = tpu.memref_slice %arg7[%mul3A_93] : memref<10112xi32, #tpu.memory_space<vmem>> -> memref<128xi32, #tpu.memory_space<vmem>>
      %dma_wait3A_95 = arith.constant 0 : i32
      %dma_wait3A_96 = arith.constant 0 : i32
      %dma_wait3A_97 = tpu.memref_slice %arg2[%dma_wait3A_95, %dma_wait3A_96] : memref<10008x128xf32, #tpu.memory_space<hbm>> -> memref<10008x128xf32, #tpu.memory_space<hbm>>
      tpu.wait_indirect_dma semaphore(%arg12 : memref<!tpu.dma_semaphore, #tpu.memory_space<semaphore_mem>>) src(%dma_wait3A_97 : memref<10008x128xf32, #tpu.memory_space<hbm>>) dst(%arg10 : memref<128x128xf32, #tpu.memory_space<vmem>>)
      %dma_wait3A_98 = arith.constant 0 : i32
      %dma_wait3A_99 = arith.constant 0 : i32
      %dma_wait3A_100 = tpu.memref_slice %arg4[%add3A, %add3A_73, %dma_wait3A_98, %dma_wait3A_99] : memref<32x79x1x128xi32, #tpu.memory_space<hbm>> -> memref<1x1x1x128xi32, #tpu.memory_space<hbm>>
      %dma_wait3A_101 = tpu.memref_squeeze %dma_wait3A_100 : memref<1x1x1x128xi32, #tpu.memory_space<hbm>> -> memref<1x128xi32, #tpu.memory_space<hbm>>
      %dma_wait3A_102 = arith.constant 0 : i32
      %dma_wait3A_103 = arith.constant 0 : i32
      %dma_wait3A_104 = tpu.memref_slice %arg4[%add3A, %add3A_73, %dma_wait3A_102, %dma_wait3A_103] : memref<32x79x1x128xi32, #tpu.memory_space<hbm>> -> memref<1x1x1x128xi32, #tpu.memory_space<hbm>>
      %dma_wait3A_105 = tpu.memref_squeeze %dma_wait3A_104 : memref<1x1x1x128xi32, #tpu.memory_space<hbm>> -> memref<1x128xi32, #tpu.memory_space<hbm>>
      tpu.wait_dma2 semaphore(%arg14 : memref<!tpu.dma_semaphore, #tpu.memory_space<semaphore_mem>>) src(%dma_wait3A_105 : memref<1x128xi32, #tpu.memory_space<hbm>>) dst(%arg8 : memref<1x128xi32, #tpu.memory_space<vmem>>)
      %run_scoped3A_106 = arith.constant 0 : i32
      "tpu.region"() ({
        %run_scoped3A_144 = tpu.sem_alloc : memref<!tpu.dma_semaphore, #tpu.memory_space<semaphore_mem>>
        %dma_start3A_145 = arith.constant 0 : i32
        %dma_start3A_146 = tpu.memref_slice %arg8[%run_scoped3A_106, %dma_start3A_145] : memref<1x128xi32, #tpu.memory_space<vmem>> -> memref<1x128xi32, #tpu.memory_space<vmem>>
        %dma_start3A_147 = tpu.memref_squeeze %dma_start3A_146 : memref<1x128xi32, #tpu.memory_space<vmem>> -> memref<128xi32, #tpu.memory_space<vmem>>
        %dma_start3A_148 = arith.constant 0 : i32
        %dma_start3A_149 = arith.constant 0 : i32
        %dma_start3A_150 = tpu.memref_slice %arg6[%dma_start3A_148, %dma_start3A_149] : memref<10000x128xf32, #tpu.memory_space<vmem_shared>> -> memref<10000x128xf32, #tpu.memory_space<vmem_shared>>
        tpu.enqueue_indirect_dma source(%arg10 : memref<128x128xf32, #tpu.memory_space<vmem>>) target(%dma_start3A_150 : memref<10000x128xf32, #tpu.memory_space<vmem_shared>>) offsets(%dma_start3A_147 : memref<128xi32, #tpu.memory_space<vmem>>) semaphore(%run_scoped3A_144 : memref<!tpu.dma_semaphore, #tpu.memory_space<semaphore_mem>>) {add = true}
        %dma_wait3A_151 = arith.constant 0 : i32
        %dma_wait3A_152 = tpu.memref_slice %arg8[%run_scoped3A_106, %dma_wait3A_151] : memref<1x128xi32, #tpu.memory_space<vmem>> -> memref<1x128xi32, #tpu.memory_space<vmem>>
        %dma_wait3A_153 = tpu.memref_squeeze %dma_wait3A_152 : memref<1x128xi32, #tpu.memory_space<vmem>> -> memref<128xi32, #tpu.memory_space<vmem>>
        %dma_wait3A_154 = arith.constant 0 : i32
        %dma_wait3A_155 = arith.constant 0 : i32
        %dma_wait3A_156 = tpu.memref_slice %arg6[%dma_wait3A_154, %dma_wait3A_155] : memref<10000x128xf32, #tpu.memory_space<vmem_shared>> -> memref<10000x128xf32, #tpu.memory_space<vmem_shared>>
        tpu.wait_indirect_dma semaphore(%run_scoped3A_144 : memref<!tpu.dma_semaphore, #tpu.memory_space<semaphore_mem>>) src(%arg10 : memref<128x128xf32, #tpu.memory_space<vmem>>) dst(%dma_wait3A_156 : memref<10000x128xf32, #tpu.memory_space<vmem_shared>>)
        tpu.yield
      }) : () -> ()
      %add3A_107 = arith.constant 2 : i32
      %add3A_108 = arith.addi %add3A_73, %add3A_107 : i32
      %mul3A_109 = arith.constant 128 : i32
      %mul3A_110 = arith.muli %add3A_108, %mul3A_109 : i32
      %dma_start3A_111 = tpu.memref_slice %arg7[%mul3A_110] : memref<10112xi32, #tpu.memory_space<vmem>> -> memref<128xi32, #tpu.memory_space<vmem>>
      %dma_start3A_112 = arith.constant 0 : i32
      %dma_start3A_113 = arith.constant 0 : i32
      %dma_start3A_114 = tpu.memref_slice %arg2[%dma_start3A_112, %dma_start3A_113] : memref<10008x128xf32, #tpu.memory_space<hbm>> -> memref<10008x128xf32, #tpu.memory_space<hbm>>
      tpu.enqueue_indirect_dma source(%dma_start3A_114 : memref<10008x128xf32, #tpu.memory_space<hbm>>) target(%arg10 : memref<128x128xf32, #tpu.memory_space<vmem>>) offsets(%dma_start3A_111 : memref<128xi32, #tpu.memory_space<vmem>>) semaphore(%arg12 : memref<!tpu.dma_semaphore, #tpu.memory_space<semaphore_mem>>)
      %add3A_115 = arith.constant 2 : i32
      %add3A_116 = arith.addi %add3A_73, %add3A_115 : i32
      %dma_start3A_117 = arith.constant 0 : i32
      %dma_start3A_118 = arith.constant 0 : i32
      %dma_start3A_119 = tpu.memref_slice %arg4[%add3A, %add3A_116, %dma_start3A_117, %dma_start3A_118] : memref<32x79x1x128xi32, #tpu.memory_space<hbm>> -> memref<1x1x1x128xi32, #tpu.memory_space<hbm>>
      %dma_start3A_120 = tpu.memref_squeeze %dma_start3A_119 : memref<1x1x1x128xi32, #tpu.memory_space<hbm>> -> memref<1x128xi32, #tpu.memory_space<hbm>>
      %dma_start3A_121 = arith.constant 0 : i32
      %dma_start3A_122 = arith.constant 0 : i32
      %dma_start3A_123 = tpu.memref_slice %arg4[%add3A, %add3A_116, %dma_start3A_121, %dma_start3A_122] : memref<32x79x1x128xi32, #tpu.memory_space<hbm>> -> memref<1x1x1x128xi32, #tpu.memory_space<hbm>>
      %dma_start3A_124 = tpu.memref_squeeze %dma_start3A_123 : memref<1x1x1x128xi32, #tpu.memory_space<hbm>> -> memref<1x128xi32, #tpu.memory_space<hbm>>
      tpu.enqueue_dma source(%dma_start3A_124 : memref<1x128xi32, #tpu.memory_space<hbm>>) target(%arg8 : memref<1x128xi32, #tpu.memory_space<vmem>>) target_semaphore(%arg14 : memref<!tpu.dma_semaphore, #tpu.memory_space<semaphore_mem>>)
      %add3A_125 = arith.constant 1 : i32
      %add3A_126 = arith.addi %add3A_73, %add3A_125 : i32
      %mul3A_127 = arith.constant 128 : i32
      %mul3A_128 = arith.muli %add3A_126, %mul3A_127 : i32
      %dma_wait3A_129 = tpu.memref_slice %arg7[%mul3A_128] : memref<10112xi32, #tpu.memory_space<vmem>> -> memref<128xi32, #tpu.memory_space<vmem>>
      %dma_wait3A_130 = arith.constant 0 : i32
      %dma_wait3A_131 = arith.constant 0 : i32
      %dma_wait3A_132 = tpu.memref_slice %arg2[%dma_wait3A_130, %dma_wait3A_131] : memref<10008x128xf32, #tpu.memory_space<hbm>> -> memref<10008x128xf32, #tpu.memory_space<hbm>>
      tpu.wait_indirect_dma semaphore(%arg13 : memref<!tpu.dma_semaphore, #tpu.memory_space<semaphore_mem>>) src(%dma_wait3A_132 : memref<10008x128xf32, #tpu.memory_space<hbm>>) dst(%arg11 : memref<128x128xf32, #tpu.memory_space<vmem>>)
      %add3A_133 = arith.constant 1 : i32
      %add3A_134 = arith.addi %add3A_73, %add3A_133 : i32
      %dma_wait3A_135 = arith.constant 0 : i32
      %dma_wait3A_136 = arith.constant 0 : i32
      %dma_wait3A_137 = tpu.memref_slice %arg4[%add3A, %add3A_134, %dma_wait3A_135, %dma_wait3A_136] : memref<32x79x1x128xi32, #tpu.memory_space<hbm>> -> memref<1x1x1x128xi32, #tpu.memory_space<hbm>>
      %dma_wait3A_138 = tpu.memref_squeeze %dma_wait3A_137 : memref<1x1x1x128xi32, #tpu.memory_space<hbm>> -> memref<1x128xi32, #tpu.memory_space<hbm>>
      %dma_wait3A_139 = arith.constant 0 : i32
      %dma_wait3A_140 = arith.constant 0 : i32
      %dma_wait3A_141 = tpu.memref_slice %arg4[%add3A, %add3A_134, %dma_wait3A_139, %dma_wait3A_140] : memref<32x79x1x128xi32, #tpu.memory_space<hbm>> -> memref<1x1x1x128xi32, #tpu.memory_space<hbm>>
      %dma_wait3A_142 = tpu.memref_squeeze %dma_wait3A_141 : memref<1x1x1x128xi32, #tpu.memory_space<hbm>> -> memref<1x128xi32, #tpu.memory_space<hbm>>
      tpu.wait_dma2 semaphore(%arg15 : memref<!tpu.dma_semaphore, #tpu.memory_space<semaphore_mem>>) src(%dma_wait3A_142 : memref<1x128xi32, #tpu.memory_space<hbm>>) dst(%arg9 : memref<1x128xi32, #tpu.memory_space<vmem>>)
      %run_scoped3A_143 = arith.constant 0 : i32
      "tpu.region"() ({
        %run_scoped3A_144 = tpu.sem_alloc : memref<!tpu.dma_semaphore, #tpu.memory_space<semaphore_mem>>
        %dma_start3A_145 = arith.constant 0 : i32
        %dma_start3A_146 = tpu.memref_slice %arg9[%run_scoped3A_143, %dma_start3A_145] : memref<1x128xi32, #tpu.memory_space<vmem>> -> memref<1x128xi32, #tpu.memory_space<vmem>>
        %dma_start3A_147 = tpu.memref_squeeze %dma_start3A_146 : memref<1x128xi32, #tpu.memory_space<vmem>> -> memref<128xi32, #tpu.memory_space<vmem>>
        %dma_start3A_148 = arith.constant 0 : i32
        %dma_start3A_149 = arith.constant 0 : i32
        %dma_start3A_150 = tpu.memref_slice %arg6[%dma_start3A_148, %dma_start3A_149] : memref<10000x128xf32, #tpu.memory_space<vmem_shared>> -> memref<10000x128xf32, #tpu.memory_space<vmem_shared>>
        tpu.enqueue_indirect_dma source(%arg11 : memref<128x128xf32, #tpu.memory_space<vmem>>) target(%dma_start3A_150 : memref<10000x128xf32, #tpu.memory_space<vmem_shared>>) offsets(%dma_start3A_147 : memref<128xi32, #tpu.memory_space<vmem>>) semaphore(%run_scoped3A_144 : memref<!tpu.dma_semaphore, #tpu.memory_space<semaphore_mem>>) {add = true}
        %dma_wait3A_151 = arith.constant 0 : i32
        %dma_wait3A_152 = tpu.memref_slice %arg9[%run_scoped3A_143, %dma_wait3A_151] : memref<1x128xi32, #tpu.memory_space<vmem>> -> memref<1x128xi32, #tpu.memory_space<vmem>>
        %dma_wait3A_153 = tpu.memref_squeeze %dma_wait3A_152 : memref<1x128xi32, #tpu.memory_space<vmem>> -> memref<128xi32, #tpu.memory_space<vmem>>
        %dma_wait3A_154 = arith.constant 0 : i32
        %dma_wait3A_155 = arith.constant 0 : i32
        %dma_wait3A_156 = tpu.memref_slice %arg6[%dma_wait3A_154, %dma_wait3A_155] : memref<10000x128xf32, #tpu.memory_space<vmem_shared>> -> memref<10000x128xf32, #tpu.memory_space<vmem_shared>>
        tpu.wait_indirect_dma semaphore(%run_scoped3A_144 : memref<!tpu.dma_semaphore, #tpu.memory_space<semaphore_mem>>) src(%arg11 : memref<128x128xf32, #tpu.memory_space<vmem>>) dst(%dma_wait3A_156 : memref<10000x128xf32, #tpu.memory_space<vmem_shared>>)
        tpu.yield
      }) : () -> ()
    }
    %scan3A_44 = arith.constant 39 : i32
    %dma_wait3A_45 = arith.constant 9984 : i32
    %dma_wait3A_46 = tpu.memref_slice %arg7[%dma_wait3A_45] : memref<10112xi32, #tpu.memory_space<vmem>> -> memref<128xi32, #tpu.memory_space<vmem>>
    %dma_wait3A_47 = arith.constant 0 : i32
    %dma_wait3A_48 = arith.constant 0 : i32
    %dma_wait3A_49 = tpu.memref_slice %arg2[%dma_wait3A_47, %dma_wait3A_48] : memref<10008x128xf32, #tpu.memory_space<hbm>> -> memref<10008x128xf32, #tpu.memory_space<hbm>>
    tpu.wait_indirect_dma semaphore(%arg12 : memref<!tpu.dma_semaphore, #tpu.memory_space<semaphore_mem>>) src(%dma_wait3A_49 : memref<10008x128xf32, #tpu.memory_space<hbm>>) dst(%arg10 : memref<128x128xf32, #tpu.memory_space<vmem>>)
    %dma_wait3A_50 = arith.constant 78 : i32
    %dma_wait3A_51 = arith.constant 0 : i32
    %dma_wait3A_52 = arith.constant 0 : i32
    %dma_wait3A_53 = tpu.memref_slice %arg4[%add3A, %dma_wait3A_50, %dma_wait3A_51, %dma_wait3A_52] : memref<32x79x1x128xi32, #tpu.memory_space<hbm>> -> memref<1x1x1x128xi32, #tpu.memory_space<hbm>>
    %dma_wait3A_54 = tpu.memref_squeeze %dma_wait3A_53 : memref<1x1x1x128xi32, #tpu.memory_space<hbm>> -> memref<1x128xi32, #tpu.memory_space<hbm>>
    %dma_wait3A_55 = arith.constant 0 : i32
    %dma_wait3A_56 = arith.constant 0 : i32
    %dma_wait3A_57 = tpu.memref_slice %arg4[%add3A, %dma_wait3A_50, %dma_wait3A_55, %dma_wait3A_56] : memref<32x79x1x128xi32, #tpu.memory_space<hbm>> -> memref<1x1x1x128xi32, #tpu.memory_space<hbm>>
    %dma_wait3A_58 = tpu.memref_squeeze %dma_wait3A_57 : memref<1x1x1x128xi32, #tpu.memory_space<hbm>> -> memref<1x128xi32, #tpu.memory_space<hbm>>
    tpu.wait_dma2 semaphore(%arg14 : memref<!tpu.dma_semaphore, #tpu.memory_space<semaphore_mem>>) src(%dma_wait3A_58 : memref<1x128xi32, #tpu.memory_space<hbm>>) dst(%arg8 : memref<1x128xi32, #tpu.memory_space<vmem>>)
    %run_scoped3A = arith.constant 0 : i32
    "tpu.region"() ({
      %run_scoped3A_69 = tpu.sem_alloc : memref<!tpu.dma_semaphore, #tpu.memory_space<semaphore_mem>>
      %dma_start3A_70 = arith.constant 0 : i32
      %dma_start3A_71 = tpu.memref_slice %arg8[%run_scoped3A, %dma_start3A_70] : memref<1x128xi32, #tpu.memory_space<vmem>> -> memref<1x128xi32, #tpu.memory_space<vmem>>
      %dma_start3A_72 = tpu.memref_squeeze %dma_start3A_71 : memref<1x128xi32, #tpu.memory_space<vmem>> -> memref<128xi32, #tpu.memory_space<vmem>>
      %dma_start3A_73 = arith.constant 0 : i32
      %dma_start3A_74 = arith.constant 0 : i32
      %dma_start3A_75 = tpu.memref_slice %arg6[%dma_start3A_73, %dma_start3A_74] : memref<10000x128xf32, #tpu.memory_space<vmem_shared>> -> memref<10000x128xf32, #tpu.memory_space<vmem_shared>>
      tpu.enqueue_indirect_dma source(%arg10 : memref<128x128xf32, #tpu.memory_space<vmem>>) target(%dma_start3A_75 : memref<10000x128xf32, #tpu.memory_space<vmem_shared>>) offsets(%dma_start3A_72 : memref<128xi32, #tpu.memory_space<vmem>>) semaphore(%run_scoped3A_69 : memref<!tpu.dma_semaphore, #tpu.memory_space<semaphore_mem>>) {add = true}
      %dma_wait3A_76 = arith.constant 0 : i32
      %dma_wait3A_77 = tpu.memref_slice %arg8[%run_scoped3A, %dma_wait3A_76] : memref<1x128xi32, #tpu.memory_space<vmem>> -> memref<1x128xi32, #tpu.memory_space<vmem>>
      %dma_wait3A_78 = tpu.memref_squeeze %dma_wait3A_77 : memref<1x128xi32, #tpu.memory_space<vmem>> -> memref<128xi32, #tpu.memory_space<vmem>>
      %dma_wait3A_79 = arith.constant 0 : i32
      %dma_wait3A_80 = arith.constant 0 : i32
      %dma_wait3A_81 = tpu.memref_slice %arg6[%dma_wait3A_79, %dma_wait3A_80] : memref<10000x128xf32, #tpu.memory_space<vmem_shared>> -> memref<10000x128xf32, #tpu.memory_space<vmem_shared>>
      tpu.wait_indirect_dma semaphore(%run_scoped3A_69 : memref<!tpu.dma_semaphore, #tpu.memory_space<semaphore_mem>>) src(%arg10 : memref<128x128xf32, #tpu.memory_space<vmem>>) dst(%dma_wait3A_81 : memref<10000x128xf32, #tpu.memory_space<vmem_shared>>)
      tpu.yield
    }) : () -> ()
    %barrier3A_59 = arith.constant 0 : index
    tpu.barrier barrier_id(%barrier3A_59)
    %mul3A_60 = arith.constant 624 : i32
    %mul3A_61 = arith.muli %arg1, %mul3A_60 : i32
    %mul3A_62 = arith.constant 624 : i32
    %mul3A_63 = arith.muli %arg1, %mul3A_62 : i32
    "tpu.region"() ({
      %run_scoped3A_69 = tpu.sem_alloc : memref<!tpu.dma_semaphore, #tpu.memory_space<semaphore_mem>>
      %dma_start3A_70 = arith.constant 0 : i32
      %dma_start3A_71 = tpu.memref_slice %arg5[%arg0, %mul3A_63, %dma_start3A_70] : memref<2x10000x128xf32, #tpu.memory_space<hbm>> -> memref<1x624x128xf32, #tpu.memory_space<hbm>>
      %dma_start3A_72 = tpu.memref_squeeze %dma_start3A_71 : memref<1x624x128xf32, #tpu.memory_space<hbm>> -> memref<624x128xf32, #tpu.memory_space<hbm>>
      %dma_start3A_73 = arith.constant 0 : i32
      %dma_start3A_74 = tpu.memref_slice %arg6[%mul3A_61, %dma_start3A_73] : memref<10000x128xf32, #tpu.memory_space<vmem_shared>> -> memref<624x128xf32, #tpu.memory_space<vmem_shared>>
      tpu.enqueue_dma source(%dma_start3A_74 : memref<624x128xf32, #tpu.memory_space<vmem_shared>>) target(%dma_start3A_72 : memref<624x128xf32, #tpu.memory_space<hbm>>) target_semaphore(%run_scoped3A_69 : memref<!tpu.dma_semaphore, #tpu.memory_space<semaphore_mem>>)
      %dma_wait3A_75 = arith.constant 0 : i32
      %dma_wait3A_76 = tpu.memref_slice %arg5[%arg0, %mul3A_63, %dma_wait3A_75] : memref<2x10000x128xf32, #tpu.memory_space<hbm>> -> memref<1x624x128xf32, #tpu.memory_space<hbm>>
      %dma_wait3A_77 = tpu.memref_squeeze %dma_wait3A_76 : memref<1x624x128xf32, #tpu.memory_space<hbm>> -> memref<624x128xf32, #tpu.memory_space<hbm>>
      %dma_wait3A_78 = arith.constant 0 : i32
      %dma_wait3A_79 = tpu.memref_slice %arg6[%mul3A_61, %dma_wait3A_78] : memref<10000x128xf32, #tpu.memory_space<vmem_shared>> -> memref<624x128xf32, #tpu.memory_space<vmem_shared>>
      tpu.wait_dma2 semaphore(%run_scoped3A_69 : memref<!tpu.dma_semaphore, #tpu.memory_space<semaphore_mem>>) src(%dma_wait3A_79 : memref<624x128xf32, #tpu.memory_space<vmem_shared>>) dst(%dma_wait3A_77 : memref<624x128xf32, #tpu.memory_space<hbm>>)
      tpu.yield
    }) : () -> ()
    %eq3A_64 = arith.constant 15 : i32
    %eq3A_65 = arith.cmpi eq, %arg1, %eq3A_64 : i32
    %convert_element_type3A_66 = arith.extui %eq3A_65 : i1 to i32
    %cond3A_67 = arith.constant 0 : i32
    %cond3A_68 = arith.cmpi ne, %convert_element_type3A_66, %cond3A_67 : i32
    scf.if %cond3A_68 {
      "tpu.region"() ({
        %run_scoped3A_69 = tpu.sem_alloc : memref<!tpu.dma_semaphore, #tpu.memory_space<semaphore_mem>>
        %dma_start3A_70 = arith.constant 9984 : i32
        %dma_start3A_71 = arith.constant 0 : i32
        %dma_start3A_72 = tpu.memref_slice %arg5[%arg0, %dma_start3A_70, %dma_start3A_71] : memref<2x10000x128xf32, #tpu.memory_space<hbm>> -> memref<1x16x128xf32, #tpu.memory_space<hbm>>
        %dma_start3A_73 = tpu.memref_squeeze %dma_start3A_72 : memref<1x16x128xf32, #tpu.memory_space<hbm>> -> memref<16x128xf32, #tpu.memory_space<hbm>>
        %dma_start3A_74 = arith.constant 9984 : i32
        %dma_start3A_75 = arith.constant 0 : i32
        %dma_start3A_76 = tpu.memref_slice %arg6[%dma_start3A_74, %dma_start3A_75] : memref<10000x128xf32, #tpu.memory_space<vmem_shared>> -> memref<16x128xf32, #tpu.memory_space<vmem_shared>>
        tpu.enqueue_dma source(%dma_start3A_76 : memref<16x128xf32, #tpu.memory_space<vmem_shared>>) target(%dma_start3A_73 : memref<16x128xf32, #tpu.memory_space<hbm>>) target_semaphore(%run_scoped3A_69 : memref<!tpu.dma_semaphore, #tpu.memory_space<semaphore_mem>>)
        %dma_wait3A_77 = arith.constant 9984 : i32
        %dma_wait3A_78 = arith.constant 0 : i32
        %dma_wait3A_79 = tpu.memref_slice %arg5[%arg0, %dma_wait3A_77, %dma_wait3A_78] : memref<2x10000x128xf32, #tpu.memory_space<hbm>> -> memref<1x16x128xf32, #tpu.memory_space<hbm>>
        %dma_wait3A_80 = tpu.memref_squeeze %dma_wait3A_79 : memref<1x16x128xf32, #tpu.memory_space<hbm>> -> memref<16x128xf32, #tpu.memory_space<hbm>>
        %dma_wait3A_81 = arith.constant 9984 : i32
        %dma_wait3A_82 = arith.constant 0 : i32
        %dma_wait3A_83 = tpu.memref_slice %arg6[%dma_wait3A_81, %dma_wait3A_82] : memref<10000x128xf32, #tpu.memory_space<vmem_shared>> -> memref<16x128xf32, #tpu.memory_space<vmem_shared>>
        tpu.wait_dma2 semaphore(%run_scoped3A_69 : memref<!tpu.dma_semaphore, #tpu.memory_space<semaphore_mem>>) src(%dma_wait3A_83 : memref<16x128xf32, #tpu.memory_space<vmem_shared>>) dst(%dma_wait3A_80 : memref<16x128xf32, #tpu.memory_space<hbm>>)
        tpu.yield
      }) : () -> ()
    } else {
    }
    return
  }
}

#map = affine_map<(d0, d1) -> (0, 0, 0, 0)>
#map1 = affine_map<(d0, d1) -> (0, 0, 0)>
module attributes {stable_mosaic.version = 14 : i64} {
  func.func @_deg_kernel(%arg0: i32, %arg1: i32, %arg2: memref<2x32x125x80xi32, #tpu.memory_space<hbm>>, %arg3: memref<32x2x10000xf32, #tpu.memory_space<hbm>>, %arg4: memref<10000xf32, #tpu.memory_space<vmem>>, %arg5: memref<10000xf32, #tpu.memory_space<vmem>>, %arg6: memref<125x80xi32, #tpu.memory_space<vmem>>, %arg7: memref<125x80xi32, #tpu.memory_space<vmem>>) attributes {dimension_semantics = [#tpu.dimension_semantics<core_parallel>, #tpu.dimension_semantics<subcore_parallel>], iteration_bounds = array<i64: 2, 16>, scalar_prefetch = 0 : i64, scratch_operands = 4 : i64, tpu.core_type = #tpu.core_type<sc_vector_subcore>, window_params = [{transform_indices = #map}, {transform_indices = #map1}]} {
    %mul3A = arith.constant 2 : i32
    %mul3A_0 = arith.muli %arg1, %mul3A : i32
    %add3A = arith.addi %mul3A_0, %arg0 : i32
    %run_scoped3A = arith.constant 0 : i32
    "tpu.region"() ({
      %run_scoped3A_13 = tpu.sem_alloc : memref<!tpu.dma_semaphore, #tpu.memory_space<semaphore_mem>>
      %dma_start3A = arith.constant 0 : i32
      %dma_start3A_14 = arith.constant 0 : i32
      %dma_start3A_15 = tpu.memref_slice %arg2[%run_scoped3A, %add3A, %dma_start3A, %dma_start3A_14] : memref<2x32x125x80xi32, #tpu.memory_space<hbm>> -> memref<1x1x125x80xi32, #tpu.memory_space<hbm>>
      %dma_start3A_16 = tpu.memref_squeeze %dma_start3A_15 : memref<1x1x125x80xi32, #tpu.memory_space<hbm>> -> memref<125x80xi32, #tpu.memory_space<hbm>>
      %dma_start3A_17 = arith.constant 0 : i32
      %dma_start3A_18 = arith.constant 0 : i32
      %dma_start3A_19 = tpu.memref_slice %arg2[%run_scoped3A, %add3A, %dma_start3A_17, %dma_start3A_18] : memref<2x32x125x80xi32, #tpu.memory_space<hbm>> -> memref<1x1x125x80xi32, #tpu.memory_space<hbm>>
      %dma_start3A_20 = tpu.memref_squeeze %dma_start3A_19 : memref<1x1x125x80xi32, #tpu.memory_space<hbm>> -> memref<125x80xi32, #tpu.memory_space<hbm>>
      tpu.enqueue_dma source(%dma_start3A_20 : memref<125x80xi32, #tpu.memory_space<hbm>>) target(%arg6 : memref<125x80xi32, #tpu.memory_space<vmem>>) target_semaphore(%run_scoped3A_13 : memref<!tpu.dma_semaphore, #tpu.memory_space<semaphore_mem>>)
      %dma_wait3A = arith.constant 0 : i32
      %dma_wait3A_21 = arith.constant 0 : i32
      %dma_wait3A_22 = tpu.memref_slice %arg2[%run_scoped3A, %add3A, %dma_wait3A, %dma_wait3A_21] : memref<2x32x125x80xi32, #tpu.memory_space<hbm>> -> memref<1x1x125x80xi32, #tpu.memory_space<hbm>>
      %dma_wait3A_23 = tpu.memref_squeeze %dma_wait3A_22 : memref<1x1x125x80xi32, #tpu.memory_space<hbm>> -> memref<125x80xi32, #tpu.memory_space<hbm>>
      %dma_wait3A_24 = arith.constant 0 : i32
      %dma_wait3A_25 = arith.constant 0 : i32
      %dma_wait3A_26 = tpu.memref_slice %arg2[%run_scoped3A, %add3A, %dma_wait3A_24, %dma_wait3A_25] : memref<2x32x125x80xi32, #tpu.memory_space<hbm>> -> memref<1x1x125x80xi32, #tpu.memory_space<hbm>>
      %dma_wait3A_27 = tpu.memref_squeeze %dma_wait3A_26 : memref<1x1x125x80xi32, #tpu.memory_space<hbm>> -> memref<125x80xi32, #tpu.memory_space<hbm>>
      tpu.wait_dma2 semaphore(%run_scoped3A_13 : memref<!tpu.dma_semaphore, #tpu.memory_space<semaphore_mem>>) src(%dma_wait3A_27 : memref<125x80xi32, #tpu.memory_space<hbm>>) dst(%arg6 : memref<125x80xi32, #tpu.memory_space<vmem>>)
      tpu.yield
    }) : () -> ()
    %run_scoped3A_1 = arith.constant 1 : i32
    "tpu.region"() ({
      %run_scoped3A_13 = tpu.sem_alloc : memref<!tpu.dma_semaphore, #tpu.memory_space<semaphore_mem>>
      %dma_start3A = arith.constant 0 : i32
      %dma_start3A_14 = arith.constant 0 : i32
      %dma_start3A_15 = tpu.memref_slice %arg2[%run_scoped3A_1, %add3A, %dma_start3A, %dma_start3A_14] : memref<2x32x125x80xi32, #tpu.memory_space<hbm>> -> memref<1x1x125x80xi32, #tpu.memory_space<hbm>>
      %dma_start3A_16 = tpu.memref_squeeze %dma_start3A_15 : memref<1x1x125x80xi32, #tpu.memory_space<hbm>> -> memref<125x80xi32, #tpu.memory_space<hbm>>
      %dma_start3A_17 = arith.constant 0 : i32
      %dma_start3A_18 = arith.constant 0 : i32
      %dma_start3A_19 = tpu.memref_slice %arg2[%run_scoped3A_1, %add3A, %dma_start3A_17, %dma_start3A_18] : memref<2x32x125x80xi32, #tpu.memory_space<hbm>> -> memref<1x1x125x80xi32, #tpu.memory_space<hbm>>
      %dma_start3A_20 = tpu.memref_squeeze %dma_start3A_19 : memref<1x1x125x80xi32, #tpu.memory_space<hbm>> -> memref<125x80xi32, #tpu.memory_space<hbm>>
      tpu.enqueue_dma source(%dma_start3A_20 : memref<125x80xi32, #tpu.memory_space<hbm>>) target(%arg7 : memref<125x80xi32, #tpu.memory_space<vmem>>) target_semaphore(%run_scoped3A_13 : memref<!tpu.dma_semaphore, #tpu.memory_space<semaphore_mem>>)
      %dma_wait3A = arith.constant 0 : i32
      %dma_wait3A_21 = arith.constant 0 : i32
      %dma_wait3A_22 = tpu.memref_slice %arg2[%run_scoped3A_1, %add3A, %dma_wait3A, %dma_wait3A_21] : memref<2x32x125x80xi32, #tpu.memory_space<hbm>> -> memref<1x1x125x80xi32, #tpu.memory_space<hbm>>
      %dma_wait3A_23 = tpu.memref_squeeze %dma_wait3A_22 : memref<1x1x125x80xi32, #tpu.memory_space<hbm>> -> memref<125x80xi32, #tpu.memory_space<hbm>>
      %dma_wait3A_24 = arith.constant 0 : i32
      %dma_wait3A_25 = arith.constant 0 : i32
      %dma_wait3A_26 = tpu.memref_slice %arg2[%run_scoped3A_1, %add3A, %dma_wait3A_24, %dma_wait3A_25] : memref<2x32x125x80xi32, #tpu.memory_space<hbm>> -> memref<1x1x125x80xi32, #tpu.memory_space<hbm>>
      %dma_wait3A_27 = tpu.memref_squeeze %dma_wait3A_26 : memref<1x1x125x80xi32, #tpu.memory_space<hbm>> -> memref<125x80xi32, #tpu.memory_space<hbm>>
      tpu.wait_dma2 semaphore(%run_scoped3A_13 : memref<!tpu.dma_semaphore, #tpu.memory_space<semaphore_mem>>) src(%dma_wait3A_27 : memref<125x80xi32, #tpu.memory_space<hbm>>) dst(%arg7 : memref<125x80xi32, #tpu.memory_space<vmem>>)
      tpu.yield
    }) : () -> ()
    %scan3A = arith.constant 0 : i32
    %scan3A_2 = arith.constant 625 : i32
    %scan3A_3 = arith.addi %scan3A, %scan3A_2 : i32
    %scan3A_4 = arith.constant 1 : i32
    scf.for %scan3A_13 = %scan3A to %scan3A_3 step %scan3A_4  : i32 {
      %mul3A_14 = arith.constant 16 : i32
      %mul3A_15 = arith.muli %scan3A_13, %mul3A_14 : i32
      %add3A_16 = arith.constant 0 : i32
      %add3A_17 = arith.addi %add3A_16, %mul3A_15 : i32
      %broadcast_in_dim3A = arith.constant 0.000000e+00 : f32
      %broadcast_in_dim3A_18 = vector.broadcast %broadcast_in_dim3A : f32 to vector<16xf32>
      %swap3A = arith.index_cast %add3A_17 : i32 to index
      %swap3A_19 = tpu.vector_load %arg4[%swap3A] {strides = array<i32>} : memref<10000xf32, #tpu.memory_space<vmem>>, vector<16xf32>,
      tpu.vector_store %arg4[%swap3A], %broadcast_in_dim3A_18 {strides = array<i32>} : memref<10000xf32, #tpu.memory_space<vmem>>, vector<16xf32>,
      %swap3A_20 = arith.index_cast %add3A_17 : i32 to index
      %swap3A_21 = tpu.vector_load %arg5[%swap3A_20] {strides = array<i32>} : memref<10000xf32, #tpu.memory_space<vmem>>, vector<16xf32>,
      tpu.vector_store %arg5[%swap3A_20], %broadcast_in_dim3A_18 {strides = array<i32>} : memref<10000xf32, #tpu.memory_space<vmem>>, vector<16xf32>,
    }
    %scan3A_5 = arith.constant 625 : i32
    %scan3A_6 = arith.constant 0 : i32
    %scan3A_7 = arith.constant 125 : i32
    %scan3A_8 = arith.addi %scan3A_6, %scan3A_7 : i32
    %scan3A_9 = arith.constant 1 : i32
    scf.for %scan3A_13 = %scan3A_6 to %scan3A_8 step %scan3A_9  : i32 {
      %mul3A_14 = arith.constant 1 : i32
      %mul3A_15 = arith.muli %scan3A_13, %mul3A_14 : i32
      %add3A_16 = arith.constant 0 : i32
      %add3A_17 = arith.addi %add3A_16, %mul3A_15 : i32
      %scan3A_18 = arith.constant 0 : i32
      %scan3A_19 = arith.constant 5 : i32
      %scan3A_20 = arith.addi %scan3A_18, %scan3A_19 : i32
      %scan3A_21 = arith.constant 1 : i32
      scf.for %scan3A_23 = %scan3A_18 to %scan3A_20 step %scan3A_21  : i32 {
        %mul3A_24 = arith.constant 16 : i32
        %mul3A_25 = arith.muli %scan3A_23, %mul3A_24 : i32
        %add3A_26 = arith.constant 0 : i32
        %add3A_27 = arith.addi %add3A_26, %mul3A_25 : i32
        %broadcast_in_dim3A = arith.constant 1.000000e+00 : f32
        %broadcast_in_dim3A_28 = vector.broadcast %broadcast_in_dim3A : f32 to vector<16xf32>
        %get3A = arith.index_cast %add3A_17 : i32 to index
        %get3A_29 = arith.index_cast %add3A_27 : i32 to index
        %get3A_30 = tpu.vector_load %arg6[%get3A, %get3A_29] {strides = array<i32>} : memref<125x80xi32, #tpu.memory_space<vmem>>, vector<16xi32>,
        tpu.vector_store_idx %arg4[%get3A_30], %broadcast_in_dim3A_28 {add = true} : memref<10000xf32, #tpu.memory_space<vmem>>[vector<16xi32>], vector<16xf32>,
        %get3A_31 = arith.index_cast %add3A_17 : i32 to index
        %get3A_32 = arith.index_cast %add3A_27 : i32 to index
        %get3A_33 = tpu.vector_load %arg7[%get3A_31, %get3A_32] {strides = array<i32>} : memref<125x80xi32, #tpu.memory_space<vmem>>, vector<16xi32>,
        tpu.vector_store_idx %arg5[%get3A_33], %broadcast_in_dim3A_28 {add = true} : memref<10000xf32, #tpu.memory_space<vmem>>[vector<16xi32>], vector<16xf32>,
      }
      %scan3A_22 = arith.constant 5 : i32
    }
    %scan3A_10 = arith.constant 125 : i32
    %run_scoped3A_11 = arith.constant 0 : i32
    "tpu.region"() ({
      %run_scoped3A_13 = tpu.sem_alloc : memref<!tpu.dma_semaphore, #tpu.memory_space<semaphore_mem>>
      %dma_start3A = arith.constant 0 : i32
      %dma_start3A_14 = tpu.memref_slice %arg3[%add3A, %run_scoped3A_11, %dma_start3A] : memref<32x2x10000xf32, #tpu.memory_space<hbm>> -> memref<1x1x10000xf32, #tpu.memory_space<hbm>>
      %dma_start3A_15 = tpu.memref_squeeze %dma_start3A_14 : memref<1x1x10000xf32, #tpu.memory_space<hbm>> -> memref<10000xf32, #tpu.memory_space<hbm>>
      %dma_start3A_16 = arith.constant 0 : i32
      %dma_start3A_17 = tpu.memref_slice %arg3[%add3A, %run_scoped3A_11, %dma_start3A_16] : memref<32x2x10000xf32, #tpu.memory_space<hbm>> -> memref<1x1x10000xf32, #tpu.memory_space<hbm>>
      %dma_start3A_18 = tpu.memref_squeeze %dma_start3A_17 : memref<1x1x10000xf32, #tpu.memory_space<hbm>> -> memref<10000xf32, #tpu.memory_space<hbm>>
      tpu.enqueue_dma source(%arg4 : memref<10000xf32, #tpu.memory_space<vmem>>) target(%dma_start3A_18 : memref<10000xf32, #tpu.memory_space<hbm>>) target_semaphore(%run_scoped3A_13 : memref<!tpu.dma_semaphore, #tpu.memory_space<semaphore_mem>>)
      %dma_wait3A = arith.constant 0 : i32
      %dma_wait3A_19 = tpu.memref_slice %arg3[%add3A, %run_scoped3A_11, %dma_wait3A] : memref<32x2x10000xf32, #tpu.memory_space<hbm>> -> memref<1x1x10000xf32, #tpu.memory_space<hbm>>
      %dma_wait3A_20 = tpu.memref_squeeze %dma_wait3A_19 : memref<1x1x10000xf32, #tpu.memory_space<hbm>> -> memref<10000xf32, #tpu.memory_space<hbm>>
      %dma_wait3A_21 = arith.constant 0 : i32
      %dma_wait3A_22 = tpu.memref_slice %arg3[%add3A, %run_scoped3A_11, %dma_wait3A_21] : memref<32x2x10000xf32, #tpu.memory_space<hbm>> -> memref<1x1x10000xf32, #tpu.memory_space<hbm>>
      %dma_wait3A_23 = tpu.memref_squeeze %dma_wait3A_22 : memref<1x1x10000xf32, #tpu.memory_space<hbm>> -> memref<10000xf32, #tpu.memory_space<hbm>>
      tpu.wait_dma2 semaphore(%run_scoped3A_13 : memref<!tpu.dma_semaphore, #tpu.memory_space<semaphore_mem>>) src(%arg4 : memref<10000xf32, #tpu.memory_space<vmem>>) dst(%dma_wait3A_23 : memref<10000xf32, #tpu.memory_space<hbm>>)
      tpu.yield
    }) : () -> ()
    %run_scoped3A_12 = arith.constant 1 : i32
    "tpu.region"() ({
      %run_scoped3A_13 = tpu.sem_alloc : memref<!tpu.dma_semaphore, #tpu.memory_space<semaphore_mem>>
      %dma_start3A = arith.constant 0 : i32
      %dma_start3A_14 = tpu.memref_slice %arg3[%add3A, %run_scoped3A_12, %dma_start3A] : memref<32x2x10000xf32, #tpu.memory_space<hbm>> -> memref<1x1x10000xf32, #tpu.memory_space<hbm>>
      %dma_start3A_15 = tpu.memref_squeeze %dma_start3A_14 : memref<1x1x10000xf32, #tpu.memory_space<hbm>> -> memref<10000xf32, #tpu.memory_space<hbm>>
      %dma_start3A_16 = arith.constant 0 : i32
      %dma_start3A_17 = tpu.memref_slice %arg3[%add3A, %run_scoped3A_12, %dma_start3A_16] : memref<32x2x10000xf32, #tpu.memory_space<hbm>> -> memref<1x1x10000xf32, #tpu.memory_space<hbm>>
      %dma_start3A_18 = tpu.memref_squeeze %dma_start3A_17 : memref<1x1x10000xf32, #tpu.memory_space<hbm>> -> memref<10000xf32, #tpu.memory_space<hbm>>
      tpu.enqueue_dma source(%arg5 : memref<10000xf32, #tpu.memory_space<vmem>>) target(%dma_start3A_18 : memref<10000xf32, #tpu.memory_space<hbm>>) target_semaphore(%run_scoped3A_13 : memref<!tpu.dma_semaphore, #tpu.memory_space<semaphore_mem>>)
      %dma_wait3A = arith.constant 0 : i32
      %dma_wait3A_19 = tpu.memref_slice %arg3[%add3A, %run_scoped3A_12, %dma_wait3A] : memref<32x2x10000xf32, #tpu.memory_space<hbm>> -> memref<1x1x10000xf32, #tpu.memory_space<hbm>>
      %dma_wait3A_20 = tpu.memref_squeeze %dma_wait3A_19 : memref<1x1x10000xf32, #tpu.memory_space<hbm>> -> memref<10000xf32, #tpu.memory_space<hbm>>
      %dma_wait3A_21 = arith.constant 0 : i32
      %dma_wait3A_22 = tpu.memref_slice %arg3[%add3A, %run_scoped3A_12, %dma_wait3A_21] : memref<32x2x10000xf32, #tpu.memory_space<hbm>> -> memref<1x1x10000xf32, #tpu.memory_space<hbm>>
      %dma_wait3A_23 = tpu.memref_squeeze %dma_wait3A_22 : memref<1x1x10000xf32, #tpu.memory_space<hbm>> -> memref<10000xf32, #tpu.memory_space<hbm>>
      tpu.wait_dma2 semaphore(%run_scoped3A_13 : memref<!tpu.dma_semaphore, #tpu.memory_space<semaphore_mem>>) src(%arg5 : memref<10000xf32, #tpu.memory_space<vmem>>) dst(%dma_wait3A_23 : memref<10000xf32, #tpu.memory_space<hbm>>)
      tpu.yield
    }) : () -> ()
    return
  }
}

#map = affine_map<(d0, d1) -> (0, 0, 0, 0)>
#map1 = affine_map<(d0, d1) -> (0, 0)>
module attributes {stable_mosaic.version = 14 : i64} {
  func.func @_cvec_kernel(%arg0: i32, %arg1: i32, %arg2: memref<2x32x125x80xi32, #tpu.memory_space<hbm>>, %arg3: memref<2x10000xf32, #tpu.memory_space<hbm>>, %arg4: memref<32x10000xf32, #tpu.memory_space<hbm>>, %arg5: memref<10000xf32, #tpu.memory_space<vmem>>, %arg6: memref<10000xf32, #tpu.memory_space<vmem>>, %arg7: memref<125x80xi32, #tpu.memory_space<vmem>>, %arg8: memref<125x80xi32, #tpu.memory_space<vmem>>) attributes {dimension_semantics = [#tpu.dimension_semantics<core_parallel>, #tpu.dimension_semantics<subcore_parallel>], iteration_bounds = array<i64: 2, 16>, scalar_prefetch = 0 : i64, scratch_operands = 4 : i64, tpu.core_type = #tpu.core_type<sc_vector_subcore>, window_params = [{transform_indices = #map}, {transform_indices = #map1}, {transform_indices = #map1}]} {
    %mul3A = arith.constant 2 : i32
    %mul3A_0 = arith.muli %arg1, %mul3A : i32
    %add3A = arith.addi %mul3A_0, %arg0 : i32
    %run_scoped3A = arith.constant 1 : i32
    "tpu.region"() ({
      %run_scoped3A_12 = tpu.sem_alloc : memref<!tpu.dma_semaphore, #tpu.memory_space<semaphore_mem>>
      %dma_start3A = arith.constant 0 : i32
      %dma_start3A_13 = tpu.memref_slice %arg3[%run_scoped3A, %dma_start3A] : memref<2x10000xf32, #tpu.memory_space<hbm>> -> memref<1x10000xf32, #tpu.memory_space<hbm>>
      %dma_start3A_14 = tpu.memref_squeeze %dma_start3A_13 : memref<1x10000xf32, #tpu.memory_space<hbm>> -> memref<10000xf32, #tpu.memory_space<hbm>>
      %dma_start3A_15 = arith.constant 0 : i32
      %dma_start3A_16 = tpu.memref_slice %arg3[%run_scoped3A, %dma_start3A_15] : memref<2x10000xf32, #tpu.memory_space<hbm>> -> memref<1x10000xf32, #tpu.memory_space<hbm>>
      %dma_start3A_17 = tpu.memref_squeeze %dma_start3A_16 : memref<1x10000xf32, #tpu.memory_space<hbm>> -> memref<10000xf32, #tpu.memory_space<hbm>>
      tpu.enqueue_dma source(%dma_start3A_17 : memref<10000xf32, #tpu.memory_space<hbm>>) target(%arg5 : memref<10000xf32, #tpu.memory_space<vmem>>) target_semaphore(%run_scoped3A_12 : memref<!tpu.dma_semaphore, #tpu.memory_space<semaphore_mem>>)
      %dma_wait3A = arith.constant 0 : i32
      %dma_wait3A_18 = tpu.memref_slice %arg3[%run_scoped3A, %dma_wait3A] : memref<2x10000xf32, #tpu.memory_space<hbm>> -> memref<1x10000xf32, #tpu.memory_space<hbm>>
      %dma_wait3A_19 = tpu.memref_squeeze %dma_wait3A_18 : memref<1x10000xf32, #tpu.memory_space<hbm>> -> memref<10000xf32, #tpu.memory_space<hbm>>
      %dma_wait3A_20 = arith.constant 0 : i32
      %dma_wait3A_21 = tpu.memref_slice %arg3[%run_scoped3A, %dma_wait3A_20] : memref<2x10000xf32, #tpu.memory_space<hbm>> -> memref<1x10000xf32, #tpu.memory_space<hbm>>
      %dma_wait3A_22 = tpu.memref_squeeze %dma_wait3A_21 : memref<1x10000xf32, #tpu.memory_space<hbm>> -> memref<10000xf32, #tpu.memory_space<hbm>>
      tpu.wait_dma2 semaphore(%run_scoped3A_12 : memref<!tpu.dma_semaphore, #tpu.memory_space<semaphore_mem>>) src(%dma_wait3A_22 : memref<10000xf32, #tpu.memory_space<hbm>>) dst(%arg5 : memref<10000xf32, #tpu.memory_space<vmem>>)
      tpu.yield
    }) : () -> ()
    %run_scoped3A_1 = arith.constant 0 : i32
    "tpu.region"() ({
      %run_scoped3A_12 = tpu.sem_alloc : memref<!tpu.dma_semaphore, #tpu.memory_space<semaphore_mem>>
      %dma_start3A = arith.constant 0 : i32
      %dma_start3A_13 = arith.constant 0 : i32
      %dma_start3A_14 = tpu.memref_slice %arg2[%run_scoped3A_1, %add3A, %dma_start3A, %dma_start3A_13] : memref<2x32x125x80xi32, #tpu.memory_space<hbm>> -> memref<1x1x125x80xi32, #tpu.memory_space<hbm>>
      %dma_start3A_15 = tpu.memref_squeeze %dma_start3A_14 : memref<1x1x125x80xi32, #tpu.memory_space<hbm>> -> memref<125x80xi32, #tpu.memory_space<hbm>>
      %dma_start3A_16 = arith.constant 0 : i32
      %dma_start3A_17 = arith.constant 0 : i32
      %dma_start3A_18 = tpu.memref_slice %arg2[%run_scoped3A_1, %add3A, %dma_start3A_16, %dma_start3A_17] : memref<2x32x125x80xi32, #tpu.memory_space<hbm>> -> memref<1x1x125x80xi32, #tpu.memory_space<hbm>>
      %dma_start3A_19 = tpu.memref_squeeze %dma_start3A_18 : memref<1x1x125x80xi32, #tpu.memory_space<hbm>> -> memref<125x80xi32, #tpu.memory_space<hbm>>
      tpu.enqueue_dma source(%dma_start3A_19 : memref<125x80xi32, #tpu.memory_space<hbm>>) target(%arg7 : memref<125x80xi32, #tpu.memory_space<vmem>>) target_semaphore(%run_scoped3A_12 : memref<!tpu.dma_semaphore, #tpu.memory_space<semaphore_mem>>)
      %dma_wait3A = arith.constant 0 : i32
      %dma_wait3A_20 = arith.constant 0 : i32
      %dma_wait3A_21 = tpu.memref_slice %arg2[%run_scoped3A_1, %add3A, %dma_wait3A, %dma_wait3A_20] : memref<2x32x125x80xi32, #tpu.memory_space<hbm>> -> memref<1x1x125x80xi32, #tpu.memory_space<hbm>>
      %dma_wait3A_22 = tpu.memref_squeeze %dma_wait3A_21 : memref<1x1x125x80xi32, #tpu.memory_space<hbm>> -> memref<125x80xi32, #tpu.memory_space<hbm>>
      %dma_wait3A_23 = arith.constant 0 : i32
      %dma_wait3A_24 = arith.constant 0 : i32
      %dma_wait3A_25 = tpu.memref_slice %arg2[%run_scoped3A_1, %add3A, %dma_wait3A_23, %dma_wait3A_24] : memref<2x32x125x80xi32, #tpu.memory_space<hbm>> -> memref<1x1x125x80xi32, #tpu.memory_space<hbm>>
      %dma_wait3A_26 = tpu.memref_squeeze %dma_wait3A_25 : memref<1x1x125x80xi32, #tpu.memory_space<hbm>> -> memref<125x80xi32, #tpu.memory_space<hbm>>
      tpu.wait_dma2 semaphore(%run_scoped3A_12 : memref<!tpu.dma_semaphore, #tpu.memory_space<semaphore_mem>>) src(%dma_wait3A_26 : memref<125x80xi32, #tpu.memory_space<hbm>>) dst(%arg7 : memref<125x80xi32, #tpu.memory_space<vmem>>)
      tpu.yield
    }) : () -> ()
    %run_scoped3A_2 = arith.constant 1 : i32
    "tpu.region"() ({
      %run_scoped3A_12 = tpu.sem_alloc : memref<!tpu.dma_semaphore, #tpu.memory_space<semaphore_mem>>
      %dma_start3A = arith.constant 0 : i32
      %dma_start3A_13 = arith.constant 0 : i32
      %dma_start3A_14 = tpu.memref_slice %arg2[%run_scoped3A_2, %add3A, %dma_start3A, %dma_start3A_13] : memref<2x32x125x80xi32, #tpu.memory_space<hbm>> -> memref<1x1x125x80xi32, #tpu.memory_space<hbm>>
      %dma_start3A_15 = tpu.memref_squeeze %dma_start3A_14 : memref<1x1x125x80xi32, #tpu.memory_space<hbm>> -> memref<125x80xi32, #tpu.memory_space<hbm>>
      %dma_start3A_16 = arith.constant 0 : i32
      %dma_start3A_17 = arith.constant 0 : i32
      %dma_start3A_18 = tpu.memref_slice %arg2[%run_scoped3A_2, %add3A, %dma_start3A_16, %dma_start3A_17] : memref<2x32x125x80xi32, #tpu.memory_space<hbm>> -> memref<1x1x125x80xi32, #tpu.memory_space<hbm>>
      %dma_start3A_19 = tpu.memref_squeeze %dma_start3A_18 : memref<1x1x125x80xi32, #tpu.memory_space<hbm>> -> memref<125x80xi32, #tpu.memory_space<hbm>>
      tpu.enqueue_dma source(%dma_start3A_19 : memref<125x80xi32, #tpu.memory_space<hbm>>) target(%arg8 : memref<125x80xi32, #tpu.memory_space<vmem>>) target_semaphore(%run_scoped3A_12 : memref<!tpu.dma_semaphore, #tpu.memory_space<semaphore_mem>>)
      %dma_wait3A = arith.constant 0 : i32
      %dma_wait3A_20 = arith.constant 0 : i32
      %dma_wait3A_21 = tpu.memref_slice %arg2[%run_scoped3A_2, %add3A, %dma_wait3A, %dma_wait3A_20] : memref<2x32x125x80xi32, #tpu.memory_space<hbm>> -> memref<1x1x125x80xi32, #tpu.memory_space<hbm>>
      %dma_wait3A_22 = tpu.memref_squeeze %dma_wait3A_21 : memref<1x1x125x80xi32, #tpu.memory_space<hbm>> -> memref<125x80xi32, #tpu.memory_space<hbm>>
      %dma_wait3A_23 = arith.constant 0 : i32
      %dma_wait3A_24 = arith.constant 0 : i32
      %dma_wait3A_25 = tpu.memref_slice %arg2[%run_scoped3A_2, %add3A, %dma_wait3A_23, %dma_wait3A_24] : memref<2x32x125x80xi32, #tpu.memory_space<hbm>> -> memref<1x1x125x80xi32, #tpu.memory_space<hbm>>
      %dma_wait3A_26 = tpu.memref_squeeze %dma_wait3A_25 : memref<1x1x125x80xi32, #tpu.memory_space<hbm>> -> memref<125x80xi32, #tpu.memory_space<hbm>>
      tpu.wait_dma2 semaphore(%run_scoped3A_12 : memref<!tpu.dma_semaphore, #tpu.memory_space<semaphore_mem>>) src(%dma_wait3A_26 : memref<125x80xi32, #tpu.memory_space<hbm>>) dst(%arg8 : memref<125x80xi32, #tpu.memory_space<vmem>>)
      tpu.yield
    }) : () -> ()
    %scan3A = arith.constant 0 : i32
    %scan3A_3 = arith.constant 625 : i32
    %scan3A_4 = arith.addi %scan3A, %scan3A_3 : i32
    %scan3A_5 = arith.constant 1 : i32
    scf.for %scan3A_12 = %scan3A to %scan3A_4 step %scan3A_5  : i32 {
      %mul3A_13 = arith.constant 16 : i32
      %mul3A_14 = arith.muli %scan3A_12, %mul3A_13 : i32
      %add3A_15 = arith.constant 0 : i32
      %add3A_16 = arith.addi %add3A_15, %mul3A_14 : i32
      %broadcast_in_dim3A = arith.constant 0.000000e+00 : f32
      %broadcast_in_dim3A_17 = vector.broadcast %broadcast_in_dim3A : f32 to vector<16xf32>
      %swap3A = arith.index_cast %add3A_16 : i32 to index
      %swap3A_18 = tpu.vector_load %arg6[%swap3A] {strides = array<i32>} : memref<10000xf32, #tpu.memory_space<vmem>>, vector<16xf32>,
      tpu.vector_store %arg6[%swap3A], %broadcast_in_dim3A_17 {strides = array<i32>} : memref<10000xf32, #tpu.memory_space<vmem>>, vector<16xf32>,
    }
    %scan3A_6 = arith.constant 625 : i32
    %scan3A_7 = arith.constant 0 : i32
    %scan3A_8 = arith.constant 125 : i32
    %scan3A_9 = arith.addi %scan3A_7, %scan3A_8 : i32
    %scan3A_10 = arith.constant 1 : i32
    scf.for %scan3A_12 = %scan3A_7 to %scan3A_9 step %scan3A_10  : i32 {
      %mul3A_13 = arith.constant 1 : i32
      %mul3A_14 = arith.muli %scan3A_12, %mul3A_13 : i32
      %add3A_15 = arith.constant 0 : i32
      %add3A_16 = arith.addi %add3A_15, %mul3A_14 : i32
      %scan3A_17 = arith.constant 0 : i32
      %scan3A_18 = arith.constant 5 : i32
      %scan3A_19 = arith.addi %scan3A_17, %scan3A_18 : i32
      %scan3A_20 = arith.constant 1 : i32
      scf.for %scan3A_22 = %scan3A_17 to %scan3A_19 step %scan3A_20  : i32 {
        %mul3A_23 = arith.constant 16 : i32
        %mul3A_24 = arith.muli %scan3A_22, %mul3A_23 : i32
        %add3A_25 = arith.constant 0 : i32
        %add3A_26 = arith.addi %add3A_25, %mul3A_24 : i32
        %get3A = arith.index_cast %add3A_16 : i32 to index
        %get3A_27 = arith.index_cast %add3A_26 : i32 to index
        %get3A_28 = tpu.vector_load %arg8[%get3A, %get3A_27] {strides = array<i32>} : memref<125x80xi32, #tpu.memory_space<vmem>>, vector<16xi32>,
        %gather3A = tpu.vector_load_idx %arg5[%get3A_28] : memref<10000xf32, #tpu.memory_space<vmem>>[vector<16xi32>], vector<16xf32>,
        %get3A_29 = arith.index_cast %add3A_16 : i32 to index
        %get3A_30 = arith.index_cast %add3A_26 : i32 to index
        %get3A_31 = tpu.vector_load %arg7[%get3A_29, %get3A_30] {strides = array<i32>} : memref<125x80xi32, #tpu.memory_space<vmem>>, vector<16xi32>,
        tpu.vector_store_idx %arg6[%get3A_31], %gather3A {add = true} : memref<10000xf32, #tpu.memory_space<vmem>>[vector<16xi32>], vector<16xf32>,
      }
      %scan3A_21 = arith.constant 5 : i32
    }
    %scan3A_11 = arith.constant 125 : i32
    "tpu.region"() ({
      %run_scoped3A_12 = tpu.sem_alloc : memref<!tpu.dma_semaphore, #tpu.memory_space<semaphore_mem>>
      %dma_start3A = arith.constant 0 : i32
      %dma_start3A_13 = tpu.memref_slice %arg4[%add3A, %dma_start3A] : memref<32x10000xf32, #tpu.memory_space<hbm>> -> memref<1x10000xf32, #tpu.memory_space<hbm>>
      %dma_start3A_14 = tpu.memref_squeeze %dma_start3A_13 : memref<1x10000xf32, #tpu.memory_space<hbm>> -> memref<10000xf32, #tpu.memory_space<hbm>>
      %dma_start3A_15 = arith.constant 0 : i32
      %dma_start3A_16 = tpu.memref_slice %arg4[%add3A, %dma_start3A_15] : memref<32x10000xf32, #tpu.memory_space<hbm>> -> memref<1x10000xf32, #tpu.memory_space<hbm>>
      %dma_start3A_17 = tpu.memref_squeeze %dma_start3A_16 : memref<1x10000xf32, #tpu.memory_space<hbm>> -> memref<10000xf32, #tpu.memory_space<hbm>>
      tpu.enqueue_dma source(%arg6 : memref<10000xf32, #tpu.memory_space<vmem>>) target(%dma_start3A_17 : memref<10000xf32, #tpu.memory_space<hbm>>) target_semaphore(%run_scoped3A_12 : memref<!tpu.dma_semaphore, #tpu.memory_space<semaphore_mem>>)
      %dma_wait3A = arith.constant 0 : i32
      %dma_wait3A_18 = tpu.memref_slice %arg4[%add3A, %dma_wait3A] : memref<32x10000xf32, #tpu.memory_space<hbm>> -> memref<1x10000xf32, #tpu.memory_space<hbm>>
      %dma_wait3A_19 = tpu.memref_squeeze %dma_wait3A_18 : memref<1x10000xf32, #tpu.memory_space<hbm>> -> memref<10000xf32, #tpu.memory_space<hbm>>
      %dma_wait3A_20 = arith.constant 0 : i32
      %dma_wait3A_21 = tpu.memref_slice %arg4[%add3A, %dma_wait3A_20] : memref<32x10000xf32, #tpu.memory_space<hbm>> -> memref<1x10000xf32, #tpu.memory_space<hbm>>
      %dma_wait3A_22 = tpu.memref_squeeze %dma_wait3A_21 : memref<1x10000xf32, #tpu.memory_space<hbm>> -> memref<10000xf32, #tpu.memory_space<hbm>>
      tpu.wait_dma2 semaphore(%run_scoped3A_12 : memref<!tpu.dma_semaphore, #tpu.memory_space<semaphore_mem>>) src(%arg6 : memref<10000xf32, #tpu.memory_space<vmem>>) dst(%dma_wait3A_22 : memref<10000xf32, #tpu.memory_space<hbm>>)
      tpu.yield
    }) : () -> ()
    return
  }
}

module attributes {stable_mosaic.version = 14 : i64} {
  func.func @_prep_body(%arg0: memref<32x2x10000xf32, #tpu.memory_space<vmem>>, %arg1: memref<10000x128xf32, #tpu.memory_space<vmem>>, %arg2: memref<128x128xf32, #tpu.memory_space<vmem>>, %arg3: memref<2x10000xf32, #tpu.memory_space<vmem>>, %arg4: memref<10008x128xf32, #tpu.memory_space<vmem>>) attributes {dimension_semantics = [], scalar_prefetch = 0 : i64, scratch_operands = 0 : i64, tpu.core_type = #tpu.core_type<tc>} {
    %get3A = arith.constant 0 : index
    %get3A_0 = arith.constant 0 : index
    %get3A_1 = arith.constant 0 : index
    %get3A_2 = vector.load %arg0[%get3A, %get3A_0, %get3A_1] : memref<32x2x10000xf32, #tpu.memory_space<vmem>>, vector<32x2x10000xf32>
    %reduce_sum3A = arith.constant dense<0.000000e+00> : vector<2x10000xf32>
    %reduce_sum3A_3 = vector.multi_reduction <add>, %get3A_2, %reduce_sum3A [0] : vector<32x2x10000xf32> to vector<2x10000xf32>
    %gt3A = arith.constant 0.000000e+00 : f32
    %gt3A_4 = vector.broadcast %gt3A : f32 to vector<2x10000xf32>
    %gt3A_5 = arith.cmpf ogt, %reduce_sum3A_3, %gt3A_4 : vector<2x10000xf32>
    %max3A = arith.constant 1.000000e+00 : f32
    %max3A_6 = vector.broadcast %max3A : f32 to vector<2x10000xf32>
    %max3A_7 = arith.maximumf %reduce_sum3A_3, %max3A_6 : vector<2x10000xf32>
    %rsqrt3A = math.rsqrt %max3A_7 : vector<2x10000xf32>
    %jit3A = arith.constant 0.000000e+00 : f32
    %broadcast_in_dim3A = vector.broadcast %jit3A : f32 to vector<2x10000xf32>
    %select_n3A = arith.select %gt3A_5, %rsqrt3A, %broadcast_in_dim3A : vector<2x10000xi1>, vector<2x10000xf32>
    %swap3A = arith.constant 0 : index
    %swap3A_8 = arith.constant 0 : index
    %swap3A_9 = vector.load %arg3[%swap3A, %swap3A_8] : memref<2x10000xf32, #tpu.memory_space<vmem>>, vector<2x10000xf32>
    tpu.vector_store %arg3[%swap3A, %swap3A_8], %select_n3A {strides = array<i32>} : memref<2x10000xf32, #tpu.memory_space<vmem>>, vector<2x10000xf32>,
    %get3A_10 = arith.constant 0 : index
    %get3A_11 = arith.constant 0 : index
    %get3A_12 = vector.load %arg1[%get3A_10, %get3A_11] : memref<10000x128xf32, #tpu.memory_space<vmem>>, vector<10000x128xf32>
    %slice3A = vector.extract_strided_slice %select_n3A {offsets = [0, 0], sizes = [1, 10000], strides = [1, 1]} : vector<2x10000xf32> to vector<1x10000xf32>
    %squeeze3A = vector.shape_cast %slice3A : vector<1x10000xf32> to vector<10000xf32>
    %broadcast_in_dim3A_13 = vector.shape_cast %squeeze3A : vector<10000xf32> to vector<10000x1xf32>
    %mul3A = vector.broadcast %broadcast_in_dim3A_13 : vector<10000x1xf32> to vector<10000x128xf32>
    %mul3A_14 = arith.mulf %get3A_12, %mul3A : vector<10000x128xf32>
    %get3A_15 = arith.constant 0 : index
    %get3A_16 = arith.constant 0 : index
    %get3A_17 = vector.load %arg2[%get3A_15, %get3A_16] : memref<128x128xf32, #tpu.memory_space<vmem>>, vector<128x128xf32>
    %dot_general3A = arith.constant dense<0.000000e+00> : vector<10000x128xf32>
    %dot_general3A_18 = tpu.matmul %mul3A_14, %get3A_17, %dot_general3A {dimension_numbers = #tpu.dot_dimension_numbers<[1], [0], [0], [1], [0, 0, 1, 1], [], []>, transpose_lhs_hint = false} : vector<10000x128xf32>, vector<128x128xf32>, vector<10000x128xf32> -> vector<10000x128xf32>
    %swap3A_19 = arith.constant 0 : index
    %swap3A_20 = arith.constant 0 : index
    %swap3A_21 = vector.load %arg4[%swap3A_19, %swap3A_20] : memref<10008x128xf32, #tpu.memory_space<vmem>>, vector<10000x128xf32>
    tpu.vector_store %arg4[%swap3A_19, %swap3A_20], %dot_general3A_18 {strides = array<i32>} : memref<10008x128xf32, #tpu.memory_space<vmem>>, vector<10000x128xf32>,
    %broadcast_in_dim3A_22 = arith.constant 0.000000e+00 : f32
    %broadcast_in_dim3A_23 = vector.broadcast %broadcast_in_dim3A_22 : f32 to vector<8x128xf32>
    %swap3A_24 = arith.constant 10000 : index
    %swap3A_25 = arith.constant 0 : index
    %swap3A_26 = vector.load %arg4[%swap3A_24, %swap3A_25] : memref<10008x128xf32, #tpu.memory_space<vmem>>, vector<8x128xf32>
    tpu.vector_store %arg4[%swap3A_24, %swap3A_25], %broadcast_in_dim3A_23 {strides = array<i32>} : memref<10008x128xf32, #tpu.memory_space<vmem>>, vector<8x128xf32>,
    return
  }
}

module attributes {stable_mosaic.version = 14 : i64} {
  func.func @_epi_body(%arg0: memref<2x10000x128xf32, #tpu.memory_space<vmem>>, %arg1: memref<2x10000xf32, #tpu.memory_space<vmem>>, %arg2: memref<128xf32, #tpu.memory_space<vmem>>, %arg3: memref<128x128xf32, #tpu.memory_space<vmem>>, %arg4: memref<10008x128xf32, #tpu.memory_space<vmem>>) attributes {dimension_semantics = [], scalar_prefetch = 0 : i64, scratch_operands = 0 : i64, tpu.core_type = #tpu.core_type<tc>} {
    %get3A = arith.constant 1 : index
    %get3A_0 = arith.constant 0 : index
    %get3A_1 = vector.load %arg1[%get3A, %get3A_0] : memref<2x10000xf32, #tpu.memory_space<vmem>>, vector<1x10000xf32>
    %get3A_2 = vector.shape_cast %get3A_1 : vector<1x10000xf32> to vector<10000xf32>
    %broadcast_in_dim3A = vector.shape_cast %get3A_2 : vector<10000xf32> to vector<10000x1xf32>
    %get3A_3 = arith.constant 0 : index
    %get3A_4 = arith.constant 0 : index
    %get3A_5 = arith.constant 0 : index
    %get3A_6 = vector.load %arg0[%get3A_3, %get3A_4, %get3A_5] : memref<2x10000x128xf32, #tpu.memory_space<vmem>>, vector<1x10000x128xf32>
    %get3A_7 = vector.shape_cast %get3A_6 : vector<1x10000x128xf32> to vector<10000x128xf32>
    %get3A_8 = arith.constant 1 : index
    %get3A_9 = arith.constant 0 : index
    %get3A_10 = arith.constant 0 : index
    %get3A_11 = vector.load %arg0[%get3A_8, %get3A_9, %get3A_10] : memref<2x10000x128xf32, #tpu.memory_space<vmem>>, vector<1x10000x128xf32>
    %get3A_12 = vector.shape_cast %get3A_11 : vector<1x10000x128xf32> to vector<10000x128xf32>
    %add3A = arith.addf %get3A_7, %get3A_12 : vector<10000x128xf32>
    %mul3A = vector.broadcast %broadcast_in_dim3A : vector<10000x1xf32> to vector<10000x128xf32>
    %mul3A_13 = arith.mulf %add3A, %mul3A : vector<10000x128xf32>
    %get3A_14 = arith.constant 0 : index
    %get3A_15 = vector.load %arg2[%get3A_14] : memref<128xf32, #tpu.memory_space<vmem>>, vector<128xf32>
    %broadcast_in_dim3A_16 = vector.shape_cast %get3A_15 : vector<128xf32> to vector<1x128xf32>
    %add3A_17 = vector.broadcast %broadcast_in_dim3A_16 : vector<1x128xf32> to vector<10000x128xf32>
    %add3A_18 = arith.addf %mul3A_13, %add3A_17 : vector<10000x128xf32>
    %max3A = arith.constant 0.000000e+00 : f32
    %max3A_19 = vector.broadcast %max3A : f32 to vector<10000x128xf32>
    %max3A_20 = arith.maximumf %add3A_18, %max3A_19 : vector<10000x128xf32>
    %get3A_21 = arith.constant 0 : index
    %get3A_22 = arith.constant 0 : index
    %get3A_23 = vector.load %arg1[%get3A_21, %get3A_22] : memref<2x10000xf32, #tpu.memory_space<vmem>>, vector<1x10000xf32>
    %get3A_24 = vector.shape_cast %get3A_23 : vector<1x10000xf32> to vector<10000xf32>
    %broadcast_in_dim3A_25 = vector.shape_cast %get3A_24 : vector<10000xf32> to vector<10000x1xf32>
    %mul3A_26 = vector.broadcast %broadcast_in_dim3A_25 : vector<10000x1xf32> to vector<10000x128xf32>
    %mul3A_27 = arith.mulf %max3A_20, %mul3A_26 : vector<10000x128xf32>
    %get3A_28 = arith.constant 0 : index
    %get3A_29 = arith.constant 0 : index
    %get3A_30 = vector.load %arg3[%get3A_28, %get3A_29] : memref<128x128xf32, #tpu.memory_space<vmem>>, vector<128x128xf32>
    %dot_general3A = arith.constant dense<0.000000e+00> : vector<10000x128xf32>
    %dot_general3A_31 = tpu.matmul %mul3A_27, %get3A_30, %dot_general3A {dimension_numbers = #tpu.dot_dimension_numbers<[1], [0], [0], [1], [0, 0, 1, 1], [], []>, transpose_lhs_hint = false} : vector<10000x128xf32>, vector<128x128xf32>, vector<10000x128xf32> -> vector<10000x128xf32>
    %swap3A = arith.constant 0 : index
    %swap3A_32 = arith.constant 0 : index
    %swap3A_33 = vector.load %arg4[%swap3A, %swap3A_32] : memref<10008x128xf32, #tpu.memory_space<vmem>>, vector<10000x128xf32>
    tpu.vector_store %arg4[%swap3A, %swap3A_32], %dot_general3A_31 {strides = array<i32>} : memref<10008x128xf32, #tpu.memory_space<vmem>>, vector<10000x128xf32>,
    %broadcast_in_dim3A_34 = arith.constant 0.000000e+00 : f32
    %broadcast_in_dim3A_35 = vector.broadcast %broadcast_in_dim3A_34 : f32 to vector<8x128xf32>
    %swap3A_36 = arith.constant 10000 : index
    %swap3A_37 = arith.constant 0 : index
    %swap3A_38 = vector.load %arg4[%swap3A_36, %swap3A_37] : memref<10008x128xf32, #tpu.memory_space<vmem>>, vector<8x128xf32>
    tpu.vector_store %arg4[%swap3A_36, %swap3A_37], %broadcast_in_dim3A_35 {strides = array<i32>} : memref<10008x128xf32, #tpu.memory_space<vmem>>, vector<8x128xf32>,
    return
  }
}

module attributes {stable_mosaic.version = 14 : i64} {
  func.func @_fin_body(%arg0: memref<2x10000x128xf32, #tpu.memory_space<vmem>>, %arg1: memref<2x10000xf32, #tpu.memory_space<vmem>>, %arg2: memref<128xf32, #tpu.memory_space<vmem>>, %arg3: memref<32x10000xf32, #tpu.memory_space<vmem>>, %arg4: memref<128x1xf32, #tpu.memory_space<vmem>>, %arg5: memref<1xf32, #tpu.memory_space<vmem>>, %arg6: memref<1x1xf32, #tpu.memory_space<vmem>>) attributes {dimension_semantics = [], scalar_prefetch = 0 : i64, scratch_operands = 0 : i64, tpu.core_type = #tpu.core_type<tc>} {
    %get3A = arith.constant 1 : index
    %get3A_0 = arith.constant 0 : index
    %get3A_1 = vector.load %arg1[%get3A, %get3A_0] : memref<2x10000xf32, #tpu.memory_space<vmem>>, vector<1x10000xf32>
    %get3A_2 = vector.shape_cast %get3A_1 : vector<1x10000xf32> to vector<10000xf32>
    %broadcast_in_dim3A = vector.shape_cast %get3A_2 : vector<10000xf32> to vector<10000x1xf32>
    %get3A_3 = arith.constant 0 : index
    %get3A_4 = arith.constant 0 : index
    %get3A_5 = arith.constant 0 : index
    %get3A_6 = vector.load %arg0[%get3A_3, %get3A_4, %get3A_5] : memref<2x10000x128xf32, #tpu.memory_space<vmem>>, vector<1x10000x128xf32>
    %get3A_7 = vector.shape_cast %get3A_6 : vector<1x10000x128xf32> to vector<10000x128xf32>
    %get3A_8 = arith.constant 1 : index
    %get3A_9 = arith.constant 0 : index
    %get3A_10 = arith.constant 0 : index
    %get3A_11 = vector.load %arg0[%get3A_8, %get3A_9, %get3A_10] : memref<2x10000x128xf32, #tpu.memory_space<vmem>>, vector<1x10000x128xf32>
    %get3A_12 = vector.shape_cast %get3A_11 : vector<1x10000x128xf32> to vector<10000x128xf32>
    %add3A = arith.addf %get3A_7, %get3A_12 : vector<10000x128xf32>
    %mul3A = vector.broadcast %broadcast_in_dim3A : vector<10000x1xf32> to vector<10000x128xf32>
    %mul3A_13 = arith.mulf %add3A, %mul3A : vector<10000x128xf32>
    %get3A_14 = arith.constant 0 : index
    %get3A_15 = vector.load %arg2[%get3A_14] : memref<128xf32, #tpu.memory_space<vmem>>, vector<128xf32>
    %broadcast_in_dim3A_16 = vector.shape_cast %get3A_15 : vector<128xf32> to vector<1x128xf32>
    %add3A_17 = vector.broadcast %broadcast_in_dim3A_16 : vector<1x128xf32> to vector<10000x128xf32>
    %add3A_18 = arith.addf %mul3A_13, %add3A_17 : vector<10000x128xf32>
    %max3A = arith.constant 0.000000e+00 : f32
    %max3A_19 = vector.broadcast %max3A : f32 to vector<10000x128xf32>
    %max3A_20 = arith.maximumf %add3A_18, %max3A_19 : vector<10000x128xf32>
    %get3A_21 = arith.constant 0 : index
    %get3A_22 = arith.constant 0 : index
    %get3A_23 = vector.load %arg3[%get3A_21, %get3A_22] : memref<32x10000xf32, #tpu.memory_space<vmem>>, vector<32x10000xf32>
    %reduce_sum3A = arith.constant dense<0.000000e+00> : vector<10000xf32>
    %reduce_sum3A_24 = vector.multi_reduction <add>, %get3A_23, %reduce_sum3A [0] : vector<32x10000xf32> to vector<10000xf32>
    %get3A_25 = arith.constant 0 : index
    %get3A_26 = arith.constant 0 : index
    %get3A_27 = vector.load %arg1[%get3A_25, %get3A_26] : memref<2x10000xf32, #tpu.memory_space<vmem>>, vector<1x10000xf32>
    %get3A_28 = vector.shape_cast %get3A_27 : vector<1x10000xf32> to vector<10000xf32>
    %mul3A_29 = arith.mulf %reduce_sum3A_24, %get3A_28 : vector<10000xf32>
    %broadcast_in_dim3A_30 = vector.shape_cast %mul3A_29 : vector<10000xf32> to vector<1x10000xf32>
    %dot_general3A = arith.constant dense<0.000000e+00> : vector<1x128xf32>
    %dot_general3A_31 = tpu.matmul %broadcast_in_dim3A_30, %max3A_20, %dot_general3A {dimension_numbers = #tpu.dot_dimension_numbers<[1], [0], [0], [1], [0, 0, 1, 1], [], []>, transpose_lhs_hint = false} : vector<1x10000xf32>, vector<10000x128xf32>, vector<1x128xf32> -> vector<1x128xf32>
    %get3A_32 = arith.constant 0 : index
    %get3A_33 = arith.constant 0 : index
    %get3A_34 = vector.load %arg4[%get3A_32, %get3A_33] : memref<128x1xf32, #tpu.memory_space<vmem>>, vector<128x1xf32>
    %dot_general3A_35 = arith.constant dense<0.000000e+00> : vector<1x1xf32>
    %dot_general3A_36 = tpu.matmul %dot_general3A_31, %get3A_34, %dot_general3A_35 {dimension_numbers = #tpu.dot_dimension_numbers<[1], [0], [0], [1], [0, 0, 1, 1], [], []>, transpose_lhs_hint = false} : vector<1x128xf32>, vector<128x1xf32>, vector<1x1xf32> -> vector<1x1xf32>
    %div3A = arith.constant 1.000000e+04 : f32
    %div3A_37 = vector.broadcast %div3A : f32 to vector<1x1xf32>
    %div3A_38 = arith.divf %dot_general3A_36, %div3A_37 : vector<1x1xf32>
    %get3A_39 = arith.constant 0 : index
    %get3A_40 = vector.load %arg5[%get3A_39] : memref<1xf32, #tpu.memory_space<vmem>>, vector<1xf32>
    %broadcast_in_dim3A_41 = vector.shape_cast %get3A_40 : vector<1xf32> to vector<1x1xf32>
    %add3A_42 = arith.addf %div3A_38, %broadcast_in_dim3A_41 : vector<1x1xf32>
    %swap3A = arith.constant 0 : index
    %swap3A_43 = arith.constant 0 : index
    %swap3A_44 = vector.load %arg6[%swap3A, %swap3A_43] : memref<1x1xf32, #tpu.memory_space<vmem>>, vector<1x1xf32>
    tpu.vector_store %arg6[%swap3A, %swap3A_43], %add3A_42 {strides = array<i32>} : memref<1x1xf32, #tpu.memory_space<vmem>>, vector<1x1xf32>,
    return
  }
}

</mosaic_0001>

<sc_bundles>
// kernel: kernel.12.cloned.1.call-start
scs
__scs_entry_jumppad:
0x0: {  	(pc) =	sbr.rel $0x88, $3  }
0x1: {  	(tag) =	ssettag $0x0;
	lr =	simm.s32 $0x1  }
0x2: {  	[smem:$0x3F99] =	sst lr;
	_ =	strace $0xD0000000  }
0x3: {  	_ = 	snop  }
0x4: {  	_ = 	snop  }
0x5: {  	_ = 	snop  }
0x6: {  	_ = 	snop  }
0x7: {  	_ = 	snop  }
__scs_overlays_trampoline_lowered:
0x8: {  	[smem:$0x3FA8] =	sst s0  }
0x9: {  	[smem:$0x3FA9] =	sst s1  }
0xa: {  	[smem:$0x3FAA] =	sst s2  }
0xb: {  	[smem:$0x3FAB] =	sst s3  }
0xc: {  	[smem:$0x3FAC] =	sst s4  }
0xd: {  	[smem:$0x3FAD] =	sst s5  }
0xe: {  	[smem:$0x3FAE] =	sst s6  }
0xf: {  	[smem:$0x3FAF] =	sst s7  }
0x10: {  	[smem:$0x3FB0] =	sst s8  }
0x11: {  	[smem:$0x3FB1] =	sst s9;
	s0 =	simm.s32 @!p0 $0x0  }
0x12: {  	s1 =	sld [smem:$0x3F97];
	s0 =	simm.s32 @p0 $0x1  }
0x13: {  	[smem:$0x3FB2] =	sst s0;
	s0 =	simm.s32 @!p1 $0x0  }
0x14: {  	s2 =	sld [smem:$0x3F96];
	s0 =	simm.s32 @p1 $0x1  }
0x15: {  	[smem:$0x3FB3] =	sst s0;
	s0 =	simm.s32 @!p2 $0x0  }
0x16: {  	s3 =	sld [smem:$0x3FDB];
	s0 =	simm.s32 @p2 $0x1  }
0x17: {  	s4 =	simm.s32 $0x1BF5;
	[smem:$0x3FB5] =	sst s0  }
0x18: {  	s0 =	sld [smem:$0x3F98];
	_ =	swait.ge [sflag:s4], $0x0  }
0x19: {  	s7 =	sld [smem:$0x3F99]  }
0x1a: {  	s8 =	sadd.s32 $0xFFFFE003, lr  }
0x1b: {  	s9 =	sadd.s32 $0xFFFFFEF7, lr;
	s5 =	simm.s32 $0xFFFFFFFF;
	p2 =	slt.u32 s8, $0xFFFFF086  }
0x1c: {  	p1 =	slt.u32 s9, $0xF7A;
	s5 =	simm.s32 @!p2 $0x0  }
0x1d: {  	s5 =	simm.s32 @p1 $0x1;
	p0 =	seq.s32 s7, s2  }
0x1e: {  	s7 =	smul.u32 @!p0 $0xF7A, s2;
	p2 =	seq.s32 @!p0 s5, $0x0  }
0x1f: {  	s9 =	smul.u32 $0xF7A, s1;
	s8 =	simm.s32 @!p0 $0x1BF5;
	p2 =	por !p2, p0  }
0x20: {  	[sflag:s8] =	ssyncset.s32 @!p0 $0xFFFFF086;
	s6 =	sadd.s32 @!p0 s3, s7;
	s7 =	simm.s32 @!p0 $0x108  }
0x21: {  	s3 =	sadd.s32 s3, s9;
	s6 =	sadd.s32 @!p0 $0x88, s6;
	s7 =	simm.s32 @p2 $0x1082  }
0x22: {  	[simem:s7], [sflag:s8] =	dma.local @!p0 [hbm:s6], $0xF7A  }
0x23: {  	s9 =	sor.u32 $0xD0000000, s2;
	s6 =	simm.s32 $0x108;
	_ =	swait.ge @!p0 [sflag:s8], $0x0  }
0x24: {  	s3 =	sadd.s32 $0x88, s3;
	s6 =	simm.s32 @!p1 $0x1082;
	[sflag:s4] =	ssyncset.s32 $0xFFFFF086  }
0x25: {  	[simem:s6], [sflag:s4] =	dma.local [hbm:s3], $0xF7A  }
0x26: {  	[smem:$0x3F99] =	sst s1;
	(tag) =	ssettag s2;
	_ =	strace s9  }
0x27: {  	s1 =	sld [smem:$0x3FA9]  }
0x28: {  	s2 =	sld [smem:$0x3FAA]  }
0x29: {  	s4 =	sld [smem:$0x3FAC]  }
0x2a: {  	p0 =	seq.s32 s5, $0x0;
	s5 =	sld [smem:$0x3FAD]  }
0x2b: {  	s6 =	sld [smem:$0x3FAE]  }
0x2c: {  	s7 =	sld [smem:$0x3FAF]  }
0x2d: {  	s3 =	simm.s32 $0x108;
	s8 =	sld [smem:$0x3FB0]  }
0x2e: {  	s3 =	simm.s32 @!p0 $0x1082;
	s9 =	sld [smem:$0x3FB1]  }
0x2f: {  	lr =	sadd.s32 s0, s3;
	s0 =	sld [smem:$0x3FA8]  }
0x30: {  	s3 =	sld [smem:$0x3FAB]  }
0x31: {  	[smem:$0x3FB4] =	sst s10  }
0x32: {  	s10 =	sld [smem:$0x3FB2];
	_ =	sdelay $0x3  }
0x33: {  	p0 =	seq.s32 s10, $0x1;
	s10 =	sld [smem:$0x3FB4];
	_ =	sdelay $0x3  }
0x34: {  	[smem:$0x3FB4] =	sst s10  }
0x35: {  	s10 =	sld [smem:$0x3FB3];
	_ =	sdelay $0x3  }
0x36: {  	p1 =	seq.s32 s10, $0x1;
	s10 =	sld [smem:$0x3FB4];
	_ =	sdelay $0x3  }
0x37: {  	[smem:$0x3FB4] =	sst s10  }
0x38: {  	s10 =	sld [smem:$0x3FB5]  }
0x39: {  	_ = 	snop;
	(pc) =	sbr.ind lr, $3  }
0x3a: {  	_ = 	snop  }
0x3b: {  	_ = 	snop  }
0x3c: {  	p2 =	seq.s32 s10, $0x1;
	s10 =	sld [smem:$0x3FB4]  }
0x3d: {  	_ =	shalt  }
0x3e: {  	_ =	shalt  }
0x3f: {  	_ =	shalt  }
0x40: {  	_ =	shalt  }
0x41: {  	_ =	shalt  }
0x42: {  	_ =	shalt  }
0x43: {  	_ =	shalt  }
0x44: {  	_ =	shalt  }
0x45: {  	_ =	shalt  }
0x46: {  	_ =	shalt  }
0x47: {  	_ =	shalt  }
0x48: {  	_ =	shalt  }
0x49: {  	_ =	shalt  }
0x4a: {  	_ =	shalt  }
0x4b: {  	_ =	shalt  }
0x4c: {  	_ =	shalt  }
0x4d: {  	_ =	shalt  }
0x4e: {  	_ =	shalt  }
0x4f: {  	_ =	shalt  }
0x50: {  	_ =	shalt  }
0x51: {  	_ =	shalt  }
0x52: {  	_ =	shalt  }
0x53: {  	_ =	shalt  }
0x54: {  	_ =	shalt  }
0x55: {  	_ =	shalt  }
0x56: {  	_ =	shalt  }
0x57: {  	_ =	shalt  }
0x58: {  	_ =	shalt  }
0x59: {  	_ =	shalt  }
0x5a: {  	_ =	shalt  }
0x5b: {  	_ =	shalt  }
0x5c: {  	_ =	shalt  }
0x5d: {  	_ =	shalt  }
0x5e: {  	_ =	shalt  }
0x5f: {  	_ =	shalt  }
0x60: {  	_ =	shalt  }
0x61: {  	_ =	shalt  }
0x62: {  	_ =	shalt  }
0x63: {  	_ =	shalt  }
0x64: {  	_ =	shalt  }
0x65: {  	_ =	shalt  }
0x66: {  	_ =	shalt  }
0x67: {  	_ =	shalt  }
0x68: {  	_ =	shalt  }
0x69: {  	_ =	shalt  }
0x6a: {  	_ =	shalt  }
0x6b: {  	_ =	shalt  }
0x6c: {  	_ =	shalt  }
0x6d: {  	_ =	shalt  }
0x6e: {  	_ =	shalt  }
0x6f: {  	_ =	shalt  }
0x70: {  	_ =	shalt  }
0x71: {  	_ =	shalt  }
0x72: {  	_ =	shalt  }
0x73: {  	_ =	shalt  }
0x74: {  	_ =	shalt  }
0x75: {  	_ =	shalt  }
0x76: {  	_ =	shalt  }
0x77: {  	_ =	shalt  }
0x78: {  	_ =	shalt  }
0x79: {  	_ =	shalt  }
0x7a: {  	_ =	shalt  }
0x7b: {  	_ =	shalt  }
0x7c: {  	_ =	shalt  }
0x7d: {  	_ =	shalt  }
0x7e: {  	_ =	shalt  }
0x7f: {  	_ =	shalt  }
0x80: {  	_ =	shalt  }
0x81: {  	_ =	shalt  }
0x82: {  	_ =	shalt  }
0x83: {  	_ =	shalt  }
0x84: {  	_ =	shalt  }
0x85: {  	_ =	shalt  }
0x86: {  	_ =	shalt  }
0x87: {  	_ =	shalt  }
.Lfunc_end0:
.L_simem_size_0:
called_computation.1_lowered:
.L_overlay_start_0:
0x88: {  	s2 =	sld [smem:$0x3FD9]  }
0x89: {  	s3 =	sld [smem:$0x3FFE];
	_ =	sdelay $0x1  }
0x8a: {  	s1 =	srdreg.scid  }
0x8b: {  	s0 =	sand.u32 $0x1, s1  }
0x8c: {  	s17 =	sshll.u32 s0, $0xA;
	s2 =	sadd.s32 s3, s2  }
0x8d: {  	s2 =	sadd.s32 s2, s17  }
0x8e: {  	[smem:$0x3FC0] =	sst s2  }
0x8f: {  	_ = 	snop  }
0x90: {  	(tm) =	ssettm $0x1  }
0x91: {  	s18 =	sld [smem:$0x3FFB];
	_ =	sdelay $0x3  }
0x92: {  	_ =	strace s18  }
0x93: {  	s2 =	sld [smem:$0x3FFC];
	_ =	sdelay $0x3  }
0x94: {  	_ =	strace s2  }
0x95: {  	s2 =	sld [smem:$0x3FFD];
	_ =	sdelay $0x3  }
0x96: {  	_ =	strace s2  }
0x97: {  	_ =	strace $0x8FFFFFFF  }
0x98: {  	s19 =	sld [smem:$0x3FDB];
	_ =	sdelay $0x1  }
0x99: {  	s20 =	simm.s32 $_scs_section_size  }
0x9a: {  	s4 =	simm.s32 $_size__tile_overlayer_lowered;
	s5 =	simm.s32 $_tile_overlayer_lowered  }
0x9b: {  	s6 =	simm.s32 $0x1BFF;
	s21 =	sshll.u32 s5, $0x1;
	s3 =	sadd.s32 s20, s19  }
0x9c: {  	s22 =	simm.s32 $0x0;
	s4 =	sshll.u32 s4, $0x1;
	s5 =	sadd.s32 s21, s3  }
0x9d: {  	[timem:s22], [sflag:s6] =	dma.local [hbm:s5], s4  }
0x9e: {  	_ =	swait.ge [sflag:s6], s4  }
0x9f: {  	s4 =	ssub.s32 $0x0, s4;
	[sflag:s6] =	ssyncset.done $0x0  }
0xa0: {  	[sflag:s6] =	ssyncadd.s32 s4;
	_ =	sdelay $0x1  }
0xa1: {  	s23 =	simm.s32 $0x1B8B  }
0xa2: {  	_ =	swait.ge [sflag:s23], $0x1  }
0xa3: {  	[sflag:s23] =	ssyncset.done $0x0  }
0xa4: {  	[sflag:s23] =	ssyncadd.s32 $0xFFFFFFFF  }
0xa5: {  	s4 =	sld [smem:$0x0]  }
0xa6: {  	s5 =	sand.u32 $0xFFFFFFFE, s1  }
0xa7: {  	p0 =	sne.s32 s1, s5  }
0xa8: {  	s5 =	sshll.u32 @p0 s5, $0xE  }
0xa9: {  	s5 =	sadd.s32 @p0 $0x11B8D, s5;
	s6 =	sshll.u32 @p0 s4, $0x11  }
0xaa: {  	s5 =	sor.u32 @p0 s6, s5  }
0xab: {  	[sflag:s5] =	ssyncadd.remote.s32 @p0 $0x1;
	_ =	sdelay $0x1  }
0xac: {  	s5 =	simm.s32 @p0 $0x1B8D  }
0xad: {  	_ =	swait.eq @p0 [sflag:s5], $0x1  }
0xae: {  	[sflag:s5] =	ssyncadd.s32 @p0 $0xFFFFFFFF  }
0xaf: {  	s6 =	sshll.u32 @!p0 s1, $0xE  }
0xb0: {  	s6 =	sor.u32 @!p0 $0x4000, s6;
	s5 =	simm.s32 @!p0 $0x1B8D  }
0xb1: {  	s4 =	sshll.u32 @!p0 s4, $0x11;
	s6 =	sadd.s32 @!p0 $0x11B8D, s6;
	_ =	swait.eq @!p0 [sflag:s5], $0x1  }
0xb2: {  	s4 =	sor.u32 @!p0 s4, s6;
	[sflag:s5] =	ssyncadd.s32 @!p0 $0xFFFFFFFF  }
0xb3: {  	s25 =	simm.s32 $0x1B8E;
	s24 =	sld [smem:$0x3FFE];
	[sflag:s4] =	ssyncadd.remote.s32 @!p0 $0x1  }
0xb4: {  	s26 =	simm.s32 $execute0_lowered;
	[smem:$0x3FD2] =	sst s25  }
0xb5: {  	s5 =	sshll.u32 s26, $0x1;
	_ =	strace $0x8000004C;
	[dreg:$0x1] =	wrdreg $0xFFFFFFFF  }
0xb6: {  	s28 =	simm.s32 $_size_execute0_lowered;
	s3 =	sadd.s32 s3, s5;
	[dreg:$0x0] =	wrdreg $0x0  }
0xb7: {  	s5 =	sshll.u32 s28, $0x1;
	[dreg:$0x2] =	wrdreg s3  }
0xb8: {  	[dreg:$0x3] =	wrdreg s5  }
0xb9: {  	[dreg:$0x4] =	wrdreg $0xC0  }
0xba: {  	_ =	task [dreg:s22], $0x5FFFF  }
0xbb: {  	[dreg:$0x1] =	wrdreg $0xFFFFFFFF  }
0xbc: {  	[dreg:$0x0] =	wrdreg $0x60  }
0xbd: {  	[dreg:$0x2] =	wrdreg s24  }
0xbe: {  	[dreg:$0x3] =	wrdreg $0x9  }
0xbf: {  	_ =	task.clear_ibuf [dreg:s22], $0x4FFFF;
	_ =	strace $0x9000004C  }
0xc0: {  	s29 =	simm.s32 $0x9;
	_ =	strace $0x8000004E  }
0xc1: {  	_ =	swait.ge [sflag:s29], $0x1  }
0xc2: {  	[sflag:s29] =	ssyncadd.s32 $0xFFFFFFFF  }
0xc3: {  	_ =	strace $0x9000004E  }
0xc4: {  	_ =	sfence  }
0xc5: {  	s30 =	sld [smem:$0x0];
	_ =	sdelay $0x2  }
0xc6: {  	s31 =	sshll.u32 s1, $0xD;
	s1 =	sshrl.u32 s1, $0x2  }
0xc7: {  	s4 =	sand.u32 $0x4000, s31;
	s1 =	sadd.s32 s1, s30  }
0xc8: {  	s0 =	sor.u32 s4, s0;
	s1 =	sshll.u32 s1, $0x11  }
0xc9: {  	s0 =	sor.u32 s1, s0  }
0xca: {  	s0 =	sadd.s32 $0x8F2B, s0  }
0xcb: {  	[sflag:s0] =	ssyncadd.remote.s32 $0x1  }
0xcc: {  	_ =	sfence.sel $0xFFFF  }
0xcd: {  	[dreg:$0x0] =	wrdreg $0xFFFFFFFF;
	(pc) =	sbr.abs _section_cstart, $3  }
0xce: {  	[dreg:$0x1] =	wrdreg $0xFFFFFFFF  }
0xcf: {  	_ =	task.clear_ibuf [dreg:s22], $0x2FFFF;
	_ =	strace $0x9FFFFFFF  }
0xd0: {  	(tm) =	ssettm $0x7FFFFFFF  }
0xd1: {  	_ =	shalt  }
tec
execute0_lowered:
.L_overlay_start_1:
0x0: {  	(tag) =	ssettag $0x1  }
0x1: {  	s3 =	rddreg [dreg:$0x0];
	s2 =	srdreg.scid  }
0x2: {  	s1 =	stileid.u32;
	s0 =	rddreg [dreg:$0x1];
	s8 =	simm.s32 $0x80  }
0x3: {  	s9 =	simm.s32 $0x100;
	s10 =	simm.s32 $0x1;
	s11 =	simm.s32 $0x4F00  }
0x4: {  	s12 =	simm.s32 $0x8F00;
	s13 =	simm.s32 $0x2780;
	s14 =	simm.s32 $0x400  }
0x5: {  	s15 =	simm.s32 $0x0;
	s4 =	sand.u32 $0x1, s2;
	s5 =	sshll.u32 s1, $0x1  }
0x6: {  	s2 =	simm.s32 $0x0;
	s6 =	sshrl.u32 s1, $0x2;
	s5 =	sor.u32 s4, s5  }
0x7: {  	[smem:$0x7FF] =	sst s2;
	s6 =	smul.u32 $0x13C00, s6;
	s7 =	sshll.u32 s5, $0x7  }
0x8: {  	s4 =	ssub.s32 $0x2, s4;
	_ =	strace $0x8000004D;
	s7 =	sand.u32 $0x380, s7  }
0x9: {  	s5 =	sshll.u32 s5, $0xB;
	s31 =	sshrl.u32 s4, $0x1;
	s6 =	sor.u32 s6, s7  }
0xa: {  	s5 =	sadd.s32 s5, s3;
	s7 =	ssub.s32 s4, s31;
	s6 =	sshrl.u32 s6, $0x3  }
0xb: {  	s4 =	sadd.s32 $0x2E00, s5;
	s5 =	sadd.s32 $0x12E00, s5;
	s6 =	sadd.s32 s6, s3  }
0xc: {  	v0 =	vimm.f32 $0.0e+00;
	s7 =	smax.u32 s7, $0x1;
	s3 =	sadd.s32 $0x22E10, s3;
	s6 =	sadd.s32 $0x23800, s6  }
.LBB2_1:
0xd: {  	[tilespmem:s2], [sflag:$0x1] =	stream.strided.gather [hbm4b:s3+s8], $0x2780, s9, s8, $0x38;
	[tilespmem:$0xCF00] =	vst v63  }
0xe: {  	_ =	swait.ge [sflag:s10], $0x2780  }
0xf: {  	[sflag:s10] =	ssyncset.done $0x0  }
0x10: {  	[sflag:s10] =	ssyncadd.s32 $0xFFFFD880  }
0x11: {  	[tilespmem:s11], [sflag:$0x1] =	stream.linear.gather [hbm4b:s4+s2], $0x3E80, $0x38;
	[tilespmem:$0xCF00] =	vst v63  }
0x12: {  	_ =	swait.ge [sflag:s10], $0x3E80  }
0x13: {  	[sflag:s10] =	ssyncset.done $0x0  }
0x14: {  	[sflag:s10] =	ssyncadd.s32 $0xFFFFC180  }
0x15: {  	[tilespmem:s12], [sflag:$0x1] =	stream.linear.gather [hbm4b:s5+s2], $0x3E80, $0x38;
	[tilespmem:$0xCF00] =	vst v63  }
0x16: {  	_ =	swait.ge [sflag:s10], $0x3E80  }
0x17: {  	[sflag:s10] =	ssyncset.done $0x0  }
0x18: {  	s16 =	simm.s32 $0x0;
	[sflag:s10] =	ssyncadd.s32 $0xFFFFC180  }
.LBB2_2:
0x19: {  	p0 =	sne.s32 s16, $0x9C00  }
.Ltmp0:
0x1a: {  	_ = 	snop;
	(pc) =	sbr.rel @p0 .LBB2_2-.Ltmp0, $3  }
0x1b: {  	_ =	sdelay $0x1  }
0x1c: {  	s17 =	sshra.s32 s16, $0x2  }
0x1d: {  	s16 =	sadd.s32 $0x40, s16;
	[tilespmem:s17+$0x2780] =	vst v0  }
0x1e: {  	s16 =	simm.s32 $0x0  }
.LBB2_4:
0x1f: {  	s17 =	sshra.s32 s16, $0x2  }
0x20: {  	v1 =	vld [tilespmem:s17+$0x8F00];
	_ =	sdelay $0x4  }
0x21: {  	v2 =	vld [tilespmem:s17+$0x4F00];
	_ =	sdelay $0x2  }
0x22: {  	v1 =	vld.idx.msk [tilespmem:v1+s2+$0x0], $0xffff;
	_ =	sdelay $0x4  }
0x23: {  	[tilespmem:v2+s13+$0x0] =	vst.idx.add.f32.msk $0xffff, v1  }
0x24: {  	v1 =	vld [tilespmem:s17+$0x8F10];
	_ =	sdelay $0x4  }
0x25: {  	v2 =	vld [tilespmem:s17+$0x4F10];
	_ =	sdelay $0x2  }
0x26: {  	v1 =	vld.idx.msk [tilespmem:v1+s2+$0x0], $0xffff;
	_ =	sdelay $0x4  }
0x27: {  	[tilespmem:v2+s13+$0x0] =	vst.idx.add.f32.msk $0xffff, v1  }
0x28: {  	v1 =	vld [tilespmem:s17+$0x8F20];
	_ =	sdelay $0x4  }
0x29: {  	v2 =	vld [tilespmem:s17+$0x4F20];
	_ =	sdelay $0x2  }
0x2a: {  	v1 =	vld.idx.msk [tilespmem:v1+s2+$0x0], $0xffff;
	_ =	sdelay $0x4  }
0x2b: {  	[tilespmem:v2+s13+$0x0] =	vst.idx.add.f32.msk $0xffff, v1  }
0x2c: {  	v1 =	vld [tilespmem:s17+$0x8F30];
	_ =	sdelay $0x4  }
0x2d: {  	v2 =	vld [tilespmem:s17+$0x4F30];
	_ =	sdelay $0x2  }
0x2e: {  	v1 =	vld.idx.msk [tilespmem:v1+s2+$0x0], $0xffff;
	_ =	sdelay $0x4  }
0x2f: {  	[tilespmem:v2+s13+$0x0] =	vst.idx.add.f32.msk $0xffff, v1  }
0x30: {  	v1 =	vld [tilespmem:s17+$0x8F40];
	_ =	sdelay $0x4  }
0x31: {  	v2 =	vld [tilespmem:s17+$0x4F40];
	_ =	sdelay $0x2  }
0x32: {  	p0 =	sne.s32 s16, $0xF800;
	v1 =	vld.idx.msk [tilespmem:v1+s2+$0x0], $0xffff  }
.Ltmp1:
0x33: {  	_ = 	snop;
	(pc) =	sbr.rel @p0 .LBB2_4-.Ltmp1, $2  }
0x34: {  	_ =	sdelay $0x2  }
0x35: {  	s16 =	sadd.s32 $0x200, s16;
	[tilespmem:v2+s13+$0x0] =	vst.idx.add.f32.msk $0xffff, v1  }
0x36: {  	s15 =	sadd.s32 $0x1, s15  }
0x37: {  	p0 =	sne.s32 s15, s7  }
.Ltmp2:
0x38: {  	_ = 	snop;
	(pc) =	sbr.rel @p0 .LBB2_1-.Ltmp2, $4  }
0x39: {  	[hbm4b:s6+s8] =	stream.strided.scatter [tilespmem:s13], [sflag:$0x1], $0x2780, s14, s8, $0x38;
	[tilespmem:$0xCF00] =	vst v63  }
0x3a: {  	_ =	swait.ge [sflag:s10], $0x2780  }
0x3b: {  	[sflag:s10] =	ssyncset.done $0x0  }
0x3c: {  	[sflag:s10] =	ssyncadd.s32 $0xFFFFD880  }
0x3d: {  	_ =	sfence.sel $0x180000  }
0x3e: {  	[bflag:$0x0] =	sbarrier.arrive $0xFFFF  }
0x3f: {  	p0 =	sne.s32 s1, $0x0;
	_ =	strace $0x9000004D  }
0x40: {  	s0 =	sadd.s32 @!p0 $0x100000, s0;
	[bflag:$0x2] =	sbarrier.arrive $0xFFFF  }
0x41: {  	[sflag:s0] =	ssyncadd.tile.s32 @!p0 $0x1;
	_ =	shalt  }
.Lfunc_end2:
_tile_overlayer_lowered:
.L_overlay_start_2:
0x42: {  	(tag) =	ssettag $0x2  }
0x43: {  	s0 =	rddreg [dreg:$0x0];
	s2 =	stileid.u32  }
0x44: {  	s1 =	rddreg [dreg:$0x1];
	p0 =	sne.s32 s2, $0x0  }
0x45: {  	s3 =	rddreg [dreg:$0x2];
	[bflag:$0x3] =	sbarrier.arrive $0xFFFF;
	s2 =	simm.s32 @!p0 $0x1C01  }
0x46: {  	[timem:s3], [sflag:s2] =	dma.local @!p0 [hbm:s0], s1  }
0x47: {  	s0 =	simm.s32 @!p0 $0x1  }
0x48: {  	_ =	swait.ge @!p0 [sflag:s0], s1  }
0x49: {  	s1 =	ssub.s32 @!p0 $0x0, s1;
	[sflag:s0] =	ssyncset.done @!p0 $0x0  }
0x4a: {  	[sflag:s0] =	ssyncadd.s32 @!p0 s1  }
0x4b: {  	[bflag:$0x3] =	sbarrier.arrive $0xFFFF  }
0x4c: {  	_ =	shalt  }

// kernel: kernel.15.cloned.1.call-start
scs
__scs_entry_jumppad:
0x0: {  	(pc) =	sbr.rel $0x88, $3  }
0x1: {  	(tag) =	ssettag $0x0;
	lr =	simm.s32 $0x1  }
0x2: {  	[smem:$0x3F99] =	sst lr;
	_ =	strace $0xD0000000  }
0x3: {  	_ = 	snop  }
0x4: {  	_ = 	snop  }
0x5: {  	_ = 	snop  }
0x6: {  	_ = 	snop  }
0x7: {  	_ = 	snop  }
__scs_overlays_trampoline_lowered:
0x8: {  	[smem:$0x3FA8] =	sst s0  }
0x9: {  	[smem:$0x3FA9] =	sst s1  }
0xa: {  	[smem:$0x3FAA] =	sst s2  }
0xb: {  	[smem:$0x3FAB] =	sst s3  }
0xc: {  	[smem:$0x3FAC] =	sst s4  }
0xd: {  	[smem:$0x3FAD] =	sst s5  }
0xe: {  	[smem:$0x3FAE] =	sst s6  }
0xf: {  	[smem:$0x3FAF] =	sst s7  }
0x10: {  	[smem:$0x3FB0] =	sst s8  }
0x11: {  	[smem:$0x3FB1] =	sst s9;
	s0 =	simm.s32 @!p0 $0x0  }
0x12: {  	s1 =	sld [smem:$0x3F97];
	s0 =	simm.s32 @p0 $0x1  }
0x13: {  	[smem:$0x3FB2] =	sst s0;
	s0 =	simm.s32 @!p1 $0x0  }
0x14: {  	s2 =	sld [smem:$0x3F96];
	s0 =	simm.s32 @p1 $0x1  }
0x15: {  	[smem:$0x3FB3] =	sst s0;
	s0 =	simm.s32 @!p2 $0x0  }
0x16: {  	s3 =	sld [smem:$0x3FDB];
	s0 =	simm.s32 @p2 $0x1  }
0x17: {  	s4 =	simm.s32 $0x1BF5;
	[smem:$0x3FB5] =	sst s0  }
0x18: {  	s0 =	sld [smem:$0x3F98];
	_ =	swait.ge [sflag:s4], $0x0  }
0x19: {  	s7 =	sld [smem:$0x3F99]  }
0x1a: {  	s8 =	sadd.s32 $0xFFFFE003, lr  }
0x1b: {  	s9 =	sadd.s32 $0xFFFFFEF7, lr;
	s5 =	simm.s32 $0xFFFFFFFF;
	p2 =	slt.u32 s8, $0xFFFFF086  }
0x1c: {  	p1 =	slt.u32 s9, $0xF7A;
	s5 =	simm.s32 @!p2 $0x0  }
0x1d: {  	s5 =	simm.s32 @p1 $0x1;
	p0 =	seq.s32 s7, s2  }
0x1e: {  	s7 =	smul.u32 @!p0 $0xF7A, s2;
	p2 =	seq.s32 @!p0 s5, $0x0  }
0x1f: {  	s9 =	smul.u32 $0xF7A, s1;
	s8 =	simm.s32 @!p0 $0x1BF5;
	p2 =	por !p2, p0  }
0x20: {  	[sflag:s8] =	ssyncset.s32 @!p0 $0xFFFFF086;
	s6 =	sadd.s32 @!p0 s3, s7;
	s7 =	simm.s32 @!p0 $0x108  }
0x21: {  	s3 =	sadd.s32 s3, s9;
	s6 =	sadd.s32 @!p0 $0x88, s6;
	s7 =	simm.s32 @p2 $0x1082  }
0x22: {  	[simem:s7], [sflag:s8] =	dma.local @!p0 [hbm:s6], $0xF7A  }
0x23: {  	s9 =	sor.u32 $0xD0000000, s2;
	s6 =	simm.s32 $0x108;
	_ =	swait.ge @!p0 [sflag:s8], $0x0  }
0x24: {  	s3 =	sadd.s32 $0x88, s3;
	s6 =	simm.s32 @!p1 $0x1082;
	[sflag:s4] =	ssyncset.s32 $0xFFFFF086  }
0x25: {  	[simem:s6], [sflag:s4] =	dma.local [hbm:s3], $0xF7A  }
0x26: {  	[smem:$0x3F99] =	sst s1;
	(tag) =	ssettag s2;
	_ =	strace s9  }
0x27: {  	s1 =	sld [smem:$0x3FA9]  }
0x28: {  	s2 =	sld [smem:$0x3FAA]  }
0x29: {  	s4 =	sld [smem:$0x3FAC]  }
0x2a: {  	p0 =	seq.s32 s5, $0x0;
	s5 =	sld [smem:$0x3FAD]  }
0x2b: {  	s6 =	sld [smem:$0x3FAE]  }
0x2c: {  	s7 =	sld [smem:$0x3FAF]  }
0x2d: {  	s3 =	simm.s32 $0x108;
	s8 =	sld [smem:$0x3FB0]  }
0x2e: {  	s3 =	simm.s32 @!p0 $0x1082;
	s9 =	sld [smem:$0x3FB1]  }
0x2f: {  	lr =	sadd.s32 s0, s3;
	s0 =	sld [smem:$0x3FA8]  }
0x30: {  	s3 =	sld [smem:$0x3FAB]  }
0x31: {  	[smem:$0x3FB4] =	sst s10  }
0x32: {  	s10 =	sld [smem:$0x3FB2];
	_ =	sdelay $0x3  }
0x33: {  	p0 =	seq.s32 s10, $0x1;
	s10 =	sld [smem:$0x3FB4];
	_ =	sdelay $0x3  }
0x34: {  	[smem:$0x3FB4] =	sst s10  }
0x35: {  	s10 =	sld [smem:$0x3FB3];
	_ =	sdelay $0x3  }
0x36: {  	p1 =	seq.s32 s10, $0x1;
	s10 =	sld [smem:$0x3FB4];
	_ =	sdelay $0x3  }
0x37: {  	[smem:$0x3FB4] =	sst s10  }
0x38: {  	s10 =	sld [smem:$0x3FB5]  }
0x39: {  	_ = 	snop;
	(pc) =	sbr.ind lr, $3  }
0x3a: {  	_ = 	snop  }
0x3b: {  	_ = 	snop  }
0x3c: {  	p2 =	seq.s32 s10, $0x1;
	s10 =	sld [smem:$0x3FB4]  }
0x3d: {  	_ =	shalt  }
0x3e: {  	_ =	shalt  }
0x3f: {  	_ =	shalt  }
0x40: {  	_ =	shalt  }
0x41: {  	_ =	shalt  }
0x42: {  	_ =	shalt  }
0x43: {  	_ =	shalt  }
0x44: {  	_ =	shalt  }
0x45: {  	_ =	shalt  }
0x46: {  	_ =	shalt  }
0x47: {  	_ =	shalt  }
0x48: {  	_ =	shalt  }
0x49: {  	_ =	shalt  }
0x4a: {  	_ =	shalt  }
0x4b: {  	_ =	shalt  }
0x4c: {  	_ =	shalt  }
0x4d: {  	_ =	shalt  }
0x4e: {  	_ =	shalt  }
0x4f: {  	_ =	shalt  }
0x50: {  	_ =	shalt  }
0x51: {  	_ =	shalt  }
0x52: {  	_ =	shalt  }
0x53: {  	_ =	shalt  }
0x54: {  	_ =	shalt  }
0x55: {  	_ =	shalt  }
0x56: {  	_ =	shalt  }
0x57: {  	_ =	shalt  }
0x58: {  	_ =	shalt  }
0x59: {  	_ =	shalt  }
0x5a: {  	_ =	shalt  }
0x5b: {  	_ =	shalt  }
0x5c: {  	_ =	shalt  }
0x5d: {  	_ =	shalt  }
0x5e: {  	_ =	shalt  }
0x5f: {  	_ =	shalt  }
0x60: {  	_ =	shalt  }
0x61: {  	_ =	shalt  }
0x62: {  	_ =	shalt  }
0x63: {  	_ =	shalt  }
0x64: {  	_ =	shalt  }
0x65: {  	_ =	shalt  }
0x66: {  	_ =	shalt  }
0x67: {  	_ =	shalt  }
0x68: {  	_ =	shalt  }
0x69: {  	_ =	shalt  }
0x6a: {  	_ =	shalt  }
0x6b: {  	_ =	shalt  }
0x6c: {  	_ =	shalt  }
0x6d: {  	_ =	shalt  }
0x6e: {  	_ =	shalt  }
0x6f: {  	_ =	shalt  }
0x70: {  	_ =	shalt  }
0x71: {  	_ =	shalt  }
0x72: {  	_ =	shalt  }
0x73: {  	_ =	shalt  }
0x74: {  	_ =	shalt  }
0x75: {  	_ =	shalt  }
0x76: {  	_ =	shalt  }
0x77: {  	_ =	shalt  }
0x78: {  	_ =	shalt  }
0x79: {  	_ =	shalt  }
0x7a: {  	_ =	shalt  }
0x7b: {  	_ =	shalt  }
0x7c: {  	_ =	shalt  }
0x7d: {  	_ =	shalt  }
0x7e: {  	_ =	shalt  }
0x7f: {  	_ =	shalt  }
0x80: {  	_ =	shalt  }
0x81: {  	_ =	shalt  }
0x82: {  	_ =	shalt  }
0x83: {  	_ =	shalt  }
0x84: {  	_ =	shalt  }
0x85: {  	_ =	shalt  }
0x86: {  	_ =	shalt  }
0x87: {  	_ =	shalt  }
.Lfunc_end0:
.L_simem_size_0:
called_computation.2_lowered:
.L_overlay_start_0:
0x88: {  	s2 =	sld [smem:$0x3FD9]  }
0x89: {  	s3 =	sld [smem:$0x3FFE];
	_ =	sdelay $0x1  }
0x8a: {  	s1 =	srdreg.scid  }
0x8b: {  	s0 =	sand.u32 $0x1, s1  }
0x8c: {  	s16 =	sshll.u32 s0, $0xA;
	s2 =	sadd.s32 s3, s2  }
0x8d: {  	s2 =	sadd.s32 s2, s16  }
0x8e: {  	[smem:$0x3FC0] =	sst s2  }
0x8f: {  	_ = 	snop  }
0x90: {  	(tm) =	ssettm $0x1  }
0x91: {  	s17 =	sld [smem:$0x3FFB];
	_ =	sdelay $0x3  }
0x92: {  	_ =	strace s17  }
0x93: {  	s2 =	sld [smem:$0x3FFC];
	_ =	sdelay $0x3  }
0x94: {  	_ =	strace s2  }
0x95: {  	s2 =	sld [smem:$0x3FFD];
	_ =	sdelay $0x3  }
0x96: {  	_ =	strace s2  }
0x97: {  	_ =	strace $0x8FFFFFFF  }
0x98: {  	s18 =	sld [smem:$0x3FDB];
	_ =	sdelay $0x1  }
0x99: {  	s19 =	simm.s32 $_scs_section_size  }
0x9a: {  	s4 =	simm.s32 $_size__tile_overlayer_lowered;
	s5 =	simm.s32 $_tile_overlayer_lowered  }
0x9b: {  	s22 =	simm.s32 $0x1BFF;
	s21 =	sshll.u32 s5, $0x1;
	s2 =	sadd.s32 s19, s18  }
0x9c: {  	s6 =	simm.s32 $0x0;
	s20 =	sshll.u32 s4, $0x1;
	s4 =	sadd.s32 s21, s2  }
0x9d: {  	[timem:s6], [sflag:s22] =	dma.local [hbm:s4], s20  }
0x9e: {  	_ =	swait.ge [sflag:s22], s20  }
0x9f: {  	s3 =	ssub.s32 $0x0, s20;
	[sflag:s22] =	ssyncset.done $0x0  }
0xa0: {  	[sflag:s22] =	ssyncadd.s32 s3;
	_ =	sdelay $0x1  }
0xa1: {  	s23 =	simm.s32 $0x1B8B  }
0xa2: {  	_ =	swait.ge [sflag:s23], $0x1  }
0xa3: {  	[sflag:s23] =	ssyncset.done $0x0  }
0xa4: {  	s25 =	simm.s32 $0x1B8E;
	s24 =	sld [smem:$0x3FFE];
	[sflag:s23] =	ssyncadd.s32 $0xFFFFFFFF  }
0xa5: {  	s26 =	simm.s32 $execute0_lowered;
	[smem:$0x3FD2] =	sst s25  }
0xa6: {  	s4 =	sshll.u32 s26, $0x1;
	_ =	strace $0x80000049;
	[dreg:$0x1] =	wrdreg $0xFFFFFFFF  }
0xa7: {  	s28 =	simm.s32 $_size_execute0_lowered;
	s2 =	sadd.s32 s2, s4;
	[dreg:$0x0] =	wrdreg $0x0  }
0xa8: {  	s4 =	sshll.u32 s28, $0x1;
	[dreg:$0x2] =	wrdreg s2  }
0xa9: {  	[dreg:$0x3] =	wrdreg s4  }
0xaa: {  	[dreg:$0x4] =	wrdreg $0xC0  }
0xab: {  	_ =	task [dreg:s6], $0x5FFFF  }
0xac: {  	[dreg:$0x1] =	wrdreg $0xFFFFFFFF  }
0xad: {  	[dreg:$0x0] =	wrdreg $0x60  }
0xae: {  	[dreg:$0x2] =	wrdreg s24  }
0xaf: {  	[dreg:$0x3] =	wrdreg $0x0  }
0xb0: {  	[dreg:$0x4] =	wrdreg $0xA  }
0xb1: {  	_ =	task.clear_ibuf [dreg:s6], $0x5FFFF;
	_ =	strace $0x90000049  }
0xb2: {  	s29 =	simm.s32 $0xA;
	_ =	strace $0x8000004B  }
0xb3: {  	_ =	swait.ge [sflag:s29], $0x1  }
0xb4: {  	[sflag:s29] =	ssyncadd.s32 $0xFFFFFFFF  }
0xb5: {  	_ =	strace $0x9000004B  }
0xb6: {  	_ =	sfence  }
0xb7: {  	s30 =	sld [smem:$0x0];
	_ =	sdelay $0x2  }
0xb8: {  	s31 =	sshll.u32 s1, $0xD;
	s1 =	sshrl.u32 s1, $0x2  }
0xb9: {  	s3 =	sand.u32 $0x4000, s31;
	s1 =	sadd.s32 s1, s30  }
0xba: {  	s0 =	sor.u32 s3, s0;
	s1 =	sshll.u32 s1, $0x11  }
0xbb: {  	s0 =	sor.u32 s1, s0  }
0xbc: {  	s0 =	sadd.s32 $0x8F2B, s0  }
0xbd: {  	[sflag:s0] =	ssyncadd.remote.s32 $0x1  }
0xbe: {  	_ =	sfence.sel $0xFFFF  }
0xbf: {  	[dreg:$0x0] =	wrdreg $0xFFFFFFFF;
	(pc) =	sbr.abs _section_cstart, $3  }
0xc0: {  	[dreg:$0x1] =	wrdreg $0xFFFFFFFF  }
0xc1: {  	_ =	task.clear_ibuf [dreg:s6], $0x2FFFF;
	_ =	strace $0x9FFFFFFF  }
0xc2: {  	(tm) =	ssettm $0x7FFFFFFF  }
0xc3: {  	_ =	shalt  }
tec
execute0_lowered:
.L_overlay_start_1:
0x0: {  	(tag) =	ssettag $0x1  }
0x1: {  	s0 =	srdreg.scid;
	s6 =	rddreg [dreg:$0x0]  }
0x2: {  	s11 =	stileid.u32;
	s2 =	rddreg [dreg:$0x1];
	s28 =	simm.s32 $0x16080  }
0x3: {  	s29 =	simm.s32 $0x3;
	s30 =	simm.s32 $0x2;
	s8 =	smul.u32 $0x4E000, s11  }
0x4: {  	s31 =	simm.s32 $0x4;
	s0 =	sand.u32 $0x1, s0;
	s19 =	smul.u32 $0x13800, s11  }
0x5: {  	s1 =	sshll.u32 s11, $0x1;
	s3 =	sshrl.u32 s11, $0x2;
	s22 =	smul.u32 $0x4F00, s11  }
0x6: {  	s12 =	sadd.s32 $0x71800, s6;
	p0 =	sne.s32 s11, $0xF;
	s4 =	smul.u32 $0x13C00, s3  }
0x7: {  	s1 =	sor.u32 s0, s1;
	s3 =	simm.s32 $0x0;
	s10 =	smul.u32 $0x138800, s0  }
0x8: {  	s18 =	ssub.s32 $0x2, s0;
	s0 =	smul.u32 $0x2780, s0;
	s5 =	sshll.u32 s1, $0x7  }
0x9: {  	[smem:$0x7FF] =	sst s3;
	s1 =	smul.u32 $0x2780, s1;
	s9 =	sshrl.u32 s18, $0x1  }
0xa: {  	s8 =	sshrl.u32 s8, $0x2;
	s5 =	sand.u32 $0x380, s5;
	_ =	strace $0x8000004A  }
0xb: {  	s13 =	ssub.s32 s18, s9;
	s9 =	sadd.s32 $0x138000, s2;
	s21 =	sadd.s32 s19, s10  }
0xc: {  	s14 =	sshrl.u32 s10, $0x3;
	s0 =	sadd.s32 s0, s22;
	s19 =	simm.s32 $0x80  }
0xd: {  	s22 =	simm.s32 $0x1A100;
	s5 =	sor.u32 s4, s5;
	s4 =	sadd.s32 $0x4A600, s6  }
0xe: {  	s1 =	sshrl.u32 s1, $0x3;
	s24 =	sadd.s32 s12, s14;
	s25 =	sadd.s32 $0x80, s0  }
0xf: {  	s13 =	smax.u32 s13, $0x1;
	s5 =	sshrl.u32 s5, $0x3;
	s26 =	sshrl.u32 s25, $0x3  }
0x10: {  	s7 =	sadd.s32 s5, s6;
	s5 =	sadd.s32 $0x36A00, s6;
	s6 =	sadd.s32 s8, s2  }
0x11: {  	s25 =	simm.s32 $0x16100;
	s7 =	sadd.s32 $0x40800, s7;
	s20 =	sadd.s32 $0x10000, s6  }
0x12: {  	s1 =	sadd.s32 s5, s1;
	s14 =	sadd.s32 $0x4000, s6;
	s15 =	sadd.s32 $0x8000, s6  }
0x13: {  	s16 =	sadd.s32 $0xC000, s6;
	s18 =	sadd.s32 s26, s5;
	[dreg:$0x3] =	wrdreg s7  }
0x14: {  	s26 =	simm.s32 $0x16000;
	[dreg:$0x4] =	wrdreg s20;
	s7 =	sshrl.u32 s21, $0x3  }
0x15: {  	[dreg:$0x5] =	wrdreg s1;
	s20 =	sadd.s32 $0x100, s0;
	s21 =	simm.s32 $0x13880  }
0x16: {  	s1 =	simm.s32 $0x0;
	s23 =	sadd.s32 s12, s7;
	s12 =	sadd.s32 $0x27000, s24  }
0x17: {  	v0 =	vimm.f32 $0.0e+00;
	s24 =	simm.s32 $0x1;
	[dreg:$0x6] =	wrdreg s23;
	s23 =	simm.s32 $0x5  }
.LBB2_1:
0x18: {  	s0 =	rddreg [dreg:$0x3];
	s7 =	simm.s32 $0x400  }
0x19: {  	[tilespmem:s21], [sflag:$0x1] =	stream.strided.gather [hbm4b:s0+s19], $0x2780, s7, s19, $0x38;
	[tilespmem:$0x1E100] =	vst v63  }
0x1a: {  	s0 =	simm.s32 $0x0;
	s7 =	simm.s32 $0x200  }
.LBB2_2:
0x1b: {  	p1 =	sne.s32 s7, $0xFE00;
	[tilespmem:s0+$0x1A170] =	vst v0  }
0x1c: {  	[tilespmem:s0+$0x1A100] =	vst v0  }
0x1d: {  	[tilespmem:s0+$0x1A110] =	vst v0  }
.Ltmp0:
0x1e: {  	[tilespmem:s0+$0x1A120] =	vst v0;
	(pc) =	sbr.rel @p1 .LBB2_2-.Ltmp0, $4  }
0x1f: {  	[tilespmem:s0+$0x1A130] =	vst v0  }
0x20: {  	[tilespmem:s0+$0x1A140] =	vst v0  }
0x21: {  	[tilespmem:s0+$0x1A150] =	vst v0  }
0x22: {  	[tilespmem:s0+$0x1A160] =	vst v0;
	s0 =	sshra.s32 s7, $0x2;
	s7 =	sadd.s32 $0x200, s7  }
0x23: {  	[tilespmem:s0+$0x1A170] =	vst v0  }
0x24: {  	[tilespmem:s0+$0x1A100] =	vst v0  }
0x25: {  	[tilespmem:s0+$0x1A110] =	vst v0  }
0x26: {  	[tilespmem:s0+$0x1A120] =	vst v0  }
0x27: {  	[tilespmem:s0+$0x1A130] =	vst v0  }
0x28: {  	[tilespmem:s0+$0x1A140] =	vst v0  }
0x29: {  	[tilespmem:s0+$0x1A150] =	vst v0  }
0x2a: {  	[tilespmem:s0+$0x1A160] =	vst v0  }
0x2b: {  	[spmem:s6] =	stream.linear.scatter [tilespmem:s22], [sflag:$0x5], $0x4000, $0x38;
	[tilespmem:$0x1E100] =	vst v63  }
0x2c: {  	_ =	swait.ge [sflag:s23], $0x4000  }
0x2d: {  	[sflag:s23] =	ssyncset.done $0x0  }
0x2e: {  	[sflag:s23] =	ssyncadd.s32 $0xFFFFC000  }
0x2f: {  	[spmem:s14] =	stream.linear.scatter [tilespmem:s22], [sflag:$0x5], $0x4000, $0x38;
	[tilespmem:$0x1E100] =	vst v63  }
0x30: {  	_ =	swait.ge [sflag:s23], $0x4000  }
0x31: {  	[sflag:s23] =	ssyncset.done $0x0  }
0x32: {  	[sflag:s23] =	ssyncadd.s32 $0xFFFFC000  }
0x33: {  	[spmem:s15] =	stream.linear.scatter [tilespmem:s22], [sflag:$0x5], $0x4000, $0x38;
	[tilespmem:$0x1E100] =	vst v63  }
0x34: {  	_ =	swait.ge [sflag:s23], $0x4000  }
0x35: {  	[sflag:s23] =	ssyncset.done $0x0  }
0x36: {  	[sflag:s23] =	ssyncadd.s32 $0xFFFFC000  }
0x37: {  	[spmem:s16] =	stream.linear.scatter [tilespmem:s22], [sflag:$0x5], $0x4000, $0x38;
	[tilespmem:$0x1E100] =	vst v63  }
0x38: {  	_ =	swait.ge [sflag:s23], $0x4000  }
0x39: {  	[sflag:s23] =	ssyncset.done $0x0  }
0x3a: {  	s11 =	rddreg [dreg:$0x4];
	[sflag:s23] =	ssyncadd.s32 $0xFFFFC000  }
0x3b: {  	[spmem:s11] =	stream.linear.scatter [tilespmem:s22], [sflag:$0x5], $0x3800, $0x38;
	[tilespmem:$0x1E100] =	vst v63  }
0x3c: {  	_ =	swait.ge [sflag:s23], $0x3800  }
0x3d: {  	[sflag:s23] =	ssyncset.done $0x0  }
0x3e: {  	s0 =	simm.s32 @!p0 $0x1A100;
	[sflag:s23] =	ssyncadd.s32 $0xFFFFC800  }
0x3f: {  	[spmem:s9] =	stream.linear.scatter @!p0 [tilespmem:s0], [sflag:$0x5], $0x800, $0x38;
	[tilespmem:$0x1E100] =	vst v63  }
0x40: {  	s0 =	simm.s32 @!p0 $0x5  }
0x41: {  	_ =	swait.ge @!p0 [sflag:s0], $0x800  }
0x42: {  	[sflag:s0] =	ssyncset.done @!p0 $0x0  }
0x43: {  	[sflag:s0] =	ssyncadd.s32 @!p0 $0xFFFFF800  }
0x44: {  	_ =	swait.ge [sflag:s24], $0x2780  }
0x45: {  	[sflag:s24] =	ssyncset.done $0x0  }
0x46: {  	[sflag:s24] =	ssyncadd.s32 $0xFFFFD880  }
0x47: {  	[tilespmem:s25], [sflag:$0x1] =	stream.indirect.gather [hbm4b:s4+s19], $0x80, s21, s19, $0xb8;
	[tilespmem:$0x1E100] =	vst v63  }
0x48: {  	s17 =	simm.s32 $0x0;
	s7 =	rddreg [dreg:$0x5]  }
0x49: {  	[tilespmem:s26], [sflag:$0x3] =	stream.linear.gather [hbm4b:s7+s17], $0x80, $0x38;
	[tilespmem:$0x1E100] =	vst v63  }
0x4a: {  	s7 =	simm.s32 $0x13900;
	[bflag:$0x0] =	sbarrier.arrive $0xFFFF  }
0x4b: {  	[tilespmem:s22], [sflag:$0x2] =	stream.indirect.gather [hbm4b:s4+s19], $0x80, s7, s19, $0xb8;
	[tilespmem:$0x1E100] =	vst v63  }
0x4c: {  	s8 =	sadd.s32 $0x0, s18  }
0x4d: {  	[tilespmem:s28], [sflag:$0x4] =	stream.linear.gather [hbm4b:s8+s3], $0x80, $0x38;
	[tilespmem:$0x1E100] =	vst v63  }
0x4e: {  	_ =	swait.ge [sflag:s24], $0x4000  }
0x4f: {  	[sflag:s24] =	ssyncset.done $0x0  }
0x50: {  	[sflag:s24] =	ssyncadd.s32 $0xFFFFC000  }
0x51: {  	_ =	swait.ge [sflag:s29], $0x80  }
0x52: {  	[sflag:s29] =	ssyncset.done $0x0  }
0x53: {  	[sflag:s29] =	ssyncadd.s32 $0xFFFFFF80  }
0x54: {  	[spmem:s2] =	stream.indirect.scatter.add.f32 [tilespmem:s25], [sflag:$0x5], $0x80, s26, s19, $0xb8;
	[tilespmem:$0x1E100] =	vst v63  }
0x55: {  	_ =	swait.ge [sflag:s23], $0x4000  }
0x56: {  	[sflag:s23] =	ssyncset.done $0x0  }
0x57: {  	s10 =	simm.s32 $0x13980;
	s11 =	sshrl.u32 s20, $0x3;
	[sflag:s23] =	ssyncadd.s32 $0xFFFFC000  }
0x58: {  	[tilespmem:s25], [sflag:$0x1] =	stream.indirect.gather [hbm4b:s4+s19], $0x80, s10, s19, $0xb8;
	[tilespmem:$0x1E100] =	vst v63  }
0x59: {  	s17 =	sadd.s32 s5, s11  }
0x5a: {  	[tilespmem:s26], [sflag:$0x3] =	stream.linear.gather [hbm4b:s17+s3], $0x80, $0x38;
	[tilespmem:$0x1E100] =	vst v63  }
0x5b: {  	_ =	swait.ge [sflag:s30], $0x4000  }
0x5c: {  	[sflag:s30] =	ssyncset.done $0x0  }
0x5d: {  	[sflag:s30] =	ssyncadd.s32 $0xFFFFC000  }
0x5e: {  	_ =	swait.ge [sflag:s31], $0x80  }
0x5f: {  	[sflag:s31] =	ssyncset.done $0x0  }
0x60: {  	[sflag:s31] =	ssyncadd.s32 $0xFFFFFF80  }
0x61: {  	[spmem:s2] =	stream.indirect.scatter.add.f32 [tilespmem:s22], [sflag:$0x5], $0x80, s28, s19, $0xb8;
	[tilespmem:$0x1E100] =	vst v63  }
0x62: {  	s0 =	simm.s32 $0x13A80;
	s7 =	simm.s32 $0x20;
	_ =	swait.ge [sflag:s23], $0x4000  }
0x63: {  	s8 =	simm.s32 $0x40;
	s17 =	smov.u32 s20;
	[sflag:s23] =	ssyncset.done $0x0  }
.LBB2_4:
0x64: {  	s10 =	sadd.s32 $0xFFFFFF80, s0  }
0x65: {  	[sflag:s23] =	ssyncadd.s32 $0xFFFFC000;
	s17 =	sadd.s32 $0x100, s17;
	s11 =	smov.u32 s8  }
0x66: {  	[tilespmem:s22], [sflag:$0x2] =	stream.indirect.gather [hbm4b:s4+s19], $0x80, s10, s19, $0xb8;
	[tilespmem:$0x1E100] =	vst v63  }
0x67: {  	p1 =	sne.s32 s8, $0x4C0;
	s8 =	sadd.s32 $0x20, s8;
	s7 =	sadd.s32 s7, s18  }
0x68: {  	[tilespmem:s28], [sflag:$0x4] =	stream.linear.gather [hbm4b:s7+s3], $0x80, $0x38;
	[tilespmem:$0x1E100] =	vst v63  }
0x69: {  	s7 =	smov.u32 s11;
	_ =	swait.ge [sflag:s24], $0x4000  }
0x6a: {  	[sflag:s24] =	ssyncset.done $0x0  }
0x6b: {  	[sflag:s24] =	ssyncadd.s32 $0xFFFFC000  }
0x6c: {  	_ =	swait.ge [sflag:s29], $0x80  }
0x6d: {  	[sflag:s29] =	ssyncset.done $0x0  }
0x6e: {  	[sflag:s29] =	ssyncadd.s32 $0xFFFFFF80  }
0x6f: {  	[spmem:s2] =	stream.indirect.scatter.add.f32 [tilespmem:s25], [sflag:$0x5], $0x80, s26, s19, $0xb8;
	[tilespmem:$0x1E100] =	vst v63  }
0x70: {  	_ =	swait.ge [sflag:s23], $0x4000  }
0x71: {  	[sflag:s23] =	ssyncset.done $0x0  }
0x72: {  	s10 =	sshrl.u32 s17, $0x3;
	[sflag:s23] =	ssyncadd.s32 $0xFFFFC000  }
0x73: {  	[tilespmem:s25], [sflag:$0x1] =	stream.indirect.gather [hbm4b:s4+s19], $0x80, s0, s19, $0xb8;
	[tilespmem:$0x1E100] =	vst v63  }
0x74: {  	s10 =	sadd.s32 s5, s10  }
0x75: {  	[tilespmem:s26], [sflag:$0x3] =	stream.linear.gather [hbm4b:s10+s3], $0x80, $0x38;
	[tilespmem:$0x1E100] =	vst v63  }
0x76: {  	_ =	swait.ge [sflag:s30], $0x4000  }
0x77: {  	[sflag:s30] =	ssyncset.done $0x0  }
0x78: {  	[sflag:s30] =	ssyncadd.s32 $0xFFFFC000  }
0x79: {  	_ =	swait.ge [sflag:s31], $0x80  }
.Ltmp1:
0x7a: {  	[sflag:s31] =	ssyncset.done $0x0;
	(pc) =	sbr.rel @p1 .LBB2_4-.Ltmp1, $4  }
0x7b: {  	[sflag:s31] =	ssyncadd.s32 $0xFFFFFF80  }
0x7c: {  	[spmem:s2] =	stream.indirect.scatter.add.f32 [tilespmem:s22], [sflag:$0x5], $0x80, s28, s19, $0xb8;
	[tilespmem:$0x1E100] =	vst v63  }
0x7d: {  	_ =	swait.ge [sflag:s23], $0x4000  }
0x7e: {  	s0 =	sadd.s32 $0x100, s0;
	[sflag:s23] =	ssyncset.done $0x0  }
0x7f: {  	s8 =	sadd.s32 $0xFFFFFF80, s0;
	[sflag:s23] =	ssyncadd.s32 $0xFFFFC000  }
0x80: {  	[tilespmem:s22], [sflag:$0x2] =	stream.indirect.gather [hbm4b:s4+s19], $0x80, s8, s19, $0xb8;
	[tilespmem:$0x1E100] =	vst v63  }
0x81: {  	s7 =	sadd.s32 s7, s18  }
0x82: {  	[tilespmem:s28], [sflag:$0x4] =	stream.linear.gather [hbm4b:s7+s3], $0x80, $0x38;
	[tilespmem:$0x1E100] =	vst v63  }
0x83: {  	_ =	swait.ge [sflag:s24], $0x4000  }
0x84: {  	[sflag:s24] =	ssyncset.done $0x0  }
0x85: {  	[sflag:s24] =	ssyncadd.s32 $0xFFFFC000  }
0x86: {  	_ =	swait.ge [sflag:s29], $0x80  }
0x87: {  	[sflag:s29] =	ssyncset.done $0x0  }
0x88: {  	[sflag:s29] =	ssyncadd.s32 $0xFFFFFF80  }
0x89: {  	[spmem:s2] =	stream.indirect.scatter.add.f32 [tilespmem:s25], [sflag:$0x5], $0x80, s26, s19, $0xb8;
	[tilespmem:$0x1E100] =	vst v63  }
0x8a: {  	_ =	swait.ge [sflag:s23], $0x4000  }
0x8b: {  	s17 =	sadd.s32 $0x100, s17;
	[sflag:s23] =	ssyncset.done $0x0  }
0x8c: {  	s7 =	sshrl.u32 s17, $0x3;
	[sflag:s23] =	ssyncadd.s32 $0xFFFFC000  }
0x8d: {  	[tilespmem:s25], [sflag:$0x1] =	stream.indirect.gather [hbm4b:s4+s19], $0x80, s0, s19, $0xb8;
	[tilespmem:$0x1E100] =	vst v63  }
0x8e: {  	s8 =	sadd.s32 s5, s7  }
0x8f: {  	[tilespmem:s26], [sflag:$0x3] =	stream.linear.gather [hbm4b:s8+s3], $0x80, $0x38;
	[tilespmem:$0x1E100] =	vst v63  }
0x90: {  	_ =	swait.ge [sflag:s30], $0x4000  }
0x91: {  	[sflag:s30] =	ssyncset.done $0x0  }
0x92: {  	[sflag:s30] =	ssyncadd.s32 $0xFFFFC000  }
0x93: {  	_ =	swait.ge [sflag:s31], $0x80  }
0x94: {  	[sflag:s31] =	ssyncset.done $0x0  }
0x95: {  	[sflag:s31] =	ssyncadd.s32 $0xFFFFFF80  }
0x96: {  	[spmem:s2] =	stream.indirect.scatter.add.f32 [tilespmem:s22], [sflag:$0x5], $0x80, s28, s19, $0xb8;
	[tilespmem:$0x1E100] =	vst v63  }
0x97: {  	_ =	swait.ge [sflag:s23], $0x4000  }
0x98: {  	[sflag:s23] =	ssyncset.done $0x0  }
0x99: {  	[sflag:s23] =	ssyncadd.s32 $0xFFFFC000  }
0x9a: {  	_ =	swait.ge [sflag:s24], $0x4000  }
0x9b: {  	[sflag:s24] =	ssyncset.done $0x0  }
0x9c: {  	[sflag:s24] =	ssyncadd.s32 $0xFFFFC000  }
0x9d: {  	_ =	swait.ge [sflag:s29], $0x80  }
0x9e: {  	[sflag:s29] =	ssyncset.done $0x0  }
0x9f: {  	[sflag:s29] =	ssyncadd.s32 $0xFFFFFF80  }
0xa0: {  	[spmem:s2] =	stream.indirect.scatter.add.f32 [tilespmem:s25], [sflag:$0x5], $0x80, s26, s19, $0xb8;
	[tilespmem:$0x1E100] =	vst v63  }
0xa1: {  	_ =	swait.ge [sflag:s23], $0x4000  }
0xa2: {  	[sflag:s23] =	ssyncset.done $0x0  }
0xa3: {  	s10 =	stileid.u32;
	[sflag:s23] =	ssyncadd.s32 $0xFFFFC000  }
0xa4: {  	s0 =	sshll.u32 s10, $0x6;
	[bflag:$0x0] =	sbarrier.arrive $0xFFFF  }
0xa5: {  	s11 =	sshrl.u32 s6, $0x3;
	s0 =	sor.u32 $0x1C05, s0;
	s17 =	rddreg [dreg:$0x6]  }
0xa6: {  	[hbm:s17], [sflag:s0] =	dma.local [spmem:s11], $0x2700  }
0xa7: {  	_ =	swait.ge [sflag:s23], $0x2700  }
0xa8: {  	s1 =	sadd.s32 $0x1, s1;
	[sflag:s23] =	ssyncset.done $0x0  }
0xa9: {  	p1 =	sne.s32 s1, s13;
	s7 =	sshrl.u32 @!p0 s9, $0x3;
	[sflag:s23] =	ssyncadd.s32 $0xFFFFD900  }
0xaa: {  	[hbm:s12], [sflag:s0] =	dma.local @!p0 [spmem:s7], $0x100  }
.Ltmp2:
0xab: {  	_ = 	snop;
	(pc) =	sbr.rel @p1 .LBB2_1-.Ltmp2, $4  }
0xac: {  	s0 =	simm.s32 @!p0 $0x5  }
0xad: {  	_ =	swait.ge @!p0 [sflag:s0], $0x100  }
0xae: {  	[sflag:s0] =	ssyncset.done @!p0 $0x0  }
0xaf: {  	[sflag:s0] =	ssyncadd.s32 @!p0 $0xFFFFFF00  }
0xb0: {  	_ =	sfence.sel $0x180000  }
0xb1: {  	[bflag:$0x0] =	sbarrier.arrive $0xFFFF  }
0xb2: {  	_ =	strace $0x9000004A  }
0xb3: {  	s0 =	stileid.u32;
	[bflag:$0x2] =	sbarrier.arrive $0xFFFF  }
0xb4: {  	p0 =	sne.s32 s0, $0x0;
	s0 =	rddreg [dreg:$0x2]  }
0xb5: {  	s0 =	sadd.s32 @!p0 $0x100000, s0  }
0xb6: {  	[sflag:s0] =	ssyncadd.tile.s32 @!p0 $0x1;
	_ =	shalt  }
.Lfunc_end2:
_tile_overlayer_lowered:
.L_overlay_start_2:
0xb7: {  	(tag) =	ssettag $0x2  }
0xb8: {  	s0 =	rddreg [dreg:$0x0];
	s2 =	stileid.u32  }
0xb9: {  	s1 =	rddreg [dreg:$0x1];
	p0 =	sne.s32 s2, $0x0  }
0xba: {  	s3 =	rddreg [dreg:$0x2];
	[bflag:$0x3] =	sbarrier.arrive $0xFFFF;
	s2 =	simm.s32 @!p0 $0x1C05  }
0xbb: {  	[timem:s3], [sflag:s2] =	dma.local @!p0 [hbm:s0], s1  }
0xbc: {  	s0 =	simm.s32 @!p0 $0x5  }
0xbd: {  	_ =	swait.ge @!p0 [sflag:s0], s1  }
0xbe: {  	s1 =	ssub.s32 @!p0 $0x0, s1;
	[sflag:s0] =	ssyncset.done @!p0 $0x0  }
0xbf: {  	[sflag:s0] =	ssyncadd.s32 @!p0 s1  }
0xc0: {  	[bflag:$0x3] =	sbarrier.arrive $0xFFFF  }
0xc1: {  	_ =	shalt  }

// kernel: kernel.18.cloned.1.call-start
scs
__scs_entry_jumppad:
0x0: {  	(pc) =	sbr.rel $0x88, $3  }
0x1: {  	(tag) =	ssettag $0x0;
	lr =	simm.s32 $0x1  }
0x2: {  	[smem:$0x3F99] =	sst lr;
	_ =	strace $0xD0000000  }
0x3: {  	_ = 	snop  }
0x4: {  	_ = 	snop  }
0x5: {  	_ = 	snop  }
0x6: {  	_ = 	snop  }
0x7: {  	_ = 	snop  }
__scs_overlays_trampoline_lowered:
0x8: {  	[smem:$0x3FA8] =	sst s0  }
0x9: {  	[smem:$0x3FA9] =	sst s1  }
0xa: {  	[smem:$0x3FAA] =	sst s2  }
0xb: {  	[smem:$0x3FAB] =	sst s3  }
0xc: {  	[smem:$0x3FAC] =	sst s4  }
0xd: {  	[smem:$0x3FAD] =	sst s5  }
0xe: {  	[smem:$0x3FAE] =	sst s6  }
0xf: {  	[smem:$0x3FAF] =	sst s7  }
0x10: {  	[smem:$0x3FB0] =	sst s8  }
0x11: {  	[smem:$0x3FB1] =	sst s9;
	s0 =	simm.s32 @!p0 $0x0  }
0x12: {  	s1 =	sld [smem:$0x3F97];
	s0 =	simm.s32 @p0 $0x1  }
0x13: {  	[smem:$0x3FB2] =	sst s0;
	s0 =	simm.s32 @!p1 $0x0  }
0x14: {  	s2 =	sld [smem:$0x3F96];
	s0 =	simm.s32 @p1 $0x1  }
0x15: {  	[smem:$0x3FB3] =	sst s0;
	s0 =	simm.s32 @!p2 $0x0  }
0x16: {  	s3 =	sld [smem:$0x3FDB];
	s0 =	simm.s32 @p2 $0x1  }
0x17: {  	s4 =	simm.s32 $0x1BF5;
	[smem:$0x3FB5] =	sst s0  }
0x18: {  	s0 =	sld [smem:$0x3F98];
	_ =	swait.ge [sflag:s4], $0x0  }
0x19: {  	s7 =	sld [smem:$0x3F99]  }
0x1a: {  	s8 =	sadd.s32 $0xFFFFE003, lr  }
0x1b: {  	s9 =	sadd.s32 $0xFFFFFEF7, lr;
	s5 =	simm.s32 $0xFFFFFFFF;
	p2 =	slt.u32 s8, $0xFFFFF086  }
0x1c: {  	p1 =	slt.u32 s9, $0xF7A;
	s5 =	simm.s32 @!p2 $0x0  }
0x1d: {  	s5 =	simm.s32 @p1 $0x1;
	p0 =	seq.s32 s7, s2  }
0x1e: {  	s7 =	smul.u32 @!p0 $0xF7A, s2;
	p2 =	seq.s32 @!p0 s5, $0x0  }
0x1f: {  	s9 =	smul.u32 $0xF7A, s1;
	s8 =	simm.s32 @!p0 $0x1BF5;
	p2 =	por !p2, p0  }
0x20: {  	[sflag:s8] =	ssyncset.s32 @!p0 $0xFFFFF086;
	s6 =	sadd.s32 @!p0 s3, s7;
	s7 =	simm.s32 @!p0 $0x108  }
0x21: {  	s3 =	sadd.s32 s3, s9;
	s6 =	sadd.s32 @!p0 $0x88, s6;
	s7 =	simm.s32 @p2 $0x1082  }
0x22: {  	[simem:s7], [sflag:s8] =	dma.local @!p0 [hbm:s6], $0xF7A  }
0x23: {  	s9 =	sor.u32 $0xD0000000, s2;
	s6 =	simm.s32 $0x108;
	_ =	swait.ge @!p0 [sflag:s8], $0x0  }
0x24: {  	s3 =	sadd.s32 $0x88, s3;
	s6 =	simm.s32 @!p1 $0x1082;
	[sflag:s4] =	ssyncset.s32 $0xFFFFF086  }
0x25: {  	[simem:s6], [sflag:s4] =	dma.local [hbm:s3], $0xF7A  }
0x26: {  	[smem:$0x3F99] =	sst s1;
	(tag) =	ssettag s2;
	_ =	strace s9  }
0x27: {  	s1 =	sld [smem:$0x3FA9]  }
0x28: {  	s2 =	sld [smem:$0x3FAA]  }
0x29: {  	s4 =	sld [smem:$0x3FAC]  }
0x2a: {  	p0 =	seq.s32 s5, $0x0;
	s5 =	sld [smem:$0x3FAD]  }
0x2b: {  	s6 =	sld [smem:$0x3FAE]  }
0x2c: {  	s7 =	sld [smem:$0x3FAF]  }
0x2d: {  	s3 =	simm.s32 $0x108;
	s8 =	sld [smem:$0x3FB0]  }
0x2e: {  	s3 =	simm.s32 @!p0 $0x1082;
	s9 =	sld [smem:$0x3FB1]  }
0x2f: {  	lr =	sadd.s32 s0, s3;
	s0 =	sld [smem:$0x3FA8]  }
0x30: {  	s3 =	sld [smem:$0x3FAB]  }
0x31: {  	[smem:$0x3FB4] =	sst s10  }
0x32: {  	s10 =	sld [smem:$0x3FB2];
	_ =	sdelay $0x3  }
0x33: {  	p0 =	seq.s32 s10, $0x1;
	s10 =	sld [smem:$0x3FB4];
	_ =	sdelay $0x3  }
0x34: {  	[smem:$0x3FB4] =	sst s10  }
0x35: {  	s10 =	sld [smem:$0x3FB3];
	_ =	sdelay $0x3  }
0x36: {  	p1 =	seq.s32 s10, $0x1;
	s10 =	sld [smem:$0x3FB4];
	_ =	sdelay $0x3  }
0x37: {  	[smem:$0x3FB4] =	sst s10  }
0x38: {  	s10 =	sld [smem:$0x3FB5]  }
0x39: {  	_ = 	snop;
	(pc) =	sbr.ind lr, $3  }
0x3a: {  	_ = 	snop  }
0x3b: {  	_ = 	snop  }
0x3c: {  	p2 =	seq.s32 s10, $0x1;
	s10 =	sld [smem:$0x3FB4]  }
0x3d: {  	_ =	shalt  }
0x3e: {  	_ =	shalt  }
0x3f: {  	_ =	shalt  }
0x40: {  	_ =	shalt  }
0x41: {  	_ =	shalt  }
0x42: {  	_ =	shalt  }
0x43: {  	_ =	shalt  }
0x44: {  	_ =	shalt  }
0x45: {  	_ =	shalt  }
0x46: {  	_ =	shalt  }
0x47: {  	_ =	shalt  }
0x48: {  	_ =	shalt  }
0x49: {  	_ =	shalt  }
0x4a: {  	_ =	shalt  }
0x4b: {  	_ =	shalt  }
0x4c: {  	_ =	shalt  }
0x4d: {  	_ =	shalt  }
0x4e: {  	_ =	shalt  }
0x4f: {  	_ =	shalt  }
0x50: {  	_ =	shalt  }
0x51: {  	_ =	shalt  }
0x52: {  	_ =	shalt  }
0x53: {  	_ =	shalt  }
0x54: {  	_ =	shalt  }
0x55: {  	_ =	shalt  }
0x56: {  	_ =	shalt  }
0x57: {  	_ =	shalt  }
0x58: {  	_ =	shalt  }
0x59: {  	_ =	shalt  }
0x5a: {  	_ =	shalt  }
0x5b: {  	_ =	shalt  }
0x5c: {  	_ =	shalt  }
0x5d: {  	_ =	shalt  }
0x5e: {  	_ =	shalt  }
0x5f: {  	_ =	shalt  }
0x60: {  	_ =	shalt  }
0x61: {  	_ =	shalt  }
0x62: {  	_ =	shalt  }
0x63: {  	_ =	shalt  }
0x64: {  	_ =	shalt  }
0x65: {  	_ =	shalt  }
0x66: {  	_ =	shalt  }
0x67: {  	_ =	shalt  }
0x68: {  	_ =	shalt  }
0x69: {  	_ =	shalt  }
0x6a: {  	_ =	shalt  }
0x6b: {  	_ =	shalt  }
0x6c: {  	_ =	shalt  }
0x6d: {  	_ =	shalt  }
0x6e: {  	_ =	shalt  }
0x6f: {  	_ =	shalt  }
0x70: {  	_ =	shalt  }
0x71: {  	_ =	shalt  }
0x72: {  	_ =	shalt  }
0x73: {  	_ =	shalt  }
0x74: {  	_ =	shalt  }
0x75: {  	_ =	shalt  }
0x76: {  	_ =	shalt  }
0x77: {  	_ =	shalt  }
0x78: {  	_ =	shalt  }
0x79: {  	_ =	shalt  }
0x7a: {  	_ =	shalt  }
0x7b: {  	_ =	shalt  }
0x7c: {  	_ =	shalt  }
0x7d: {  	_ =	shalt  }
0x7e: {  	_ =	shalt  }
0x7f: {  	_ =	shalt  }
0x80: {  	_ =	shalt  }
0x81: {  	_ =	shalt  }
0x82: {  	_ =	shalt  }
0x83: {  	_ =	shalt  }
0x84: {  	_ =	shalt  }
0x85: {  	_ =	shalt  }
0x86: {  	_ =	shalt  }
0x87: {  	_ =	shalt  }
.Lfunc_end0:
.L_simem_size_0:
called_computation.3_lowered:
.L_overlay_start_0:
0x88: {  	s2 =	sld [smem:$0x3FD9]  }
0x89: {  	s3 =	sld [smem:$0x3FFE];
	_ =	sdelay $0x1  }
0x8a: {  	s1 =	srdreg.scid  }
0x8b: {  	s0 =	sand.u32 $0x1, s1  }
0x8c: {  	s17 =	sshll.u32 s0, $0xA;
	s2 =	sadd.s32 s3, s2  }
0x8d: {  	s2 =	sadd.s32 s2, s17  }
0x8e: {  	[smem:$0x3FC0] =	sst s2  }
0x8f: {  	_ = 	snop  }
0x90: {  	(tm) =	ssettm $0x1  }
0x91: {  	s18 =	sld [smem:$0x3FFB];
	_ =	sdelay $0x3  }
0x92: {  	_ =	strace s18  }
0x93: {  	s2 =	sld [smem:$0x3FFC];
	_ =	sdelay $0x3  }
0x94: {  	_ =	strace s2  }
0x95: {  	s2 =	sld [smem:$0x3FFD];
	_ =	sdelay $0x3  }
0x96: {  	_ =	strace s2  }
0x97: {  	_ =	strace $0x8FFFFFFF  }
0x98: {  	s19 =	sld [smem:$0x3FDB];
	_ =	sdelay $0x1  }
0x99: {  	s20 =	simm.s32 $_scs_section_size  }
0x9a: {  	s4 =	simm.s32 $_size__tile_overlayer_lowered;
	s5 =	simm.s32 $_tile_overlayer_lowered  }
0x9b: {  	s6 =	simm.s32 $0x1BFF;
	s21 =	sshll.u32 s5, $0x1;
	s3 =	sadd.s32 s20, s19  }
0x9c: {  	s22 =	simm.s32 $0x0;
	s4 =	sshll.u32 s4, $0x1;
	s5 =	sadd.s32 s21, s3  }
0x9d: {  	[timem:s22], [sflag:s6] =	dma.local [hbm:s5], s4  }
0x9e: {  	_ =	swait.ge [sflag:s6], s4  }
0x9f: {  	s4 =	ssub.s32 $0x0, s4;
	[sflag:s6] =	ssyncset.done $0x0  }
0xa0: {  	[sflag:s6] =	ssyncadd.s32 s4;
	_ =	sdelay $0x1  }
0xa1: {  	s23 =	simm.s32 $0x1B8B  }
0xa2: {  	_ =	swait.ge [sflag:s23], $0x1  }
0xa3: {  	[sflag:s23] =	ssyncset.done $0x0  }
0xa4: {  	[sflag:s23] =	ssyncadd.s32 $0xFFFFFFFF  }
0xa5: {  	s4 =	sld [smem:$0x0]  }
0xa6: {  	s5 =	sand.u32 $0xFFFFFFFE, s1  }
0xa7: {  	p0 =	sne.s32 s1, s5  }
0xa8: {  	s5 =	sshll.u32 @p0 s5, $0xE  }
0xa9: {  	s5 =	sadd.s32 @p0 $0x11B8D, s5;
	s6 =	sshll.u32 @p0 s4, $0x11  }
0xaa: {  	s5 =	sor.u32 @p0 s6, s5  }
0xab: {  	[sflag:s5] =	ssyncadd.remote.s32 @p0 $0x1;
	_ =	sdelay $0x1  }
0xac: {  	s5 =	simm.s32 @p0 $0x1B8D  }
0xad: {  	_ =	swait.eq @p0 [sflag:s5], $0x1  }
0xae: {  	[sflag:s5] =	ssyncadd.s32 @p0 $0xFFFFFFFF  }
0xaf: {  	s6 =	sshll.u32 @!p0 s1, $0xE  }
0xb0: {  	s6 =	sor.u32 @!p0 $0x4000, s6;
	s5 =	simm.s32 @!p0 $0x1B8D  }
0xb1: {  	s4 =	sshll.u32 @!p0 s4, $0x11;
	s6 =	sadd.s32 @!p0 $0x11B8D, s6;
	_ =	swait.eq @!p0 [sflag:s5], $0x1  }
0xb2: {  	s4 =	sor.u32 @!p0 s4, s6;
	[sflag:s5] =	ssyncadd.s32 @!p0 $0xFFFFFFFF  }
0xb3: {  	s25 =	simm.s32 $0x1B8E;
	s24 =	sld [smem:$0x3FFE];
	[sflag:s4] =	ssyncadd.remote.s32 @!p0 $0x1  }
0xb4: {  	s26 =	simm.s32 $execute0_lowered;
	[smem:$0x3FD2] =	sst s25  }
0xb5: {  	s5 =	sshll.u32 s26, $0x1;
	_ =	strace $0x8000004F;
	[dreg:$0x1] =	wrdreg $0xFFFFFFFF  }
0xb6: {  	s28 =	simm.s32 $_size_execute0_lowered;
	s3 =	sadd.s32 s3, s5;
	[dreg:$0x0] =	wrdreg $0x0  }
0xb7: {  	s5 =	sshll.u32 s28, $0x1;
	[dreg:$0x2] =	wrdreg s3  }
0xb8: {  	[dreg:$0x3] =	wrdreg s5  }
0xb9: {  	[dreg:$0x4] =	wrdreg $0xC0  }
0xba: {  	_ =	task [dreg:s22], $0x5FFFF  }
0xbb: {  	[dreg:$0x1] =	wrdreg $0xFFFFFFFF  }
0xbc: {  	[dreg:$0x0] =	wrdreg $0x60  }
0xbd: {  	[dreg:$0x2] =	wrdreg s24  }
0xbe: {  	[dreg:$0x3] =	wrdreg $0x0  }
0xbf: {  	[dreg:$0x4] =	wrdreg $0xA  }
0xc0: {  	_ =	task.clear_ibuf [dreg:s22], $0x5FFFF;
	_ =	strace $0x9000004F  }
0xc1: {  	s29 =	simm.s32 $0xA;
	_ =	strace $0x80000051  }
0xc2: {  	_ =	swait.ge [sflag:s29], $0x1  }
0xc3: {  	[sflag:s29] =	ssyncadd.s32 $0xFFFFFFFF  }
0xc4: {  	_ =	strace $0x90000051  }
0xc5: {  	_ =	sfence  }
0xc6: {  	s30 =	sld [smem:$0x0];
	_ =	sdelay $0x2  }
0xc7: {  	s31 =	sshll.u32 s1, $0xD;
	s1 =	sshrl.u32 s1, $0x2  }
0xc8: {  	s4 =	sand.u32 $0x4000, s31;
	s1 =	sadd.s32 s1, s30  }
0xc9: {  	s0 =	sor.u32 s4, s0;
	s1 =	sshll.u32 s1, $0x11  }
0xca: {  	s0 =	sor.u32 s1, s0  }
0xcb: {  	s0 =	sadd.s32 $0x8F2B, s0  }
0xcc: {  	[sflag:s0] =	ssyncadd.remote.s32 $0x1  }
0xcd: {  	_ =	sfence.sel $0xFFFF  }
0xce: {  	[dreg:$0x0] =	wrdreg $0xFFFFFFFF;
	(pc) =	sbr.abs _section_cstart, $3  }
0xcf: {  	[dreg:$0x1] =	wrdreg $0xFFFFFFFF  }
0xd0: {  	_ =	task.clear_ibuf [dreg:s22], $0x2FFFF;
	_ =	strace $0x9FFFFFFF  }
0xd1: {  	(tm) =	ssettm $0x7FFFFFFF  }
tec
execute0_lowered:
.L_overlay_start_1:
0x0: {  	(tag) =	ssettag $0x1  }
0x1: {  	s0 =	srdreg.scid;
	s6 =	rddreg [dreg:$0x0]  }
0x2: {  	s11 =	stileid.u32;
	s2 =	rddreg [dreg:$0x1];
	s28 =	simm.s32 $0x16080  }
0x3: {  	s29 =	simm.s32 $0x3;
	s30 =	simm.s32 $0x2;
	s8 =	smul.u32 $0x4E000, s11  }
0x4: {  	s31 =	simm.s32 $0x4;
	s0 =	sand.u32 $0x1, s0;
	s19 =	smul.u32 $0x13800, s11  }
0x5: {  	s1 =	sshll.u32 s11, $0x1;
	s3 =	sshrl.u32 s11, $0x2;
	s22 =	smul.u32 $0x4F00, s11  }
0x6: {  	s12 =	sadd.s32 $0x71800, s6;
	p0 =	sne.s32 s11, $0xF;
	s4 =	smul.u32 $0x13C00, s3  }
0x7: {  	s1 =	sor.u32 s0, s1;
	s3 =	simm.s32 $0x0;
	s10 =	smul.u32 $0x138800, s0  }
0x8: {  	s18 =	ssub.s32 $0x2, s0;
	s0 =	smul.u32 $0x2780, s0;
	s5 =	sshll.u32 s1, $0x7  }
0x9: {  	[smem:$0x7FF] =	sst s3;
	s1 =	smul.u32 $0x2780, s1;
	s9 =	sshrl.u32 s18, $0x1  }
0xa: {  	s8 =	sshrl.u32 s8, $0x2;
	s5 =	sand.u32 $0x380, s5;
	_ =	strace $0x80000050  }
0xb: {  	s13 =	ssub.s32 s18, s9;
	s9 =	sadd.s32 $0x138000, s2;
	s21 =	sadd.s32 s19, s10  }
0xc: {  	s14 =	sshrl.u32 s10, $0x3;
	s0 =	sadd.s32 s0, s22;
	s19 =	simm.s32 $0x80  }
0xd: {  	s22 =	simm.s32 $0x1A100;
	s5 =	sor.u32 s4, s5;
	s4 =	sadd.s32 $0x4A600, s6  }
0xe: {  	s1 =	sshrl.u32 s1, $0x3;
	s24 =	sadd.s32 s12, s14;
	s25 =	sadd.s32 $0x80, s0  }
0xf: {  	s13 =	smax.u32 s13, $0x1;
	s5 =	sshrl.u32 s5, $0x3;
	s26 =	sshrl.u32 s25, $0x3  }
0x10: {  	s7 =	sadd.s32 s5, s6;
	s5 =	sadd.s32 $0x36A00, s6;
	s6 =	sadd.s32 s8, s2  }
0x11: {  	s25 =	simm.s32 $0x16100;
	s7 =	sadd.s32 $0x40800, s7;
	s20 =	sadd.s32 $0x10000, s6  }
0x12: {  	s1 =	sadd.s32 s5, s1;
	s14 =	sadd.s32 $0x4000, s6;
	s15 =	sadd.s32 $0x8000, s6  }
0x13: {  	s16 =	sadd.s32 $0xC000, s6;
	s18 =	sadd.s32 s26, s5;
	[dreg:$0x3] =	wrdreg s7  }
0x14: {  	s26 =	simm.s32 $0x16000;
	[dreg:$0x4] =	wrdreg s20;
	s7 =	sshrl.u32 s21, $0x3  }
0x15: {  	[dreg:$0x5] =	wrdreg s1;
	s20 =	sadd.s32 $0x100, s0;
	s21 =	simm.s32 $0x13880  }
0x16: {  	s1 =	simm.s32 $0x0;
	s23 =	sadd.s32 s12, s7;
	s12 =	sadd.s32 $0x27000, s24  }
0x17: {  	v0 =	vimm.f32 $0.0e+00;
	s24 =	simm.s32 $0x1;
	[dreg:$0x6] =	wrdreg s23;
	s23 =	simm.s32 $0x5  }
.LBB2_1:
0x18: {  	s0 =	rddreg [dreg:$0x3];
	s7 =	simm.s32 $0x400  }
0x19: {  	[tilespmem:s21], [sflag:$0x1] =	stream.strided.gather [hbm4b:s0+s19], $0x2780, s7, s19, $0x38;
	[tilespmem:$0x1E100] =	vst v63  }
0x1a: {  	s0 =	simm.s32 $0x0;
	s7 =	simm.s32 $0x200  }
.LBB2_2:
0x1b: {  	p1 =	sne.s32 s7, $0xFE00;
	[tilespmem:s0+$0x1A170] =	vst v0  }
0x1c: {  	[tilespmem:s0+$0x1A100] =	vst v0  }
0x1d: {  	[tilespmem:s0+$0x1A110] =	vst v0  }
.Ltmp0:
0x1e: {  	[tilespmem:s0+$0x1A120] =	vst v0;
	(pc) =	sbr.rel @p1 .LBB2_2-.Ltmp0, $4  }
0x1f: {  	[tilespmem:s0+$0x1A130] =	vst v0  }
0x20: {  	[tilespmem:s0+$0x1A140] =	vst v0  }
0x21: {  	[tilespmem:s0+$0x1A150] =	vst v0  }
0x22: {  	[tilespmem:s0+$0x1A160] =	vst v0;
	s0 =	sshra.s32 s7, $0x2;
	s7 =	sadd.s32 $0x200, s7  }
0x23: {  	[tilespmem:s0+$0x1A170] =	vst v0  }
0x24: {  	[tilespmem:s0+$0x1A100] =	vst v0  }
0x25: {  	[tilespmem:s0+$0x1A110] =	vst v0  }
0x26: {  	[tilespmem:s0+$0x1A120] =	vst v0  }
0x27: {  	[tilespmem:s0+$0x1A130] =	vst v0  }
0x28: {  	[tilespmem:s0+$0x1A140] =	vst v0  }
0x29: {  	[tilespmem:s0+$0x1A150] =	vst v0  }
0x2a: {  	[tilespmem:s0+$0x1A160] =	vst v0  }
0x2b: {  	[spmem:s6] =	stream.linear.scatter [tilespmem:s22], [sflag:$0x5], $0x4000, $0x38;
	[tilespmem:$0x1E100] =	vst v63  }
0x2c: {  	_ =	swait.ge [sflag:s23], $0x4000  }
0x2d: {  	[sflag:s23] =	ssyncset.done $0x0  }
0x2e: {  	[sflag:s23] =	ssyncadd.s32 $0xFFFFC000  }
0x2f: {  	[spmem:s14] =	stream.linear.scatter [tilespmem:s22], [sflag:$0x5], $0x4000, $0x38;
	[tilespmem:$0x1E100] =	vst v63  }
0x30: {  	_ =	swait.ge [sflag:s23], $0x4000  }
0x31: {  	[sflag:s23] =	ssyncset.done $0x0  }
0x32: {  	[sflag:s23] =	ssyncadd.s32 $0xFFFFC000  }
0x33: {  	[spmem:s15] =	stream.linear.scatter [tilespmem:s22], [sflag:$0x5], $0x4000, $0x38;
	[tilespmem:$0x1E100] =	vst v63  }
0x34: {  	_ =	swait.ge [sflag:s23], $0x4000  }
0x35: {  	[sflag:s23] =	ssyncset.done $0x0  }
0x36: {  	[sflag:s23] =	ssyncadd.s32 $0xFFFFC000  }
0x37: {  	[spmem:s16] =	stream.linear.scatter [tilespmem:s22], [sflag:$0x5], $0x4000, $0x38;
	[tilespmem:$0x1E100] =	vst v63  }
0x38: {  	_ =	swait.ge [sflag:s23], $0x4000  }
0x39: {  	[sflag:s23] =	ssyncset.done $0x0  }
0x3a: {  	s11 =	rddreg [dreg:$0x4];
	[sflag:s23] =	ssyncadd.s32 $0xFFFFC000  }
0x3b: {  	[spmem:s11] =	stream.linear.scatter [tilespmem:s22], [sflag:$0x5], $0x3800, $0x38;
	[tilespmem:$0x1E100] =	vst v63  }
0x3c: {  	_ =	swait.ge [sflag:s23], $0x3800  }
0x3d: {  	[sflag:s23] =	ssyncset.done $0x0  }
0x3e: {  	s0 =	simm.s32 @!p0 $0x1A100;
	[sflag:s23] =	ssyncadd.s32 $0xFFFFC800  }
0x3f: {  	[spmem:s9] =	stream.linear.scatter @!p0 [tilespmem:s0], [sflag:$0x5], $0x800, $0x38;
	[tilespmem:$0x1E100] =	vst v63  }
0x40: {  	s0 =	simm.s32 @!p0 $0x5  }
0x41: {  	_ =	swait.ge @!p0 [sflag:s0], $0x800  }
0x42: {  	[sflag:s0] =	ssyncset.done @!p0 $0x0  }
0x43: {  	[sflag:s0] =	ssyncadd.s32 @!p0 $0xFFFFF800  }
0x44: {  	_ =	swait.ge [sflag:s24], $0x2780  }
0x45: {  	[sflag:s24] =	ssyncset.done $0x0  }
0x46: {  	[sflag:s24] =	ssyncadd.s32 $0xFFFFD880  }
0x47: {  	[tilespmem:s25], [sflag:$0x1] =	stream.indirect.gather [hbm4b:s4+s19], $0x80, s21, s19, $0xb8;
	[tilespmem:$0x1E100] =	vst v63  }
0x48: {  	s17 =	simm.s32 $0x0;
	s7 =	rddreg [dreg:$0x5]  }
0x49: {  	[tilespmem:s26], [sflag:$0x3] =	stream.linear.gather [hbm4b:s7+s17], $0x80, $0x38;
	[tilespmem:$0x1E100] =	vst v63  }
0x4a: {  	s7 =	simm.s32 $0x13900;
	[bflag:$0x0] =	sbarrier.arrive $0xFFFF  }
0x4b: {  	[tilespmem:s22], [sflag:$0x2] =	stream.indirect.gather [hbm4b:s4+s19], $0x80, s7, s19, $0xb8;
	[tilespmem:$0x1E100] =	vst v63  }
0x4c: {  	s8 =	sadd.s32 $0x0, s18  }
0x4d: {  	[tilespmem:s28], [sflag:$0x4] =	stream.linear.gather [hbm4b:s8+s3], $0x80, $0x38;
	[tilespmem:$0x1E100] =	vst v63  }
0x4e: {  	_ =	swait.ge [sflag:s24], $0x4000  }
0x4f: {  	[sflag:s24] =	ssyncset.done $0x0  }
0x50: {  	[sflag:s24] =	ssyncadd.s32 $0xFFFFC000  }
0x51: {  	_ =	swait.ge [sflag:s29], $0x80  }
0x52: {  	[sflag:s29] =	ssyncset.done $0x0  }
0x53: {  	[sflag:s29] =	ssyncadd.s32 $0xFFFFFF80  }
0x54: {  	[spmem:s2] =	stream.indirect.scatter.add.f32 [tilespmem:s25], [sflag:$0x5], $0x80, s26, s19, $0xb8;
	[tilespmem:$0x1E100] =	vst v63  }
0x55: {  	_ =	swait.ge [sflag:s23], $0x4000  }
0x56: {  	[sflag:s23] =	ssyncset.done $0x0  }
0x57: {  	s10 =	simm.s32 $0x13980;
	s11 =	sshrl.u32 s20, $0x3;
	[sflag:s23] =	ssyncadd.s32 $0xFFFFC000  }
0x58: {  	[tilespmem:s25], [sflag:$0x1] =	stream.indirect.gather [hbm4b:s4+s19], $0x80, s10, s19, $0xb8;
	[tilespmem:$0x1E100] =	vst v63  }
0x59: {  	s17 =	sadd.s32 s5, s11  }
0x5a: {  	[tilespmem:s26], [sflag:$0x3] =	stream.linear.gather [hbm4b:s17+s3], $0x80, $0x38;
	[tilespmem:$0x1E100] =	vst v63  }
0x5b: {  	_ =	swait.ge [sflag:s30], $0x4000  }
0x5c: {  	[sflag:s30] =	ssyncset.done $0x0  }
0x5d: {  	[sflag:s30] =	ssyncadd.s32 $0xFFFFC000  }
0x5e: {  	_ =	swait.ge [sflag:s31], $0x80  }
0x5f: {  	[sflag:s31] =	ssyncset.done $0x0  }
0x60: {  	[sflag:s31] =	ssyncadd.s32 $0xFFFFFF80  }
0x61: {  	[spmem:s2] =	stream.indirect.scatter.add.f32 [tilespmem:s22], [sflag:$0x5], $0x80, s28, s19, $0xb8;
	[tilespmem:$0x1E100] =	vst v63  }
0x62: {  	s0 =	simm.s32 $0x13A80;
	s7 =	simm.s32 $0x20;
	_ =	swait.ge [sflag:s23], $0x4000  }
0x63: {  	s8 =	simm.s32 $0x40;
	s17 =	smov.u32 s20;
	[sflag:s23] =	ssyncset.done $0x0  }
.LBB2_4:
0x64: {  	s10 =	sadd.s32 $0xFFFFFF80, s0  }
0x65: {  	[sflag:s23] =	ssyncadd.s32 $0xFFFFC000;
	s17 =	sadd.s32 $0x100, s17;
	s11 =	smov.u32 s8  }
0x66: {  	[tilespmem:s22], [sflag:$0x2] =	stream.indirect.gather [hbm4b:s4+s19], $0x80, s10, s19, $0xb8;
	[tilespmem:$0x1E100] =	vst v63  }
0x67: {  	p1 =	sne.s32 s8, $0x4C0;
	s8 =	sadd.s32 $0x20, s8;
	s7 =	sadd.s32 s7, s18  }
0x68: {  	[tilespmem:s28], [sflag:$0x4] =	stream.linear.gather [hbm4b:s7+s3], $0x80, $0x38;
	[tilespmem:$0x1E100] =	vst v63  }
0x69: {  	s7 =	smov.u32 s11;
	_ =	swait.ge [sflag:s24], $0x4000  }
0x6a: {  	[sflag:s24] =	ssyncset.done $0x0  }
0x6b: {  	[sflag:s24] =	ssyncadd.s32 $0xFFFFC000  }
0x6c: {  	_ =	swait.ge [sflag:s29], $0x80  }
0x6d: {  	[sflag:s29] =	ssyncset.done $0x0  }
0x6e: {  	[sflag:s29] =	ssyncadd.s32 $0xFFFFFF80  }
0x6f: {  	[spmem:s2] =	stream.indirect.scatter.add.f32 [tilespmem:s25], [sflag:$0x5], $0x80, s26, s19, $0xb8;
	[tilespmem:$0x1E100] =	vst v63  }
0x70: {  	_ =	swait.ge [sflag:s23], $0x4000  }
0x71: {  	[sflag:s23] =	ssyncset.done $0x0  }
0x72: {  	s10 =	sshrl.u32 s17, $0x3;
	[sflag:s23] =	ssyncadd.s32 $0xFFFFC000  }
0x73: {  	[tilespmem:s25], [sflag:$0x1] =	stream.indirect.gather [hbm4b:s4+s19], $0x80, s0, s19, $0xb8;
	[tilespmem:$0x1E100] =	vst v63  }
0x74: {  	s10 =	sadd.s32 s5, s10  }
0x75: {  	[tilespmem:s26], [sflag:$0x3] =	stream.linear.gather [hbm4b:s10+s3], $0x80, $0x38;
	[tilespmem:$0x1E100] =	vst v63  }
0x76: {  	_ =	swait.ge [sflag:s30], $0x4000  }
0x77: {  	[sflag:s30] =	ssyncset.done $0x0  }
0x78: {  	[sflag:s30] =	ssyncadd.s32 $0xFFFFC000  }
0x79: {  	_ =	swait.ge [sflag:s31], $0x80  }
.Ltmp1:
0x7a: {  	[sflag:s31] =	ssyncset.done $0x0;
	(pc) =	sbr.rel @p1 .LBB2_4-.Ltmp1, $4  }
0x7b: {  	[sflag:s31] =	ssyncadd.s32 $0xFFFFFF80  }
0x7c: {  	[spmem:s2] =	stream.indirect.scatter.add.f32 [tilespmem:s22], [sflag:$0x5], $0x80, s28, s19, $0xb8;
	[tilespmem:$0x1E100] =	vst v63  }
0x7d: {  	_ =	swait.ge [sflag:s23], $0x4000  }
0x7e: {  	s0 =	sadd.s32 $0x100, s0;
	[sflag:s23] =	ssyncset.done $0x0  }
0x7f: {  	s8 =	sadd.s32 $0xFFFFFF80, s0;
	[sflag:s23] =	ssyncadd.s32 $0xFFFFC000  }
0x80: {  	[tilespmem:s22], [sflag:$0x2] =	stream.indirect.gather [hbm4b:s4+s19], $0x80, s8, s19, $0xb8;
	[tilespmem:$0x1E100] =	vst v63  }
0x81: {  	s7 =	sadd.s32 s7, s18  }
0x82: {  	[tilespmem:s28], [sflag:$0x4] =	stream.linear.gather [hbm4b:s7+s3], $0x80, $0x38;
	[tilespmem:$0x1E100] =	vst v63  }
0x83: {  	_ =	swait.ge [sflag:s24], $0x4000  }
0x84: {  	[sflag:s24] =	ssyncset.done $0x0  }
0x85: {  	[sflag:s24] =	ssyncadd.s32 $0xFFFFC000  }
0x86: {  	_ =	swait.ge [sflag:s29], $0x80  }
0x87: {  	[sflag:s29] =	ssyncset.done $0x0  }
0x88: {  	[sflag:s29] =	ssyncadd.s32 $0xFFFFFF80  }
0x89: {  	[spmem:s2] =	stream.indirect.scatter.add.f32 [tilespmem:s25], [sflag:$0x5], $0x80, s26, s19, $0xb8;
	[tilespmem:$0x1E100] =	vst v63  }
0x8a: {  	_ =	swait.ge [sflag:s23], $0x4000  }
0x8b: {  	s17 =	sadd.s32 $0x100, s17;
	[sflag:s23] =	ssyncset.done $0x0  }
0x8c: {  	s7 =	sshrl.u32 s17, $0x3;
	[sflag:s23] =	ssyncadd.s32 $0xFFFFC000  }
0x8d: {  	[tilespmem:s25], [sflag:$0x1] =	stream.indirect.gather [hbm4b:s4+s19], $0x80, s0, s19, $0xb8;
	[tilespmem:$0x1E100] =	vst v63  }
0x8e: {  	s8 =	sadd.s32 s5, s7  }
0x8f: {  	[tilespmem:s26], [sflag:$0x3] =	stream.linear.gather [hbm4b:s8+s3], $0x80, $0x38;
	[tilespmem:$0x1E100] =	vst v63  }
0x90: {  	_ =	swait.ge [sflag:s30], $0x4000  }
0x91: {  	[sflag:s30] =	ssyncset.done $0x0  }
0x92: {  	[sflag:s30] =	ssyncadd.s32 $0xFFFFC000  }
0x93: {  	_ =	swait.ge [sflag:s31], $0x80  }
0x94: {  	[sflag:s31] =	ssyncset.done $0x0  }
0x95: {  	[sflag:s31] =	ssyncadd.s32 $0xFFFFFF80  }
0x96: {  	[spmem:s2] =	stream.indirect.scatter.add.f32 [tilespmem:s22], [sflag:$0x5], $0x80, s28, s19, $0xb8;
	[tilespmem:$0x1E100] =	vst v63  }
0x97: {  	_ =	swait.ge [sflag:s23], $0x4000  }
0x98: {  	[sflag:s23] =	ssyncset.done $0x0  }
0x99: {  	[sflag:s23] =	ssyncadd.s32 $0xFFFFC000  }
0x9a: {  	_ =	swait.ge [sflag:s24], $0x4000  }
0x9b: {  	[sflag:s24] =	ssyncset.done $0x0  }
0x9c: {  	[sflag:s24] =	ssyncadd.s32 $0xFFFFC000  }
0x9d: {  	_ =	swait.ge [sflag:s29], $0x80  }
0x9e: {  	[sflag:s29] =	ssyncset.done $0x0  }
0x9f: {  	[sflag:s29] =	ssyncadd.s32 $0xFFFFFF80  }
0xa0: {  	[spmem:s2] =	stream.indirect.scatter.add.f32 [tilespmem:s25], [sflag:$0x5], $0x80, s26, s19, $0xb8;
	[tilespmem:$0x1E100] =	vst v63  }
0xa1: {  	_ =	swait.ge [sflag:s23], $0x4000  }
0xa2: {  	[sflag:s23] =	ssyncset.done $0x0  }
0xa3: {  	s10 =	stileid.u32;
	[sflag:s23] =	ssyncadd.s32 $0xFFFFC000  }
0xa4: {  	s0 =	sshll.u32 s10, $0x6;
	[bflag:$0x0] =	sbarrier.arrive $0xFFFF  }
0xa5: {  	s11 =	sshrl.u32 s6, $0x3;
	s0 =	sor.u32 $0x1C05, s0;
	s17 =	rddreg [dreg:$0x6]  }
0xa6: {  	[hbm:s17], [sflag:s0] =	dma.local [spmem:s11], $0x2700  }
0xa7: {  	_ =	swait.ge [sflag:s23], $0x2700  }
0xa8: {  	s1 =	sadd.s32 $0x1, s1;
	[sflag:s23] =	ssyncset.done $0x0  }
0xa9: {  	p1 =	sne.s32 s1, s13;
	s7 =	sshrl.u32 @!p0 s9, $0x3;
	[sflag:s23] =	ssyncadd.s32 $0xFFFFD900  }
0xaa: {  	[hbm:s12], [sflag:s0] =	dma.local @!p0 [spmem:s7], $0x100  }
.Ltmp2:
0xab: {  	_ = 	snop;
	(pc) =	sbr.rel @p1 .LBB2_1-.Ltmp2, $4  }
0xac: {  	s0 =	simm.s32 @!p0 $0x5  }
0xad: {  	_ =	swait.ge @!p0 [sflag:s0], $0x100  }
0xae: {  	[sflag:s0] =	ssyncset.done @!p0 $0x0  }
0xaf: {  	[sflag:s0] =	ssyncadd.s32 @!p0 $0xFFFFFF00  }
0xb0: {  	_ =	sfence.sel $0x180000  }
0xb1: {  	[bflag:$0x0] =	sbarrier.arrive $0xFFFF  }
0xb2: {  	_ =	strace $0x90000050  }
0xb3: {  	s0 =	stileid.u32;
	[bflag:$0x2] =	sbarrier.arrive $0xFFFF  }
0xb4: {  	p0 =	sne.s32 s0, $0x0;
	s0 =	rddreg [dreg:$0x2]  }
0xb5: {  	s0 =	sadd.s32 @!p0 $0x100000, s0  }
0xb6: {  	[sflag:s0] =	ssyncadd.tile.s32 @!p0 $0x1;
	_ =	shalt  }
.Lfunc_end2:
_tile_overlayer_lowered:
.L_overlay_start_2:
0xb7: {  	(tag) =	ssettag $0x2  }
0xb8: {  	s0 =	rddreg [dreg:$0x0];
	s2 =	stileid.u32  }
0xb9: {  	s1 =	rddreg [dreg:$0x1];
	p0 =	sne.s32 s2, $0x0  }
0xba: {  	s3 =	rddreg [dreg:$0x2];
	[bflag:$0x3] =	sbarrier.arrive $0xFFFF;
	s2 =	simm.s32 @!p0 $0x1C05  }
0xbb: {  	[timem:s3], [sflag:s2] =	dma.local @!p0 [hbm:s0], s1  }
0xbc: {  	s0 =	simm.s32 @!p0 $0x5  }
0xbd: {  	_ =	swait.ge @!p0 [sflag:s0], s1  }
0xbe: {  	s1 =	ssub.s32 @!p0 $0x0, s1;
	[sflag:s0] =	ssyncset.done @!p0 $0x0  }
0xbf: {  	[sflag:s0] =	ssyncadd.s32 @!p0 s1  }
0xc0: {  	[bflag:$0x3] =	sbarrier.arrive $0xFFFF  }
0xc1: {  	_ =	shalt  }

// kernel: kernel.9.cloned.1.call-start
scs
__scs_entry_jumppad:
0x0: {  	(pc) =	sbr.rel $0x88, $3  }
0x1: {  	(tag) =	ssettag $0x0;
	lr =	simm.s32 $0x1  }
0x2: {  	[smem:$0x3F99] =	sst lr;
	_ =	strace $0xD0000000  }
0x3: {  	_ = 	snop  }
0x4: {  	_ = 	snop  }
0x5: {  	_ = 	snop  }
0x6: {  	_ = 	snop  }
0x7: {  	_ = 	snop  }
__scs_overlays_trampoline_lowered:
0x8: {  	[smem:$0x3FA8] =	sst s0  }
0x9: {  	[smem:$0x3FA9] =	sst s1  }
0xa: {  	[smem:$0x3FAA] =	sst s2  }
0xb: {  	[smem:$0x3FAB] =	sst s3  }
0xc: {  	[smem:$0x3FAC] =	sst s4  }
0xd: {  	[smem:$0x3FAD] =	sst s5  }
0xe: {  	[smem:$0x3FAE] =	sst s6  }
0xf: {  	[smem:$0x3FAF] =	sst s7  }
0x10: {  	[smem:$0x3FB0] =	sst s8  }
0x11: {  	[smem:$0x3FB1] =	sst s9;
	s0 =	simm.s32 @!p0 $0x0  }
0x12: {  	s1 =	sld [smem:$0x3F97];
	s0 =	simm.s32 @p0 $0x1  }
0x13: {  	[smem:$0x3FB2] =	sst s0;
	s0 =	simm.s32 @!p1 $0x0  }
0x14: {  	s2 =	sld [smem:$0x3F96];
	s0 =	simm.s32 @p1 $0x1  }
0x15: {  	[smem:$0x3FB3] =	sst s0;
	s0 =	simm.s32 @!p2 $0x0  }
0x16: {  	s3 =	sld [smem:$0x3FDB];
	s0 =	simm.s32 @p2 $0x1  }
0x17: {  	s4 =	simm.s32 $0x1BF5;
	[smem:$0x3FB5] =	sst s0  }
0x18: {  	s0 =	sld [smem:$0x3F98];
	_ =	swait.ge [sflag:s4], $0x0  }
0x19: {  	s7 =	sld [smem:$0x3F99]  }
0x1a: {  	s8 =	sadd.s32 $0xFFFFE003, lr  }
0x1b: {  	s9 =	sadd.s32 $0xFFFFFEF7, lr;
	s5 =	simm.s32 $0xFFFFFFFF;
	p2 =	slt.u32 s8, $0xFFFFF086  }
0x1c: {  	p1 =	slt.u32 s9, $0xF7A;
	s5 =	simm.s32 @!p2 $0x0  }
0x1d: {  	s5 =	simm.s32 @p1 $0x1;
	p0 =	seq.s32 s7, s2  }
0x1e: {  	s7 =	smul.u32 @!p0 $0xF7A, s2;
	p2 =	seq.s32 @!p0 s5, $0x0  }
0x1f: {  	s9 =	smul.u32 $0xF7A, s1;
	s8 =	simm.s32 @!p0 $0x1BF5;
	p2 =	por !p2, p0  }
0x20: {  	[sflag:s8] =	ssyncset.s32 @!p0 $0xFFFFF086;
	s6 =	sadd.s32 @!p0 s3, s7;
	s7 =	simm.s32 @!p0 $0x108  }
0x21: {  	s3 =	sadd.s32 s3, s9;
	s6 =	sadd.s32 @!p0 $0x88, s6;
	s7 =	simm.s32 @p2 $0x1082  }
0x22: {  	[simem:s7], [sflag:s8] =	dma.local @!p0 [hbm:s6], $0xF7A  }
0x23: {  	s9 =	sor.u32 $0xD0000000, s2;
	s6 =	simm.s32 $0x108;
	_ =	swait.ge @!p0 [sflag:s8], $0x0  }
0x24: {  	s3 =	sadd.s32 $0x88, s3;
	s6 =	simm.s32 @!p1 $0x1082;
	[sflag:s4] =	ssyncset.s32 $0xFFFFF086  }
0x25: {  	[simem:s6], [sflag:s4] =	dma.local [hbm:s3], $0xF7A  }
0x26: {  	[smem:$0x3F99] =	sst s1;
	(tag) =	ssettag s2;
	_ =	strace s9  }
0x27: {  	s1 =	sld [smem:$0x3FA9]  }
0x28: {  	s2 =	sld [smem:$0x3FAA]  }
0x29: {  	s4 =	sld [smem:$0x3FAC]  }
0x2a: {  	p0 =	seq.s32 s5, $0x0;
	s5 =	sld [smem:$0x3FAD]  }
0x2b: {  	s6 =	sld [smem:$0x3FAE]  }
0x2c: {  	s7 =	sld [smem:$0x3FAF]  }
0x2d: {  	s3 =	simm.s32 $0x108;
	s8 =	sld [smem:$0x3FB0]  }
0x2e: {  	s3 =	simm.s32 @!p0 $0x1082;
	s9 =	sld [smem:$0x3FB1]  }
0x2f: {  	lr =	sadd.s32 s0, s3;
	s0 =	sld [smem:$0x3FA8]  }
0x30: {  	s3 =	sld [smem:$0x3FAB]  }
0x31: {  	[smem:$0x3FB4] =	sst s10  }
0x32: {  	s10 =	sld [smem:$0x3FB2];
	_ =	sdelay $0x3  }
0x33: {  	p0 =	seq.s32 s10, $0x1;
	s10 =	sld [smem:$0x3FB4];
	_ =	sdelay $0x3  }
0x34: {  	[smem:$0x3FB4] =	sst s10  }
0x35: {  	s10 =	sld [smem:$0x3FB3];
	_ =	sdelay $0x3  }
0x36: {  	p1 =	seq.s32 s10, $0x1;
	s10 =	sld [smem:$0x3FB4];
	_ =	sdelay $0x3  }
0x37: {  	[smem:$0x3FB4] =	sst s10  }
0x38: {  	s10 =	sld [smem:$0x3FB5]  }
0x39: {  	_ = 	snop;
	(pc) =	sbr.ind lr, $3  }
0x3a: {  	_ = 	snop  }
0x3b: {  	_ = 	snop  }
0x3c: {  	p2 =	seq.s32 s10, $0x1;
	s10 =	sld [smem:$0x3FB4]  }
0x3d: {  	_ =	shalt  }
0x3e: {  	_ =	shalt  }
0x3f: {  	_ =	shalt  }
0x40: {  	_ =	shalt  }
0x41: {  	_ =	shalt  }
0x42: {  	_ =	shalt  }
0x43: {  	_ =	shalt  }
0x44: {  	_ =	shalt  }
0x45: {  	_ =	shalt  }
0x46: {  	_ =	shalt  }
0x47: {  	_ =	shalt  }
0x48: {  	_ =	shalt  }
0x49: {  	_ =	shalt  }
0x4a: {  	_ =	shalt  }
0x4b: {  	_ =	shalt  }
0x4c: {  	_ =	shalt  }
0x4d: {  	_ =	shalt  }
0x4e: {  	_ =	shalt  }
0x4f: {  	_ =	shalt  }
0x50: {  	_ =	shalt  }
0x51: {  	_ =	shalt  }
0x52: {  	_ =	shalt  }
0x53: {  	_ =	shalt  }
0x54: {  	_ =	shalt  }
0x55: {  	_ =	shalt  }
0x56: {  	_ =	shalt  }
0x57: {  	_ =	shalt  }
0x58: {  	_ =	shalt  }
0x59: {  	_ =	shalt  }
0x5a: {  	_ =	shalt  }
0x5b: {  	_ =	shalt  }
0x5c: {  	_ =	shalt  }
0x5d: {  	_ =	shalt  }
0x5e: {  	_ =	shalt  }
0x5f: {  	_ =	shalt  }
0x60: {  	_ =	shalt  }
0x61: {  	_ =	shalt  }
0x62: {  	_ =	shalt  }
0x63: {  	_ =	shalt  }
0x64: {  	_ =	shalt  }
0x65: {  	_ =	shalt  }
0x66: {  	_ =	shalt  }
0x67: {  	_ =	shalt  }
0x68: {  	_ =	shalt  }
0x69: {  	_ =	shalt  }
0x6a: {  	_ =	shalt  }
0x6b: {  	_ =	shalt  }
0x6c: {  	_ =	shalt  }
0x6d: {  	_ =	shalt  }
0x6e: {  	_ =	shalt  }
0x6f: {  	_ =	shalt  }
0x70: {  	_ =	shalt  }
0x71: {  	_ =	shalt  }
0x72: {  	_ =	shalt  }
0x73: {  	_ =	shalt  }
0x74: {  	_ =	shalt  }
0x75: {  	_ =	shalt  }
0x76: {  	_ =	shalt  }
0x77: {  	_ =	shalt  }
0x78: {  	_ =	shalt  }
0x79: {  	_ =	shalt  }
0x7a: {  	_ =	shalt  }
0x7b: {  	_ =	shalt  }
0x7c: {  	_ =	shalt  }
0x7d: {  	_ =	shalt  }
0x7e: {  	_ =	shalt  }
0x7f: {  	_ =	shalt  }
0x80: {  	_ =	shalt  }
0x81: {  	_ =	shalt  }
0x82: {  	_ =	shalt  }
0x83: {  	_ =	shalt  }
0x84: {  	_ =	shalt  }
0x85: {  	_ =	shalt  }
0x86: {  	_ =	shalt  }
0x87: {  	_ =	shalt  }
.Lfunc_end0:
.L_simem_size_0:
called_computation_lowered:
.L_overlay_start_0:
0x88: {  	s2 =	sld [smem:$0x3FD9]  }
0x89: {  	s3 =	sld [smem:$0x3FFE];
	_ =	sdelay $0x1  }
0x8a: {  	s1 =	srdreg.scid  }
0x8b: {  	s0 =	sand.u32 $0x1, s1  }
0x8c: {  	s16 =	sshll.u32 s0, $0xA;
	s2 =	sadd.s32 s3, s2  }
0x8d: {  	s2 =	sadd.s32 s2, s16  }
0x8e: {  	[smem:$0x3FC0] =	sst s2  }
0x8f: {  	_ = 	snop  }
0x90: {  	(tm) =	ssettm $0x1  }
0x91: {  	s17 =	sld [smem:$0x3FFB];
	_ =	sdelay $0x3  }
0x92: {  	_ =	strace s17  }
0x93: {  	s2 =	sld [smem:$0x3FFC];
	_ =	sdelay $0x3  }
0x94: {  	_ =	strace s2  }
0x95: {  	s2 =	sld [smem:$0x3FFD];
	_ =	sdelay $0x3  }
0x96: {  	_ =	strace s2  }
0x97: {  	_ =	strace $0x8FFFFFFF  }
0x98: {  	s18 =	sld [smem:$0x3FDB];
	_ =	sdelay $0x1  }
0x99: {  	s19 =	simm.s32 $_scs_section_size  }
0x9a: {  	s4 =	simm.s32 $_size__tile_overlayer_lowered;
	s5 =	simm.s32 $_tile_overlayer_lowered  }
0x9b: {  	s22 =	simm.s32 $0x1BFF;
	s21 =	sshll.u32 s5, $0x1;
	s2 =	sadd.s32 s19, s18  }
0x9c: {  	s6 =	simm.s32 $0x0;
	s20 =	sshll.u32 s4, $0x1;
	s4 =	sadd.s32 s21, s2  }
0x9d: {  	[timem:s6], [sflag:s22] =	dma.local [hbm:s4], s20  }
0x9e: {  	_ =	swait.ge [sflag:s22], s20  }
0x9f: {  	s3 =	ssub.s32 $0x0, s20;
	[sflag:s22] =	ssyncset.done $0x0  }
0xa0: {  	[sflag:s22] =	ssyncadd.s32 s3;
	_ =	sdelay $0x1  }
0xa1: {  	s23 =	simm.s32 $0x1B8B  }
0xa2: {  	_ =	swait.ge [sflag:s23], $0x1  }
0xa3: {  	[sflag:s23] =	ssyncset.done $0x0  }
0xa4: {  	s25 =	simm.s32 $0x1B8E;
	s24 =	sld [smem:$0x3FFE];
	[sflag:s23] =	ssyncadd.s32 $0xFFFFFFFF  }
0xa5: {  	s26 =	simm.s32 $execute0_lowered;
	[smem:$0x3FD2] =	sst s25  }
0xa6: {  	s4 =	sshll.u32 s26, $0x1;
	_ =	strace $0x80000046;
	[dreg:$0x1] =	wrdreg $0xFFFFFFFF  }
0xa7: {  	s28 =	simm.s32 $_size_execute0_lowered;
	s2 =	sadd.s32 s2, s4;
	[dreg:$0x0] =	wrdreg $0x0  }
0xa8: {  	s4 =	sshll.u32 s28, $0x1;
	[dreg:$0x2] =	wrdreg s2  }
0xa9: {  	[dreg:$0x3] =	wrdreg s4  }
0xaa: {  	[dreg:$0x4] =	wrdreg $0xC0  }
0xab: {  	_ =	task [dreg:s6], $0x5FFFF  }
0xac: {  	[dreg:$0x1] =	wrdreg $0xFFFFFFFF  }
0xad: {  	[dreg:$0x0] =	wrdreg $0x60  }
0xae: {  	[dreg:$0x2] =	wrdreg s24  }
0xaf: {  	[dreg:$0x3] =	wrdreg $0x9  }
0xb0: {  	_ =	task.clear_ibuf [dreg:s6], $0x4FFFF;
	_ =	strace $0x90000046  }
0xb1: {  	s29 =	simm.s32 $0x9;
	_ =	strace $0x80000048  }
0xb2: {  	_ =	swait.ge [sflag:s29], $0x1  }
0xb3: {  	[sflag:s29] =	ssyncadd.s32 $0xFFFFFFFF  }
0xb4: {  	_ =	strace $0x90000048  }
0xb5: {  	_ =	sfence  }
0xb6: {  	s30 =	sld [smem:$0x0];
	_ =	sdelay $0x2  }
0xb7: {  	s31 =	sshll.u32 s1, $0xD;
	s1 =	sshrl.u32 s1, $0x2  }
0xb8: {  	s3 =	sand.u32 $0x4000, s31;
	s1 =	sadd.s32 s1, s30  }
0xb9: {  	s0 =	sor.u32 s3, s0;
	s1 =	sshll.u32 s1, $0x11  }
0xba: {  	s0 =	sor.u32 s1, s0  }
0xbb: {  	s0 =	sadd.s32 $0x8F2B, s0  }
0xbc: {  	[sflag:s0] =	ssyncadd.remote.s32 $0x1  }
0xbd: {  	_ =	sfence.sel $0xFFFF  }
0xbe: {  	[dreg:$0x0] =	wrdreg $0xFFFFFFFF;
	(pc) =	sbr.abs _section_cstart, $3  }
0xbf: {  	[dreg:$0x1] =	wrdreg $0xFFFFFFFF  }
0xc0: {  	_ =	task.clear_ibuf [dreg:s6], $0x2FFFF;
	_ =	strace $0x9FFFFFFF  }
0xc1: {  	(tm) =	ssettm $0x7FFFFFFF  }
tec
execute0_lowered:
.L_overlay_start_1:
0x0: {  	(tag) =	ssettag $0x1  }
0x1: {  	s1 =	srdreg.scid;
	s0 =	stileid.u32  }
0x2: {  	s3 =	rddreg [dreg:$0x0];
	s2 =	simm.s32 $0x0;
	s8 =	simm.s32 $0x4F00  }
0x3: {  	s9 =	simm.s32 $0x1;
	s10 =	simm.s32 $0x8F00;
	s11 =	simm.s32 $0x2780  }
0x4: {  	s12 =	simm.s32 $0x80;
	s13 =	simm.s32 $0x100;
	s14 =	simm.s32 $0x0  }
0x5: {  	s4 =	sand.u32 $0x1, s1;
	s5 =	sshll.u32 s0, $0x1;
	s1 =	rddreg [dreg:$0x1]  }
0x6: {  	[smem:$0x7FF] =	sst s2;
	s5 =	sor.u32 s4, s5;
	s4 =	ssub.s32 $0x2, s4  }
0x7: {  	s6 =	smul.u32 $0x9E0, s5;
	s5 =	sshll.u32 s5, $0xB;
	s7 =	sshrl.u32 s4, $0x1  }
0x8: {  	_ =	strace $0x80000047;
	s5 =	sadd.s32 s5, s3;
	s7 =	ssub.s32 s4, s7  }
0x9: {  	s6 =	sadd.s32 s6, s3;
	s3 =	sadd.s32 $0x2E00, s5;
	s4 =	sadd.s32 $0x12E00, s5  }
0xa: {  	v0 =	vimm.f32 $0.0e+00;
	v1 =	vimm.f32 $1.000000000e+00;
	s7 =	smax.u32 s7, $0x1;
	s5 =	sadd.s32 $0x22E00, s6;
	s6 =	sadd.s32 $0x22E10, s6  }
.LBB2_1:
0xb: {  	[tilespmem:s8], [sflag:$0x1] =	stream.linear.gather [hbm4b:s3+s2], $0x3E80, $0x38;
	[tilespmem:$0xCF00] =	vst v63  }
0xc: {  	_ =	swait.ge [sflag:s9], $0x3E80  }
0xd: {  	[sflag:s9] =	ssyncset.done $0x0  }
0xe: {  	[sflag:s9] =	ssyncadd.s32 $0xFFFFC180  }
0xf: {  	[tilespmem:s10], [sflag:$0x1] =	stream.linear.gather [hbm4b:s4+s2], $0x3E80, $0x38;
	[tilespmem:$0xCF00] =	vst v63  }
0x10: {  	_ =	swait.ge [sflag:s9], $0x3E80  }
0x11: {  	[sflag:s9] =	ssyncset.done $0x0  }
0x12: {  	s15 =	simm.s32 $0x0;
	[sflag:s9] =	ssyncadd.s32 $0xFFFFC180  }
.LBB2_2:
0x13: {  	p0 =	sne.s32 s15, $0x9C00  }
.Ltmp0:
0x14: {  	_ = 	snop;
	(pc) =	sbr.rel @p0 .LBB2_2-.Ltmp0, $4  }
0x15: {  	_ = 	snop  }
0x16: {  	s16 =	sshra.s32 s15, $0x2  }
0x17: {  	[tilespmem:s16+$0x0] =	vst v0  }
0x18: {  	s15 =	sadd.s32 $0x40, s15;
	[tilespmem:s16+$0x2780] =	vst v0  }
0x19: {  	s15 =	simm.s32 $0x0  }
.LBB2_4:
0x1a: {  	s16 =	sshra.s32 s15, $0x2  }
0x1b: {  	v2 =	vld [tilespmem:s16+$0x4F00];
	_ =	sdelay $0x7  }
0x1c: {  	[tilespmem:v2+s2+$0x0] =	vst.idx.add.f32.msk $0xffff, v1  }
0x1d: {  	v2 =	vld [tilespmem:s16+$0x8F00];
	_ =	sdelay $0x7  }
0x1e: {  	[tilespmem:v2+s11+$0x0] =	vst.idx.add.f32.msk $0xffff, v1  }
0x1f: {  	v2 =	vld [tilespmem:s16+$0x4F10];
	_ =	sdelay $0x7  }
0x20: {  	[tilespmem:v2+s2+$0x0] =	vst.idx.add.f32.msk $0xffff, v1  }
0x21: {  	v2 =	vld [tilespmem:s16+$0x8F10];
	_ =	sdelay $0x7  }
0x22: {  	[tilespmem:v2+s11+$0x0] =	vst.idx.add.f32.msk $0xffff, v1  }
0x23: {  	v2 =	vld [tilespmem:s16+$0x4F20];
	_ =	sdelay $0x7  }
0x24: {  	[tilespmem:v2+s2+$0x0] =	vst.idx.add.f32.msk $0xffff, v1  }
0x25: {  	v2 =	vld [tilespmem:s16+$0x8F20];
	_ =	sdelay $0x7  }
0x26: {  	[tilespmem:v2+s11+$0x0] =	vst.idx.add.f32.msk $0xffff, v1  }
0x27: {  	v2 =	vld [tilespmem:s16+$0x4F30];
	_ =	sdelay $0x7  }
0x28: {  	[tilespmem:v2+s2+$0x0] =	vst.idx.add.f32.msk $0xffff, v1  }
0x29: {  	v2 =	vld [tilespmem:s16+$0x8F30];
	_ =	sdelay $0x7  }
0x2a: {  	[tilespmem:v2+s11+$0x0] =	vst.idx.add.f32.msk $0xffff, v1  }
0x2b: {  	v2 =	vld [tilespmem:s16+$0x4F40];
	_ =	sdelay $0x7  }
0x2c: {  	[tilespmem:v2+s2+$0x0] =	vst.idx.add.f32.msk $0xffff, v1  }
0x2d: {  	v2 =	vld [tilespmem:s16+$0x8F40];
	_ =	sdelay $0x2  }
0x2e: {  	p0 =	sne.s32 s15, $0xF800  }
.Ltmp1:
0x2f: {  	_ = 	snop;
	(pc) =	sbr.rel @p0 .LBB2_4-.Ltmp1, $2  }
0x30: {  	_ =	sdelay $0x2  }
0x31: {  	s15 =	sadd.s32 $0x200, s15;
	[tilespmem:v2+s11+$0x0] =	vst.idx.add.f32.msk $0xffff, v1  }
0x32: {  	[hbm4b:s5+s12] =	stream.strided.scatter [tilespmem:s2], [sflag:$0x1], $0x2780, s13, s12, $0x38;
	[tilespmem:$0xCF00] =	vst v63  }
0x33: {  	s14 =	sadd.s32 $0x1, s14;
	_ =	swait.ge [sflag:s9], $0x2780  }
0x34: {  	p0 =	sne.s32 s14, s7;
	[sflag:s9] =	ssyncset.done $0x0  }
.Ltmp2:
0x35: {  	[sflag:s9] =	ssyncadd.s32 $0xFFFFD880;
	(pc) =	sbr.rel @p0 .LBB2_1-.Ltmp2, $4  }
0x36: {  	[hbm4b:s6+s12] =	stream.strided.scatter [tilespmem:s11], [sflag:$0x1], $0x2780, s13, s12, $0x38;
	[tilespmem:$0xCF00] =	vst v63  }
0x37: {  	_ =	swait.ge [sflag:s9], $0x2780  }
0x38: {  	[sflag:s9] =	ssyncset.done $0x0  }
0x39: {  	[sflag:s9] =	ssyncadd.s32 $0xFFFFD880  }
0x3a: {  	_ =	sfence.sel $0x180000  }
0x3b: {  	[bflag:$0x0] =	sbarrier.arrive $0xFFFF  }
0x3c: {  	p0 =	sne.s32 s0, $0x0;
	_ =	strace $0x90000047  }
0x3d: {  	s0 =	sadd.s32 @!p0 $0x100000, s1;
	[bflag:$0x2] =	sbarrier.arrive $0xFFFF  }
0x3e: {  	[sflag:s0] =	ssyncadd.tile.s32 @!p0 $0x1;
	_ =	shalt  }
.Lfunc_end2:
_tile_overlayer_lowered:
.L_overlay_start_2:
0x3f: {  	(tag) =	ssettag $0x2  }
0x40: {  	s0 =	rddreg [dreg:$0x0];
	s2 =	stileid.u32  }
0x41: {  	s1 =	rddreg [dreg:$0x1];
	p0 =	sne.s32 s2, $0x0  }
0x42: {  	s3 =	rddreg [dreg:$0x2];
	[bflag:$0x3] =	sbarrier.arrive $0xFFFF;
	s2 =	simm.s32 @!p0 $0x1C01  }
0x43: {  	[timem:s3], [sflag:s2] =	dma.local @!p0 [hbm:s0], s1  }
0x44: {  	s0 =	simm.s32 @!p0 $0x1  }
0x45: {  	_ =	swait.ge @!p0 [sflag:s0], s1  }
0x46: {  	s1 =	ssub.s32 @!p0 $0x0, s1;
	[sflag:s0] =	ssyncset.done @!p0 $0x0  }
0x47: {  	[sflag:s0] =	ssyncadd.s32 @!p0 s1  }
0x48: {  	[bflag:$0x3] =	sbarrier.arrive $0xFFFF  }
0x49: {  	_ =	shalt  }

</sc_bundles>
